<compile_context>
chip_gen: v7x
topology: tpu7x:2x2x1
jax: 0.10.2.dev20260603
libtpu: 0.0.44.dev20260713+nightly
codegen_flags: <defaults>
</compile_context>

<pallas_src>
import functools

import jax
import jax.numpy as jnp
from jax import lax
from jax.experimental import pallas as pl
from jax.experimental.pallas import tpu as pltpu
from jax.experimental.pallas import tpu_sc as plsc

_N = 10000
_E = 160000
_D = 256
_C = 40
_HALF = 128
_NC = 2
_NS = 16
_NPAD = 10240
_K = 125
_NCH = 80
_G = 40
_NG = _NCH // _G
_RPT = _NPAD // _NS
_RB = 1000


def _segsum_sc(h_flat, src_idx, dst_idx, zeros):
    mesh = plsc.VectorSubcoreMesh(core_axis_name="c", subcore_axis_name="s")

    @functools.partial(
        pl.kernel,
        mesh=mesh,
        out_type=jax.ShapeDtypeStruct((_NC * _NPAD, _HALF), jnp.float32),
        scratch_types=[
            pltpu.VMEM((_G, _K), jnp.int32),
            pltpu.VMEM((_G, _K), jnp.int32),
            pltpu.VMEM((_K, _HALF), jnp.float32),
            pltpu.VMEM((_K, _HALF), jnp.float32),
            pltpu.VMEM_SHARED((_NPAD, _HALF), jnp.float32),
        ],
    )
    def seg(h_hbm, src_hbm, dst_hbm, z_hbm, out_hbm,
            srcv, dstv, buf0, buf1, acc):
        c = lax.axis_index("c")
        s = lax.axis_index("s")

        @functools.partial(pl.run_scoped, zsem=pltpu.SemaphoreType.DMA)
        def _(zsem):
            zero = pltpu.make_async_copy(z_hbm.at[pl.ds(s * _RPT, _RPT)],
                                         acc.at[pl.ds(s * _RPT, _RPT)], zsem)
            zero.start()
            pltpu.sync_copy(src_hbm.at[c, s, pl.ds(0, _G)], srcv)
            pltpu.sync_copy(dst_hbm.at[s, pl.ds(0, _G)], dstv)
            zero.wait()

        plsc.subcore_barrier()

        @functools.partial(pl.run_scoped,
                           sem0=pltpu.SemaphoreType.DMA,
                           sem1=pltpu.SemaphoreType.DMA)
        def _(sem0, sem1):
            def gather(j, buf, sem):
                return pltpu.make_async_copy(h_hbm.at[srcv.at[j]], buf, sem)

            def group(g, carry):
                @pl.when(g > 0)
                def _():
                    pltpu.sync_copy(src_hbm.at[c, s, pl.ds(g * _G, _G)],
                                    srcv)
                    pltpu.sync_copy(dst_hbm.at[s, pl.ds(g * _G, _G)], dstv)
                gather(0, buf0, sem0).start()

                def pair(i, carry):
                    j0 = 2 * i
                    gather(j0, buf0, sem0).wait()
                    gather(j0 + 1, buf1, sem1).start()
                    pltpu.sync_copy(buf0, acc.at[dstv.at[j0]], add=True)
                    gather(lax.min(j0 + 2, _G - 1), buf0, sem0).start()
                    gather(j0 + 1, buf1, sem1).wait()
                    pltpu.sync_copy(buf1, acc.at[dstv.at[j0 + 1]], add=True)
                    return carry

                lax.fori_loop(0, _G // 2, pair, 0)
                gather(_G - 1, buf0, sem0).wait()
                return carry

            lax.fori_loop(0, _NG, group, 0)

        plsc.subcore_barrier()
        pltpu.sync_copy(acc.at[pl.ds(s * _RPT, _RPT)],
                        out_hbm.at[pl.ds(c * _NPAD + s * _RPT, _RPT)])

    return seg(h_flat, src_idx, dst_idx, zeros)


def _tc_layer(h_split, agg_split, w_split, b_row):
    def body(h_ref, a_ref, w_ref, b_ref, o_ref):
        x0 = h_ref[0] + a_ref[0]
        x1 = h_ref[1] + a_ref[1]
        z = jnp.dot(x0, w_ref[0], preferred_element_type=jnp.float32)
        z = z + jnp.dot(x1, w_ref[1], preferred_element_type=jnp.float32)
        z = jnp.maximum(z + b_ref[0], 0.0)
        o_ref[0] = z[:, :_HALF]
        o_ref[1] = z[:, _HALF:]

    return pl.pallas_call(
        body,
        grid=(_N // _RB,),
        in_specs=[
            pl.BlockSpec((_NC, _RB, _HALF), lambda i: (0, i, 0)),
            pl.BlockSpec((_NC, _RB, _HALF), lambda i: (0, i, 0)),
            pl.BlockSpec((_NC, _HALF, _D), lambda i: (0, 0, 0)),
            pl.BlockSpec((1, _D), lambda i: (0, 0)),
        ],
        out_specs=pl.BlockSpec((_NC, _RB, _HALF), lambda i: (0, i, 0)),
        out_shape=jax.ShapeDtypeStruct((_NC, _NPAD, _HALF), jnp.float32),
    )(h_split, agg_split, w_split, b_row)


def _tc_final(h_split, agg_split, w_split, b_row, wfc, bfc_row):
    def body(h_ref, a_ref, w_ref, b_ref, wfc_ref, bfc_ref, o_ref):
        x0 = h_ref[0] + a_ref[0]
        x1 = h_ref[1] + a_ref[1]
        z = jnp.dot(x0, w_ref[0], preferred_element_type=jnp.float32)
        z = z + jnp.dot(x1, w_ref[1], preferred_element_type=jnp.float32)
        z = jnp.maximum(z + b_ref[0], 0.0)
        o_ref[...] = (jnp.dot(z, wfc_ref[...], preferred_element_type=jnp.float32)
                      + bfc_ref[0])

    return pl.pallas_call(
        body,
        grid=(_N // _RB,),
        in_specs=[
            pl.BlockSpec((_NC, _RB, _HALF), lambda i: (0, i, 0)),
            pl.BlockSpec((_NC, _RB, _HALF), lambda i: (0, i, 0)),
            pl.BlockSpec((_NC, _HALF, _D), lambda i: (0, 0, 0)),
            pl.BlockSpec((1, _D), lambda i: (0, 0)),
            pl.BlockSpec((_D, _C), lambda i: (0, 0)),
            pl.BlockSpec((1, _C), lambda i: (0, 0)),
        ],
        out_specs=pl.BlockSpec((_RB, _C), lambda i: (i, 0)),
        out_shape=jax.ShapeDtypeStruct((_N, _C), jnp.float32),
    )(h_split, agg_split, w_split, b_row, wfc, bfc_row)


def _tc_layer0(x, agg_split, w_split, b_row):
    def body(h_ref, a_ref, w_ref, b_ref, o_ref):
        hx = h_ref[...]
        x0 = hx[:, :_HALF] + a_ref[0]
        x1 = hx[:, _HALF:] + a_ref[1]
        z = jnp.dot(x0, w_ref[0], preferred_element_type=jnp.float32)
        z = z + jnp.dot(x1, w_ref[1], preferred_element_type=jnp.float32)
        z = jnp.maximum(z + b_ref[0], 0.0)
        o_ref[0] = z[:, :_HALF]
        o_ref[1] = z[:, _HALF:]

    return pl.pallas_call(
        body,
        grid=(_N // _RB,),
        in_specs=[
            pl.BlockSpec((_RB, _D), lambda i: (i, 0)),
            pl.BlockSpec((_NC, _RB, _HALF), lambda i: (0, i, 0)),
            pl.BlockSpec((_NC, _HALF, _D), lambda i: (0, 0, 0)),
            pl.BlockSpec((1, _D), lambda i: (0, 0)),
        ],
        out_specs=pl.BlockSpec((_NC, _RB, _HALF), lambda i: (0, i, 0)),
        out_shape=jax.ShapeDtypeStruct((_NC, _NPAD, _HALF), jnp.float32),
    )(x, agg_split, w_split, b_row)


def kernel(x, edge_index, W0, b0, W1, b1, W2, b2, W3, b3, Wfc, bfc):
    src = edge_index[0]
    dst = edge_index[1]
    srcg = jnp.reshape(jnp.stack([src, src + _NPAD]), (_NC, _NS, _NCH, _K))
    dstg = jnp.reshape(dst, (_NS, _NCH, _K))
    zeros = jnp.zeros((_NPAD, _HALF), jnp.float32)

    srcg0 = jnp.reshape(jnp.stack([2 * src, 2 * src + 1]),
                        (_NC, _NS, _NCH, _K))
    agg = _segsum_sc(jnp.reshape(x, (_NC * _N, _HALF)), srcg0, dstg, zeros)
    h = jnp.reshape(
        _tc_layer0(x,
                   jnp.reshape(agg, (_NC, _NPAD, _HALF)),
                   jnp.reshape(W0, (_NC, _HALF, _D)),
                   jnp.reshape(b0, (1, _D))),
        (_NC * _NPAD, _HALF))

    for W, b in ((W1, b1), (W2, b2)):
        agg = _segsum_sc(h, srcg, dstg, zeros)
        h = jnp.reshape(
            _tc_layer(jnp.reshape(h, (_NC, _NPAD, _HALF)),
                      jnp.reshape(agg, (_NC, _NPAD, _HALF)),
                      jnp.reshape(W, (_NC, _HALF, _D)),
                      jnp.reshape(b, (1, _D))),
            (_NC * _NPAD, _HALF))

    agg = _segsum_sc(h, srcg, dstg, zeros)
    return _tc_final(jnp.reshape(h, (_NC, _NPAD, _HALF)),
                     jnp.reshape(agg, (_NC, _NPAD, _HALF)),
                     jnp.reshape(W3, (_NC, _HALF, _D)),
                     jnp.reshape(b3, (1, _D)),
                     Wfc,
                     jnp.reshape(bfc, (1, _C)))

# --- scband reference (transcript-rebuilt; emitter-appended) ---
"""Pipeline reference for scband-ginmodel-90460601188831 (READ-ONLY COPY).

The authoritative reference and input builder live on the scoring server;
editing this copy changes nothing except your own understanding.
"""

import jax, jax.numpy as jnp
import numpy as np

N = 10000
E = 160000
D = 256
H = 256
FC = 256
C = 40


def _linear_init(key, fan_in, fan_out):
    k1, k2 = jax.random.split(key)
    bound = 1.0 / np.sqrt(fan_in)
    W = jax.random.uniform(k1, (fan_in, fan_out), minval=-bound, maxval=bound, dtype=jnp.float32)
    b = jax.random.uniform(k2, (fan_out,), minval=-bound, maxval=bound, dtype=jnp.float32)
    return W, b


def setup_inputs(seed: int = 0) -> dict:
    key = jax.random.key(seed)
    ks = jax.random.split(key, 8)
    x = jax.random.normal(ks[0], (N, D), dtype=jnp.float32)
    edge_index = jax.random.randint(ks[1], (2, E), 0, N, dtype=jnp.int32)
    W0, b0 = _linear_init(ks[2], D, H)
    W1, b1 = _linear_init(ks[3], H, H)
    W2, b2 = _linear_init(ks[4], H, H)
    W3, b3 = _linear_init(ks[5], H, FC)
    Wfc, bfc = _linear_init(ks[6], FC, C)
    return {"x": x, "edge_index": edge_index,
            "W0": W0, "b0": b0, "W1": W1, "b1": b1,
            "W2": W2, "b2": b2, "W3": W3, "b3": b3,
            "Wfc": Wfc, "bfc": bfc}


def reference(x, edge_index, W0, b0, W1, b1, W2, b2, W3, b3, Wfc, bfc):
    src = edge_index[0]
    dst = edge_index[1]

    def gin_conv(h, W, b):
        # DGL GINConv, aggregator 'sum', eps=0 (default, not learned):
        # rst = (1 + eps) * h_dst + sum_{j in in-neighbors} h_j ; then apply_func (Linear)
        agg = jax.ops.segment_sum(h[src], dst, num_segments=N)
        return (h + agg) @ W + b

    h = jax.nn.relu(gin_conv(x, W0, b0))   # dropout is identity at inference
    h = jax.nn.relu(gin_conv(h, W1, b1))
    h = jax.nn.relu(gin_conv(h, W2, b2))
    h = jax.nn.relu(gin_conv(h, W3, b3))   # final_layer + relu
    out = h @ Wfc + bfc
    return jnp.squeeze(out)

if __name__ == "__main__":
    import jax
    _d = setup_inputs()
    print(jax.jit(kernel)(*tuple(_d.values())))

</pallas_src>

<mosaic_0001>
#map = affine_map<(d0, d1) -> (0, 0)>
#map1 = affine_map<(d0, d1) -> (0, 0, 0, 0)>
#map2 = affine_map<(d0, d1) -> (0, 0, 0)>
module attributes {stable_mosaic.version = 14 : i64} {
  func.func @seg(%arg0: i32, %arg1: i32, %arg2: memref<20480x128xf32, #tpu.memory_space<hbm>>, %arg3: memref<2x16x80x125xi32, #tpu.memory_space<hbm>>, %arg4: memref<16x80x125xi32, #tpu.memory_space<hbm>>, %arg5: memref<10240x128xf32, #tpu.memory_space<hbm>>, %arg6: memref<20480x128xf32, #tpu.memory_space<hbm>>, %arg7: memref<40x125xi32, #tpu.memory_space<vmem>>, %arg8: memref<40x125xi32, #tpu.memory_space<vmem>>, %arg9: memref<125x128xf32, #tpu.memory_space<vmem>>, %arg10: memref<125x128xf32, #tpu.memory_space<vmem>>, %arg11: memref<10240x128xf32, #tpu.memory_space<vmem_shared>>) attributes {dimension_semantics = [#tpu.dimension_semantics<core_parallel>, #tpu.dimension_semantics<subcore_parallel>], iteration_bounds = array<i64: 2, 16>, scalar_prefetch = 0 : i64, scratch_operands = 5 : i64, tpu.core_type = #tpu.core_type<sc_vector_subcore>, window_params = [{transform_indices = #map}, {transform_indices = #map1}, {transform_indices = #map2}, {transform_indices = #map}, {transform_indices = #map}]} {
    "tpu.region"() ({
      %run_scoped3A = tpu.sem_alloc : memref<!tpu.dma_semaphore, #tpu.memory_space<semaphore_mem>>
      %mul3A_6 = arith.constant 640 : i32
      %mul3A_7 = arith.muli %arg1, %mul3A_6 : i32
      %mul3A_8 = arith.constant 640 : i32
      %mul3A_9 = arith.muli %arg1, %mul3A_8 : i32
      %dma_start3A = arith.constant 0 : i32
      %dma_start3A_10 = tpu.memref_slice %arg11[%mul3A_9, %dma_start3A] : memref<10240x128xf32, #tpu.memory_space<vmem_shared>> -> memref<640x128xf32, #tpu.memory_space<vmem_shared>>
      %dma_start3A_11 = arith.constant 0 : i32
      %dma_start3A_12 = tpu.memref_slice %arg5[%mul3A_7, %dma_start3A_11] : memref<10240x128xf32, #tpu.memory_space<hbm>> -> memref<640x128xf32, #tpu.memory_space<hbm>>
      tpu.enqueue_dma source(%dma_start3A_12 : memref<640x128xf32, #tpu.memory_space<hbm>>) target(%dma_start3A_10 : memref<640x128xf32, #tpu.memory_space<vmem_shared>>) target_semaphore(%run_scoped3A : memref<!tpu.dma_semaphore, #tpu.memory_space<semaphore_mem>>)
      "tpu.region"() ({
        %run_scoped3A_16 = tpu.sem_alloc : memref<!tpu.dma_semaphore, #tpu.memory_space<semaphore_mem>>
        %dma_start3A_17 = arith.constant 0 : i32
        %dma_start3A_18 = arith.constant 0 : i32
        %dma_start3A_19 = tpu.memref_slice %arg3[%arg0, %arg1, %dma_start3A_17, %dma_start3A_18] : memref<2x16x80x125xi32, #tpu.memory_space<hbm>> -> memref<1x1x40x125xi32, #tpu.memory_space<hbm>>
        %dma_start3A_20 = tpu.memref_squeeze %dma_start3A_19 : memref<1x1x40x125xi32, #tpu.memory_space<hbm>> -> memref<40x125xi32, #tpu.memory_space<hbm>>
        %dma_start3A_21 = arith.constant 0 : i32
        %dma_start3A_22 = arith.constant 0 : i32
        %dma_start3A_23 = tpu.memref_slice %arg3[%arg0, %arg1, %dma_start3A_21, %dma_start3A_22] : memref<2x16x80x125xi32, #tpu.memory_space<hbm>> -> memref<1x1x40x125xi32, #tpu.memory_space<hbm>>
        %dma_start3A_24 = tpu.memref_squeeze %dma_start3A_23 : memref<1x1x40x125xi32, #tpu.memory_space<hbm>> -> memref<40x125xi32, #tpu.memory_space<hbm>>
        tpu.enqueue_dma source(%dma_start3A_24 : memref<40x125xi32, #tpu.memory_space<hbm>>) target(%arg7 : memref<40x125xi32, #tpu.memory_space<vmem>>) target_semaphore(%run_scoped3A_16 : memref<!tpu.dma_semaphore, #tpu.memory_space<semaphore_mem>>)
        %dma_wait3A_25 = arith.constant 0 : i32
        %dma_wait3A_26 = arith.constant 0 : i32
        %dma_wait3A_27 = tpu.memref_slice %arg3[%arg0, %arg1, %dma_wait3A_25, %dma_wait3A_26] : memref<2x16x80x125xi32, #tpu.memory_space<hbm>> -> memref<1x1x40x125xi32, #tpu.memory_space<hbm>>
        %dma_wait3A_28 = tpu.memref_squeeze %dma_wait3A_27 : memref<1x1x40x125xi32, #tpu.memory_space<hbm>> -> memref<40x125xi32, #tpu.memory_space<hbm>>
        %dma_wait3A_29 = arith.constant 0 : i32
        %dma_wait3A_30 = arith.constant 0 : i32
        %dma_wait3A_31 = tpu.memref_slice %arg3[%arg0, %arg1, %dma_wait3A_29, %dma_wait3A_30] : memref<2x16x80x125xi32, #tpu.memory_space<hbm>> -> memref<1x1x40x125xi32, #tpu.memory_space<hbm>>
        %dma_wait3A_32 = tpu.memref_squeeze %dma_wait3A_31 : memref<1x1x40x125xi32, #tpu.memory_space<hbm>> -> memref<40x125xi32, #tpu.memory_space<hbm>>
        tpu.wait_dma2 semaphore(%run_scoped3A_16 : memref<!tpu.dma_semaphore, #tpu.memory_space<semaphore_mem>>) src(%dma_wait3A_32 : memref<40x125xi32, #tpu.memory_space<hbm>>) dst(%arg7 : memref<40x125xi32, #tpu.memory_space<vmem>>)
        tpu.yield
      }) : () -> ()
      "tpu.region"() ({
        %run_scoped3A_16 = tpu.sem_alloc : memref<!tpu.dma_semaphore, #tpu.memory_space<semaphore_mem>>
        %dma_start3A_17 = arith.constant 0 : i32
        %dma_start3A_18 = arith.constant 0 : i32
        %dma_start3A_19 = tpu.memref_slice %arg4[%arg1, %dma_start3A_17, %dma_start3A_18] : memref<16x80x125xi32, #tpu.memory_space<hbm>> -> memref<1x40x125xi32, #tpu.memory_space<hbm>>
        %dma_start3A_20 = tpu.memref_squeeze %dma_start3A_19 : memref<1x40x125xi32, #tpu.memory_space<hbm>> -> memref<40x125xi32, #tpu.memory_space<hbm>>
        %dma_start3A_21 = arith.constant 0 : i32
        %dma_start3A_22 = arith.constant 0 : i32
        %dma_start3A_23 = tpu.memref_slice %arg4[%arg1, %dma_start3A_21, %dma_start3A_22] : memref<16x80x125xi32, #tpu.memory_space<hbm>> -> memref<1x40x125xi32, #tpu.memory_space<hbm>>
        %dma_start3A_24 = tpu.memref_squeeze %dma_start3A_23 : memref<1x40x125xi32, #tpu.memory_space<hbm>> -> memref<40x125xi32, #tpu.memory_space<hbm>>
        tpu.enqueue_dma source(%dma_start3A_24 : memref<40x125xi32, #tpu.memory_space<hbm>>) target(%arg8 : memref<40x125xi32, #tpu.memory_space<vmem>>) target_semaphore(%run_scoped3A_16 : memref<!tpu.dma_semaphore, #tpu.memory_space<semaphore_mem>>)
        %dma_wait3A_25 = arith.constant 0 : i32
        %dma_wait3A_26 = arith.constant 0 : i32
        %dma_wait3A_27 = tpu.memref_slice %arg4[%arg1, %dma_wait3A_25, %dma_wait3A_26] : memref<16x80x125xi32, #tpu.memory_space<hbm>> -> memref<1x40x125xi32, #tpu.memory_space<hbm>>
        %dma_wait3A_28 = tpu.memref_squeeze %dma_wait3A_27 : memref<1x40x125xi32, #tpu.memory_space<hbm>> -> memref<40x125xi32, #tpu.memory_space<hbm>>
        %dma_wait3A_29 = arith.constant 0 : i32
        %dma_wait3A_30 = arith.constant 0 : i32
        %dma_wait3A_31 = tpu.memref_slice %arg4[%arg1, %dma_wait3A_29, %dma_wait3A_30] : memref<16x80x125xi32, #tpu.memory_space<hbm>> -> memref<1x40x125xi32, #tpu.memory_space<hbm>>
        %dma_wait3A_32 = tpu.memref_squeeze %dma_wait3A_31 : memref<1x40x125xi32, #tpu.memory_space<hbm>> -> memref<40x125xi32, #tpu.memory_space<hbm>>
        tpu.wait_dma2 semaphore(%run_scoped3A_16 : memref<!tpu.dma_semaphore, #tpu.memory_space<semaphore_mem>>) src(%dma_wait3A_32 : memref<40x125xi32, #tpu.memory_space<hbm>>) dst(%arg8 : memref<40x125xi32, #tpu.memory_space<vmem>>)
        tpu.yield
      }) : () -> ()
      %dma_wait3A = arith.constant 0 : i32
      %dma_wait3A_13 = tpu.memref_slice %arg11[%mul3A_9, %dma_wait3A] : memref<10240x128xf32, #tpu.memory_space<vmem_shared>> -> memref<640x128xf32, #tpu.memory_space<vmem_shared>>
      %dma_wait3A_14 = arith.constant 0 : i32
      %dma_wait3A_15 = tpu.memref_slice %arg5[%mul3A_7, %dma_wait3A_14] : memref<10240x128xf32, #tpu.memory_space<hbm>> -> memref<640x128xf32, #tpu.memory_space<hbm>>
      tpu.wait_dma2 semaphore(%run_scoped3A : memref<!tpu.dma_semaphore, #tpu.memory_space<semaphore_mem>>) src(%dma_wait3A_15 : memref<640x128xf32, #tpu.memory_space<hbm>>) dst(%dma_wait3A_13 : memref<640x128xf32, #tpu.memory_space<vmem_shared>>)
      tpu.yield
    }) : () -> ()
    %barrier3A = arith.constant 0 : index
    tpu.barrier barrier_id(%barrier3A)
    "tpu.region"() ({
      %run_scoped3A = tpu.sem_alloc : memref<!tpu.dma_semaphore, #tpu.memory_space<semaphore_mem>>
      %run_scoped3A_6 = tpu.sem_alloc : memref<!tpu.dma_semaphore, #tpu.memory_space<semaphore_mem>>
      %scan3A = arith.constant 0 : i32
      %scan3A_7 = arith.constant 0 : i32
      %scan3A_8 = arith.constant 2 : i32
      %scan3A_9 = arith.addi %scan3A_7, %scan3A_8 : i32
      %scan3A_10 = arith.constant 1 : i32
      scf.for %scan3A_12 = %scan3A_7 to %scan3A_9 step %scan3A_10  : i32 {
        %gt3A = arith.constant 0 : i32
        %gt3A_13 = arith.cmpi sgt, %scan3A_12, %gt3A : i32
        %convert_element_type3A = arith.extui %gt3A_13 : i1 to i32
        %cond3A = arith.constant 0 : i32
        %cond3A_14 = arith.cmpi ne, %convert_element_type3A, %cond3A : i32
        scf.if %cond3A_14 {
          %mul3A_33 = arith.constant 40 : i32
          %mul3A_34 = arith.muli %scan3A_12, %mul3A_33 : i32
          "tpu.region"() ({
            %run_scoped3A_37 = tpu.sem_alloc : memref<!tpu.dma_semaphore, #tpu.memory_space<semaphore_mem>>
            %dma_start3A_38 = arith.constant 0 : i32
            %dma_start3A_39 = tpu.memref_slice %arg3[%arg0, %arg1, %mul3A_34, %dma_start3A_38] : memref<2x16x80x125xi32, #tpu.memory_space<hbm>> -> memref<1x1x40x125xi32, #tpu.memory_space<hbm>>
            %dma_start3A_40 = tpu.memref_squeeze %dma_start3A_39 : memref<1x1x40x125xi32, #tpu.memory_space<hbm>> -> memref<40x125xi32, #tpu.memory_space<hbm>>
            %dma_start3A_41 = arith.constant 0 : i32
            %dma_start3A_42 = tpu.memref_slice %arg3[%arg0, %arg1, %mul3A_34, %dma_start3A_41] : memref<2x16x80x125xi32, #tpu.memory_space<hbm>> -> memref<1x1x40x125xi32, #tpu.memory_space<hbm>>
            %dma_start3A_43 = tpu.memref_squeeze %dma_start3A_42 : memref<1x1x40x125xi32, #tpu.memory_space<hbm>> -> memref<40x125xi32, #tpu.memory_space<hbm>>
            tpu.enqueue_dma source(%dma_start3A_43 : memref<40x125xi32, #tpu.memory_space<hbm>>) target(%arg7 : memref<40x125xi32, #tpu.memory_space<vmem>>) target_semaphore(%run_scoped3A_37 : memref<!tpu.dma_semaphore, #tpu.memory_space<semaphore_mem>>)
            %dma_wait3A_44 = arith.constant 0 : i32
            %dma_wait3A_45 = tpu.memref_slice %arg3[%arg0, %arg1, %mul3A_34, %dma_wait3A_44] : memref<2x16x80x125xi32, #tpu.memory_space<hbm>> -> memref<1x1x40x125xi32, #tpu.memory_space<hbm>>
            %dma_wait3A_46 = tpu.memref_squeeze %dma_wait3A_45 : memref<1x1x40x125xi32, #tpu.memory_space<hbm>> -> memref<40x125xi32, #tpu.memory_space<hbm>>
            %dma_wait3A_47 = arith.constant 0 : i32
            %dma_wait3A_48 = tpu.memref_slice %arg3[%arg0, %arg1, %mul3A_34, %dma_wait3A_47] : memref<2x16x80x125xi32, #tpu.memory_space<hbm>> -> memref<1x1x40x125xi32, #tpu.memory_space<hbm>>
            %dma_wait3A_49 = tpu.memref_squeeze %dma_wait3A_48 : memref<1x1x40x125xi32, #tpu.memory_space<hbm>> -> memref<40x125xi32, #tpu.memory_space<hbm>>
            tpu.wait_dma2 semaphore(%run_scoped3A_37 : memref<!tpu.dma_semaphore, #tpu.memory_space<semaphore_mem>>) src(%dma_wait3A_49 : memref<40x125xi32, #tpu.memory_space<hbm>>) dst(%arg7 : memref<40x125xi32, #tpu.memory_space<vmem>>)
            tpu.yield
          }) : () -> ()
          %mul3A_35 = arith.constant 40 : i32
          %mul3A_36 = arith.muli %scan3A_12, %mul3A_35 : i32
          "tpu.region"() ({
            %run_scoped3A_37 = tpu.sem_alloc : memref<!tpu.dma_semaphore, #tpu.memory_space<semaphore_mem>>
            %dma_start3A_38 = arith.constant 0 : i32
            %dma_start3A_39 = tpu.memref_slice %arg4[%arg1, %mul3A_36, %dma_start3A_38] : memref<16x80x125xi32, #tpu.memory_space<hbm>> -> memref<1x40x125xi32, #tpu.memory_space<hbm>>
            %dma_start3A_40 = tpu.memref_squeeze %dma_start3A_39 : memref<1x40x125xi32, #tpu.memory_space<hbm>> -> memref<40x125xi32, #tpu.memory_space<hbm>>
            %dma_start3A_41 = arith.constant 0 : i32
            %dma_start3A_42 = tpu.memref_slice %arg4[%arg1, %mul3A_36, %dma_start3A_41] : memref<16x80x125xi32, #tpu.memory_space<hbm>> -> memref<1x40x125xi32, #tpu.memory_space<hbm>>
            %dma_start3A_43 = tpu.memref_squeeze %dma_start3A_42 : memref<1x40x125xi32, #tpu.memory_space<hbm>> -> memref<40x125xi32, #tpu.memory_space<hbm>>
            tpu.enqueue_dma source(%dma_start3A_43 : memref<40x125xi32, #tpu.memory_space<hbm>>) target(%arg8 : memref<40x125xi32, #tpu.memory_space<vmem>>) target_semaphore(%run_scoped3A_37 : memref<!tpu.dma_semaphore, #tpu.memory_space<semaphore_mem>>)
            %dma_wait3A_44 = arith.constant 0 : i32
            %dma_wait3A_45 = tpu.memref_slice %arg4[%arg1, %mul3A_36, %dma_wait3A_44] : memref<16x80x125xi32, #tpu.memory_space<hbm>> -> memref<1x40x125xi32, #tpu.memory_space<hbm>>
            %dma_wait3A_46 = tpu.memref_squeeze %dma_wait3A_45 : memref<1x40x125xi32, #tpu.memory_space<hbm>> -> memref<40x125xi32, #tpu.memory_space<hbm>>
            %dma_wait3A_47 = arith.constant 0 : i32
            %dma_wait3A_48 = tpu.memref_slice %arg4[%arg1, %mul3A_36, %dma_wait3A_47] : memref<16x80x125xi32, #tpu.memory_space<hbm>> -> memref<1x40x125xi32, #tpu.memory_space<hbm>>
            %dma_wait3A_49 = tpu.memref_squeeze %dma_wait3A_48 : memref<1x40x125xi32, #tpu.memory_space<hbm>> -> memref<40x125xi32, #tpu.memory_space<hbm>>
            tpu.wait_dma2 semaphore(%run_scoped3A_37 : memref<!tpu.dma_semaphore, #tpu.memory_space<semaphore_mem>>) src(%dma_wait3A_49 : memref<40x125xi32, #tpu.memory_space<hbm>>) dst(%arg8 : memref<40x125xi32, #tpu.memory_space<vmem>>)
            tpu.yield
          }) : () -> ()
        } else {
        }
        %dma_start3A = arith.constant 0 : i32
        %dma_start3A_15 = arith.constant 0 : i32
        %dma_start3A_16 = tpu.memref_slice %arg7[%dma_start3A, %dma_start3A_15] : memref<40x125xi32, #tpu.memory_space<vmem>> -> memref<1x125xi32, #tpu.memory_space<vmem>>
        %dma_start3A_17 = tpu.memref_squeeze %dma_start3A_16 : memref<1x125xi32, #tpu.memory_space<vmem>> -> memref<125xi32, #tpu.memory_space<vmem>>
        %dma_start3A_18 = arith.constant 0 : i32
        %dma_start3A_19 = arith.constant 0 : i32
        %dma_start3A_20 = tpu.memref_slice %arg2[%dma_start3A_18, %dma_start3A_19] : memref<20480x128xf32, #tpu.memory_space<hbm>> -> memref<20480x128xf32, #tpu.memory_space<hbm>>
        tpu.enqueue_indirect_dma source(%dma_start3A_20 : memref<20480x128xf32, #tpu.memory_space<hbm>>) target(%arg9 : memref<125x128xf32, #tpu.memory_space<vmem>>) offsets(%dma_start3A_17 : memref<125xi32, #tpu.memory_space<vmem>>) semaphore(%run_scoped3A : memref<!tpu.dma_semaphore, #tpu.memory_space<semaphore_mem>>)
        %scan3A_21 = arith.constant 0 : i32
        %scan3A_22 = arith.constant 0 : i32
        %scan3A_23 = arith.constant 20 : i32
        %scan3A_24 = arith.addi %scan3A_22, %scan3A_23 : i32
        %scan3A_25 = arith.constant 1 : i32
        scf.for %scan3A_33 = %scan3A_22 to %scan3A_24 step %scan3A_25  : i32 {
          %mul3A_34 = arith.constant 2 : i32
          %mul3A_35 = arith.muli %mul3A_34, %scan3A_33 : i32
          %dma_wait3A_36 = arith.constant 0 : i32
          %dma_wait3A_37 = tpu.memref_slice %arg7[%mul3A_35, %dma_wait3A_36] : memref<40x125xi32, #tpu.memory_space<vmem>> -> memref<1x125xi32, #tpu.memory_space<vmem>>
          %dma_wait3A_38 = tpu.memref_squeeze %dma_wait3A_37 : memref<1x125xi32, #tpu.memory_space<vmem>> -> memref<125xi32, #tpu.memory_space<vmem>>
          %dma_wait3A_39 = arith.constant 0 : i32
          %dma_wait3A_40 = arith.constant 0 : i32
          %dma_wait3A_41 = tpu.memref_slice %arg2[%dma_wait3A_39, %dma_wait3A_40] : memref<20480x128xf32, #tpu.memory_space<hbm>> -> memref<20480x128xf32, #tpu.memory_space<hbm>>
          tpu.wait_indirect_dma semaphore(%run_scoped3A : memref<!tpu.dma_semaphore, #tpu.memory_space<semaphore_mem>>) src(%dma_wait3A_41 : memref<20480x128xf32, #tpu.memory_space<hbm>>) dst(%arg9 : memref<125x128xf32, #tpu.memory_space<vmem>>)
          %add3A_42 = arith.constant 1 : i32
          %add3A_43 = arith.addi %mul3A_35, %add3A_42 : i32
          %dma_start3A_44 = arith.constant 0 : i32
          %dma_start3A_45 = tpu.memref_slice %arg7[%add3A_43, %dma_start3A_44] : memref<40x125xi32, #tpu.memory_space<vmem>> -> memref<1x125xi32, #tpu.memory_space<vmem>>
          %dma_start3A_46 = tpu.memref_squeeze %dma_start3A_45 : memref<1x125xi32, #tpu.memory_space<vmem>> -> memref<125xi32, #tpu.memory_space<vmem>>
          %dma_start3A_47 = arith.constant 0 : i32
          %dma_start3A_48 = arith.constant 0 : i32
          %dma_start3A_49 = tpu.memref_slice %arg2[%dma_start3A_47, %dma_start3A_48] : memref<20480x128xf32, #tpu.memory_space<hbm>> -> memref<20480x128xf32, #tpu.memory_space<hbm>>
          tpu.enqueue_indirect_dma source(%dma_start3A_49 : memref<20480x128xf32, #tpu.memory_space<hbm>>) target(%arg10 : memref<125x128xf32, #tpu.memory_space<vmem>>) offsets(%dma_start3A_46 : memref<125xi32, #tpu.memory_space<vmem>>) semaphore(%run_scoped3A_6 : memref<!tpu.dma_semaphore, #tpu.memory_space<semaphore_mem>>)
          "tpu.region"() ({
            %run_scoped3A_69 = tpu.sem_alloc : memref<!tpu.dma_semaphore, #tpu.memory_space<semaphore_mem>>
            %dma_start3A_70 = arith.constant 0 : i32
            %dma_start3A_71 = tpu.memref_slice %arg8[%mul3A_35, %dma_start3A_70] : memref<40x125xi32, #tpu.memory_space<vmem>> -> memref<1x125xi32, #tpu.memory_space<vmem>>
            %dma_start3A_72 = tpu.memref_squeeze %dma_start3A_71 : memref<1x125xi32, #tpu.memory_space<vmem>> -> memref<125xi32, #tpu.memory_space<vmem>>
            %dma_start3A_73 = arith.constant 0 : i32
            %dma_start3A_74 = arith.constant 0 : i32
            %dma_start3A_75 = tpu.memref_slice %arg11[%dma_start3A_73, %dma_start3A_74] : memref<10240x128xf32, #tpu.memory_space<vmem_shared>> -> memref<10240x128xf32, #tpu.memory_space<vmem_shared>>
            tpu.enqueue_indirect_dma source(%arg9 : memref<125x128xf32, #tpu.memory_space<vmem>>) target(%dma_start3A_75 : memref<10240x128xf32, #tpu.memory_space<vmem_shared>>) offsets(%dma_start3A_72 : memref<125xi32, #tpu.memory_space<vmem>>) semaphore(%run_scoped3A_69 : memref<!tpu.dma_semaphore, #tpu.memory_space<semaphore_mem>>) {add = true}
            %dma_wait3A_76 = arith.constant 0 : i32
            %dma_wait3A_77 = tpu.memref_slice %arg8[%mul3A_35, %dma_wait3A_76] : memref<40x125xi32, #tpu.memory_space<vmem>> -> memref<1x125xi32, #tpu.memory_space<vmem>>
            %dma_wait3A_78 = tpu.memref_squeeze %dma_wait3A_77 : memref<1x125xi32, #tpu.memory_space<vmem>> -> memref<125xi32, #tpu.memory_space<vmem>>
            %dma_wait3A_79 = arith.constant 0 : i32
            %dma_wait3A_80 = arith.constant 0 : i32
            %dma_wait3A_81 = tpu.memref_slice %arg11[%dma_wait3A_79, %dma_wait3A_80] : memref<10240x128xf32, #tpu.memory_space<vmem_shared>> -> memref<10240x128xf32, #tpu.memory_space<vmem_shared>>
            tpu.wait_indirect_dma semaphore(%run_scoped3A_69 : memref<!tpu.dma_semaphore, #tpu.memory_space<semaphore_mem>>) src(%arg9 : memref<125x128xf32, #tpu.memory_space<vmem>>) dst(%dma_wait3A_81 : memref<10240x128xf32, #tpu.memory_space<vmem_shared>>)
            tpu.yield
          }) : () -> ()
          %add3A_50 = arith.constant 2 : i32
          %add3A_51 = arith.addi %mul3A_35, %add3A_50 : i32
          %min3A = arith.constant 39 : i32
          %min3A_52 = arith.minsi %add3A_51, %min3A : i32
          %dma_start3A_53 = arith.constant 0 : i32
          %dma_start3A_54 = tpu.memref_slice %arg7[%min3A_52, %dma_start3A_53] : memref<40x125xi32, #tpu.memory_space<vmem>> -> memref<1x125xi32, #tpu.memory_space<vmem>>
          %dma_start3A_55 = tpu.memref_squeeze %dma_start3A_54 : memref<1x125xi32, #tpu.memory_space<vmem>> -> memref<125xi32, #tpu.memory_space<vmem>>
          %dma_start3A_56 = arith.constant 0 : i32
          %dma_start3A_57 = arith.constant 0 : i32
          %dma_start3A_58 = tpu.memref_slice %arg2[%dma_start3A_56, %dma_start3A_57] : memref<20480x128xf32, #tpu.memory_space<hbm>> -> memref<20480x128xf32, #tpu.memory_space<hbm>>
          tpu.enqueue_indirect_dma source(%dma_start3A_58 : memref<20480x128xf32, #tpu.memory_space<hbm>>) target(%arg9 : memref<125x128xf32, #tpu.memory_space<vmem>>) offsets(%dma_start3A_55 : memref<125xi32, #tpu.memory_space<vmem>>) semaphore(%run_scoped3A : memref<!tpu.dma_semaphore, #tpu.memory_space<semaphore_mem>>)
          %add3A_59 = arith.constant 1 : i32
          %add3A_60 = arith.addi %mul3A_35, %add3A_59 : i32
          %dma_wait3A_61 = arith.constant 0 : i32
          %dma_wait3A_62 = tpu.memref_slice %arg7[%add3A_60, %dma_wait3A_61] : memref<40x125xi32, #tpu.memory_space<vmem>> -> memref<1x125xi32, #tpu.memory_space<vmem>>
          %dma_wait3A_63 = tpu.memref_squeeze %dma_wait3A_62 : memref<1x125xi32, #tpu.memory_space<vmem>> -> memref<125xi32, #tpu.memory_space<vmem>>
          %dma_wait3A_64 = arith.constant 0 : i32
          %dma_wait3A_65 = arith.constant 0 : i32
          %dma_wait3A_66 = tpu.memref_slice %arg2[%dma_wait3A_64, %dma_wait3A_65] : memref<20480x128xf32, #tpu.memory_space<hbm>> -> memref<20480x128xf32, #tpu.memory_space<hbm>>
          tpu.wait_indirect_dma semaphore(%run_scoped3A_6 : memref<!tpu.dma_semaphore, #tpu.memory_space<semaphore_mem>>) src(%dma_wait3A_66 : memref<20480x128xf32, #tpu.memory_space<hbm>>) dst(%arg10 : memref<125x128xf32, #tpu.memory_space<vmem>>)
          %add3A_67 = arith.constant 1 : i32
          %add3A_68 = arith.addi %mul3A_35, %add3A_67 : i32
          "tpu.region"() ({
            %run_scoped3A_69 = tpu.sem_alloc : memref<!tpu.dma_semaphore, #tpu.memory_space<semaphore_mem>>
            %dma_start3A_70 = arith.constant 0 : i32
            %dma_start3A_71 = tpu.memref_slice %arg8[%add3A_68, %dma_start3A_70] : memref<40x125xi32, #tpu.memory_space<vmem>> -> memref<1x125xi32, #tpu.memory_space<vmem>>
            %dma_start3A_72 = tpu.memref_squeeze %dma_start3A_71 : memref<1x125xi32, #tpu.memory_space<vmem>> -> memref<125xi32, #tpu.memory_space<vmem>>
            %dma_start3A_73 = arith.constant 0 : i32
            %dma_start3A_74 = arith.constant 0 : i32
            %dma_start3A_75 = tpu.memref_slice %arg11[%dma_start3A_73, %dma_start3A_74] : memref<10240x128xf32, #tpu.memory_space<vmem_shared>> -> memref<10240x128xf32, #tpu.memory_space<vmem_shared>>
            tpu.enqueue_indirect_dma source(%arg10 : memref<125x128xf32, #tpu.memory_space<vmem>>) target(%dma_start3A_75 : memref<10240x128xf32, #tpu.memory_space<vmem_shared>>) offsets(%dma_start3A_72 : memref<125xi32, #tpu.memory_space<vmem>>) semaphore(%run_scoped3A_69 : memref<!tpu.dma_semaphore, #tpu.memory_space<semaphore_mem>>) {add = true}
            %dma_wait3A_76 = arith.constant 0 : i32
            %dma_wait3A_77 = tpu.memref_slice %arg8[%add3A_68, %dma_wait3A_76] : memref<40x125xi32, #tpu.memory_space<vmem>> -> memref<1x125xi32, #tpu.memory_space<vmem>>
            %dma_wait3A_78 = tpu.memref_squeeze %dma_wait3A_77 : memref<1x125xi32, #tpu.memory_space<vmem>> -> memref<125xi32, #tpu.memory_space<vmem>>
            %dma_wait3A_79 = arith.constant 0 : i32
            %dma_wait3A_80 = arith.constant 0 : i32
            %dma_wait3A_81 = tpu.memref_slice %arg11[%dma_wait3A_79, %dma_wait3A_80] : memref<10240x128xf32, #tpu.memory_space<vmem_shared>> -> memref<10240x128xf32, #tpu.memory_space<vmem_shared>>
            tpu.wait_indirect_dma semaphore(%run_scoped3A_69 : memref<!tpu.dma_semaphore, #tpu.memory_space<semaphore_mem>>) src(%arg10 : memref<125x128xf32, #tpu.memory_space<vmem>>) dst(%dma_wait3A_81 : memref<10240x128xf32, #tpu.memory_space<vmem_shared>>)
            tpu.yield
          }) : () -> ()
        }
        %scan3A_26 = arith.constant 20 : i32
        %dma_wait3A = arith.constant 39 : i32
        %dma_wait3A_27 = arith.constant 0 : i32
        %dma_wait3A_28 = tpu.memref_slice %arg7[%dma_wait3A, %dma_wait3A_27] : memref<40x125xi32, #tpu.memory_space<vmem>> -> memref<1x125xi32, #tpu.memory_space<vmem>>
        %dma_wait3A_29 = tpu.memref_squeeze %dma_wait3A_28 : memref<1x125xi32, #tpu.memory_space<vmem>> -> memref<125xi32, #tpu.memory_space<vmem>>
        %dma_wait3A_30 = arith.constant 0 : i32
        %dma_wait3A_31 = arith.constant 0 : i32
        %dma_wait3A_32 = tpu.memref_slice %arg2[%dma_wait3A_30, %dma_wait3A_31] : memref<20480x128xf32, #tpu.memory_space<hbm>> -> memref<20480x128xf32, #tpu.memory_space<hbm>>
        tpu.wait_indirect_dma semaphore(%run_scoped3A : memref<!tpu.dma_semaphore, #tpu.memory_space<semaphore_mem>>) src(%dma_wait3A_32 : memref<20480x128xf32, #tpu.memory_space<hbm>>) dst(%arg9 : memref<125x128xf32, #tpu.memory_space<vmem>>)
      }
      %scan3A_11 = arith.constant 2 : i32
      tpu.yield
    }) : () -> ()
    %barrier3A_0 = arith.constant 0 : index
    tpu.barrier barrier_id(%barrier3A_0)
    %mul3A = arith.constant 640 : i32
    %mul3A_1 = arith.muli %arg1, %mul3A : i32
    %mul3A_2 = arith.constant 10240 : i32
    %mul3A_3 = arith.muli %arg0, %mul3A_2 : i32
    %mul3A_4 = arith.constant 640 : i32
    %mul3A_5 = arith.muli %arg1, %mul3A_4 : i32
    %add3A = arith.addi %mul3A_3, %mul3A_5 : i32
    "tpu.region"() ({
      %run_scoped3A = tpu.sem_alloc : memref<!tpu.dma_semaphore, #tpu.memory_space<semaphore_mem>>
      %dma_start3A = arith.constant 0 : i32
      %dma_start3A_6 = tpu.memref_slice %arg6[%add3A, %dma_start3A] : memref<20480x128xf32, #tpu.memory_space<hbm>> -> memref<640x128xf32, #tpu.memory_space<hbm>>
      %dma_start3A_7 = arith.constant 0 : i32
      %dma_start3A_8 = tpu.memref_slice %arg11[%mul3A_1, %dma_start3A_7] : memref<10240x128xf32, #tpu.memory_space<vmem_shared>> -> memref<640x128xf32, #tpu.memory_space<vmem_shared>>
      tpu.enqueue_dma source(%dma_start3A_8 : memref<640x128xf32, #tpu.memory_space<vmem_shared>>) target(%dma_start3A_6 : memref<640x128xf32, #tpu.memory_space<hbm>>) target_semaphore(%run_scoped3A : memref<!tpu.dma_semaphore, #tpu.memory_space<semaphore_mem>>)
      %dma_wait3A = arith.constant 0 : i32
      %dma_wait3A_9 = tpu.memref_slice %arg6[%add3A, %dma_wait3A] : memref<20480x128xf32, #tpu.memory_space<hbm>> -> memref<640x128xf32, #tpu.memory_space<hbm>>
      %dma_wait3A_10 = arith.constant 0 : i32
      %dma_wait3A_11 = tpu.memref_slice %arg11[%mul3A_1, %dma_wait3A_10] : memref<10240x128xf32, #tpu.memory_space<vmem_shared>> -> memref<640x128xf32, #tpu.memory_space<vmem_shared>>
      tpu.wait_dma2 semaphore(%run_scoped3A : memref<!tpu.dma_semaphore, #tpu.memory_space<semaphore_mem>>) src(%dma_wait3A_11 : memref<640x128xf32, #tpu.memory_space<vmem_shared>>) dst(%dma_wait3A_9 : memref<640x128xf32, #tpu.memory_space<hbm>>)
      tpu.yield
    }) : () -> ()
    return
  }
}

#map = affine_map<(d0, d1) -> (0, 0)>
#map1 = affine_map<(d0, d1) -> (0, 0, 0, 0)>
#map2 = affine_map<(d0, d1) -> (0, 0, 0)>
module attributes {stable_mosaic.version = 14 : i64} {
  func.func @seg(%arg0: i32, %arg1: i32, %arg2: memref<20000x128xf32, #tpu.memory_space<hbm>>, %arg3: memref<2x16x80x125xi32, #tpu.memory_space<hbm>>, %arg4: memref<16x80x125xi32, #tpu.memory_space<hbm>>, %arg5: memref<10240x128xf32, #tpu.memory_space<hbm>>, %arg6: memref<20480x128xf32, #tpu.memory_space<hbm>>, %arg7: memref<40x125xi32, #tpu.memory_space<vmem>>, %arg8: memref<40x125xi32, #tpu.memory_space<vmem>>, %arg9: memref<125x128xf32, #tpu.memory_space<vmem>>, %arg10: memref<125x128xf32, #tpu.memory_space<vmem>>, %arg11: memref<10240x128xf32, #tpu.memory_space<vmem_shared>>) attributes {dimension_semantics = [#tpu.dimension_semantics<core_parallel>, #tpu.dimension_semantics<subcore_parallel>], iteration_bounds = array<i64: 2, 16>, scalar_prefetch = 0 : i64, scratch_operands = 5 : i64, tpu.core_type = #tpu.core_type<sc_vector_subcore>, window_params = [{transform_indices = #map}, {transform_indices = #map1}, {transform_indices = #map2}, {transform_indices = #map}, {transform_indices = #map}]} {
    "tpu.region"() ({
      %run_scoped3A = tpu.sem_alloc : memref<!tpu.dma_semaphore, #tpu.memory_space<semaphore_mem>>
      %mul3A_6 = arith.constant 640 : i32
      %mul3A_7 = arith.muli %arg1, %mul3A_6 : i32
      %mul3A_8 = arith.constant 640 : i32
      %mul3A_9 = arith.muli %arg1, %mul3A_8 : i32
      %dma_start3A = arith.constant 0 : i32
      %dma_start3A_10 = tpu.memref_slice %arg11[%mul3A_9, %dma_start3A] : memref<10240x128xf32, #tpu.memory_space<vmem_shared>> -> memref<640x128xf32, #tpu.memory_space<vmem_shared>>
      %dma_start3A_11 = arith.constant 0 : i32
      %dma_start3A_12 = tpu.memref_slice %arg5[%mul3A_7, %dma_start3A_11] : memref<10240x128xf32, #tpu.memory_space<hbm>> -> memref<640x128xf32, #tpu.memory_space<hbm>>
      tpu.enqueue_dma source(%dma_start3A_12 : memref<640x128xf32, #tpu.memory_space<hbm>>) target(%dma_start3A_10 : memref<640x128xf32, #tpu.memory_space<vmem_shared>>) target_semaphore(%run_scoped3A : memref<!tpu.dma_semaphore, #tpu.memory_space<semaphore_mem>>)
      "tpu.region"() ({
        %run_scoped3A_16 = tpu.sem_alloc : memref<!tpu.dma_semaphore, #tpu.memory_space<semaphore_mem>>
        %dma_start3A_17 = arith.constant 0 : i32
        %dma_start3A_18 = arith.constant 0 : i32
        %dma_start3A_19 = tpu.memref_slice %arg3[%arg0, %arg1, %dma_start3A_17, %dma_start3A_18] : memref<2x16x80x125xi32, #tpu.memory_space<hbm>> -> memref<1x1x40x125xi32, #tpu.memory_space<hbm>>
        %dma_start3A_20 = tpu.memref_squeeze %dma_start3A_19 : memref<1x1x40x125xi32, #tpu.memory_space<hbm>> -> memref<40x125xi32, #tpu.memory_space<hbm>>
        %dma_start3A_21 = arith.constant 0 : i32
        %dma_start3A_22 = arith.constant 0 : i32
        %dma_start3A_23 = tpu.memref_slice %arg3[%arg0, %arg1, %dma_start3A_21, %dma_start3A_22] : memref<2x16x80x125xi32, #tpu.memory_space<hbm>> -> memref<1x1x40x125xi32, #tpu.memory_space<hbm>>
        %dma_start3A_24 = tpu.memref_squeeze %dma_start3A_23 : memref<1x1x40x125xi32, #tpu.memory_space<hbm>> -> memref<40x125xi32, #tpu.memory_space<hbm>>
        tpu.enqueue_dma source(%dma_start3A_24 : memref<40x125xi32, #tpu.memory_space<hbm>>) target(%arg7 : memref<40x125xi32, #tpu.memory_space<vmem>>) target_semaphore(%run_scoped3A_16 : memref<!tpu.dma_semaphore, #tpu.memory_space<semaphore_mem>>)
        %dma_wait3A_25 = arith.constant 0 : i32
        %dma_wait3A_26 = arith.constant 0 : i32
        %dma_wait3A_27 = tpu.memref_slice %arg3[%arg0, %arg1, %dma_wait3A_25, %dma_wait3A_26] : memref<2x16x80x125xi32, #tpu.memory_space<hbm>> -> memref<1x1x40x125xi32, #tpu.memory_space<hbm>>
        %dma_wait3A_28 = tpu.memref_squeeze %dma_wait3A_27 : memref<1x1x40x125xi32, #tpu.memory_space<hbm>> -> memref<40x125xi32, #tpu.memory_space<hbm>>
        %dma_wait3A_29 = arith.constant 0 : i32
        %dma_wait3A_30 = arith.constant 0 : i32
        %dma_wait3A_31 = tpu.memref_slice %arg3[%arg0, %arg1, %dma_wait3A_29, %dma_wait3A_30] : memref<2x16x80x125xi32, #tpu.memory_space<hbm>> -> memref<1x1x40x125xi32, #tpu.memory_space<hbm>>
        %dma_wait3A_32 = tpu.memref_squeeze %dma_wait3A_31 : memref<1x1x40x125xi32, #tpu.memory_space<hbm>> -> memref<40x125xi32, #tpu.memory_space<hbm>>
        tpu.wait_dma2 semaphore(%run_scoped3A_16 : memref<!tpu.dma_semaphore, #tpu.memory_space<semaphore_mem>>) src(%dma_wait3A_32 : memref<40x125xi32, #tpu.memory_space<hbm>>) dst(%arg7 : memref<40x125xi32, #tpu.memory_space<vmem>>)
        tpu.yield
      }) : () -> ()
      "tpu.region"() ({
        %run_scoped3A_16 = tpu.sem_alloc : memref<!tpu.dma_semaphore, #tpu.memory_space<semaphore_mem>>
        %dma_start3A_17 = arith.constant 0 : i32
        %dma_start3A_18 = arith.constant 0 : i32
        %dma_start3A_19 = tpu.memref_slice %arg4[%arg1, %dma_start3A_17, %dma_start3A_18] : memref<16x80x125xi32, #tpu.memory_space<hbm>> -> memref<1x40x125xi32, #tpu.memory_space<hbm>>
        %dma_start3A_20 = tpu.memref_squeeze %dma_start3A_19 : memref<1x40x125xi32, #tpu.memory_space<hbm>> -> memref<40x125xi32, #tpu.memory_space<hbm>>
        %dma_start3A_21 = arith.constant 0 : i32
        %dma_start3A_22 = arith.constant 0 : i32
        %dma_start3A_23 = tpu.memref_slice %arg4[%arg1, %dma_start3A_21, %dma_start3A_22] : memref<16x80x125xi32, #tpu.memory_space<hbm>> -> memref<1x40x125xi32, #tpu.memory_space<hbm>>
        %dma_start3A_24 = tpu.memref_squeeze %dma_start3A_23 : memref<1x40x125xi32, #tpu.memory_space<hbm>> -> memref<40x125xi32, #tpu.memory_space<hbm>>
        tpu.enqueue_dma source(%dma_start3A_24 : memref<40x125xi32, #tpu.memory_space<hbm>>) target(%arg8 : memref<40x125xi32, #tpu.memory_space<vmem>>) target_semaphore(%run_scoped3A_16 : memref<!tpu.dma_semaphore, #tpu.memory_space<semaphore_mem>>)
        %dma_wait3A_25 = arith.constant 0 : i32
        %dma_wait3A_26 = arith.constant 0 : i32
        %dma_wait3A_27 = tpu.memref_slice %arg4[%arg1, %dma_wait3A_25, %dma_wait3A_26] : memref<16x80x125xi32, #tpu.memory_space<hbm>> -> memref<1x40x125xi32, #tpu.memory_space<hbm>>
        %dma_wait3A_28 = tpu.memref_squeeze %dma_wait3A_27 : memref<1x40x125xi32, #tpu.memory_space<hbm>> -> memref<40x125xi32, #tpu.memory_space<hbm>>
        %dma_wait3A_29 = arith.constant 0 : i32
        %dma_wait3A_30 = arith.constant 0 : i32
        %dma_wait3A_31 = tpu.memref_slice %arg4[%arg1, %dma_wait3A_29, %dma_wait3A_30] : memref<16x80x125xi32, #tpu.memory_space<hbm>> -> memref<1x40x125xi32, #tpu.memory_space<hbm>>
        %dma_wait3A_32 = tpu.memref_squeeze %dma_wait3A_31 : memref<1x40x125xi32, #tpu.memory_space<hbm>> -> memref<40x125xi32, #tpu.memory_space<hbm>>
        tpu.wait_dma2 semaphore(%run_scoped3A_16 : memref<!tpu.dma_semaphore, #tpu.memory_space<semaphore_mem>>) src(%dma_wait3A_32 : memref<40x125xi32, #tpu.memory_space<hbm>>) dst(%arg8 : memref<40x125xi32, #tpu.memory_space<vmem>>)
        tpu.yield
      }) : () -> ()
      %dma_wait3A = arith.constant 0 : i32
      %dma_wait3A_13 = tpu.memref_slice %arg11[%mul3A_9, %dma_wait3A] : memref<10240x128xf32, #tpu.memory_space<vmem_shared>> -> memref<640x128xf32, #tpu.memory_space<vmem_shared>>
      %dma_wait3A_14 = arith.constant 0 : i32
      %dma_wait3A_15 = tpu.memref_slice %arg5[%mul3A_7, %dma_wait3A_14] : memref<10240x128xf32, #tpu.memory_space<hbm>> -> memref<640x128xf32, #tpu.memory_space<hbm>>
      tpu.wait_dma2 semaphore(%run_scoped3A : memref<!tpu.dma_semaphore, #tpu.memory_space<semaphore_mem>>) src(%dma_wait3A_15 : memref<640x128xf32, #tpu.memory_space<hbm>>) dst(%dma_wait3A_13 : memref<640x128xf32, #tpu.memory_space<vmem_shared>>)
      tpu.yield
    }) : () -> ()
    %barrier3A = arith.constant 0 : index
    tpu.barrier barrier_id(%barrier3A)
    "tpu.region"() ({
      %run_scoped3A = tpu.sem_alloc : memref<!tpu.dma_semaphore, #tpu.memory_space<semaphore_mem>>
      %run_scoped3A_6 = tpu.sem_alloc : memref<!tpu.dma_semaphore, #tpu.memory_space<semaphore_mem>>
      %scan3A = arith.constant 0 : i32
      %scan3A_7 = arith.constant 0 : i32
      %scan3A_8 = arith.constant 2 : i32
      %scan3A_9 = arith.addi %scan3A_7, %scan3A_8 : i32
      %scan3A_10 = arith.constant 1 : i32
      scf.for %scan3A_12 = %scan3A_7 to %scan3A_9 step %scan3A_10  : i32 {
        %gt3A = arith.constant 0 : i32
        %gt3A_13 = arith.cmpi sgt, %scan3A_12, %gt3A : i32
        %convert_element_type3A = arith.extui %gt3A_13 : i1 to i32
        %cond3A = arith.constant 0 : i32
        %cond3A_14 = arith.cmpi ne, %convert_element_type3A, %cond3A : i32
        scf.if %cond3A_14 {
          %mul3A_33 = arith.constant 40 : i32
          %mul3A_34 = arith.muli %scan3A_12, %mul3A_33 : i32
          "tpu.region"() ({
            %run_scoped3A_37 = tpu.sem_alloc : memref<!tpu.dma_semaphore, #tpu.memory_space<semaphore_mem>>
            %dma_start3A_38 = arith.constant 0 : i32
            %dma_start3A_39 = tpu.memref_slice %arg3[%arg0, %arg1, %mul3A_34, %dma_start3A_38] : memref<2x16x80x125xi32, #tpu.memory_space<hbm>> -> memref<1x1x40x125xi32, #tpu.memory_space<hbm>>
            %dma_start3A_40 = tpu.memref_squeeze %dma_start3A_39 : memref<1x1x40x125xi32, #tpu.memory_space<hbm>> -> memref<40x125xi32, #tpu.memory_space<hbm>>
            %dma_start3A_41 = arith.constant 0 : i32
            %dma_start3A_42 = tpu.memref_slice %arg3[%arg0, %arg1, %mul3A_34, %dma_start3A_41] : memref<2x16x80x125xi32, #tpu.memory_space<hbm>> -> memref<1x1x40x125xi32, #tpu.memory_space<hbm>>
            %dma_start3A_43 = tpu.memref_squeeze %dma_start3A_42 : memref<1x1x40x125xi32, #tpu.memory_space<hbm>> -> memref<40x125xi32, #tpu.memory_space<hbm>>
            tpu.enqueue_dma source(%dma_start3A_43 : memref<40x125xi32, #tpu.memory_space<hbm>>) target(%arg7 : memref<40x125xi32, #tpu.memory_space<vmem>>) target_semaphore(%run_scoped3A_37 : memref<!tpu.dma_semaphore, #tpu.memory_space<semaphore_mem>>)
            %dma_wait3A_44 = arith.constant 0 : i32
            %dma_wait3A_45 = tpu.memref_slice %arg3[%arg0, %arg1, %mul3A_34, %dma_wait3A_44] : memref<2x16x80x125xi32, #tpu.memory_space<hbm>> -> memref<1x1x40x125xi32, #tpu.memory_space<hbm>>
            %dma_wait3A_46 = tpu.memref_squeeze %dma_wait3A_45 : memref<1x1x40x125xi32, #tpu.memory_space<hbm>> -> memref<40x125xi32, #tpu.memory_space<hbm>>
            %dma_wait3A_47 = arith.constant 0 : i32
            %dma_wait3A_48 = tpu.memref_slice %arg3[%arg0, %arg1, %mul3A_34, %dma_wait3A_47] : memref<2x16x80x125xi32, #tpu.memory_space<hbm>> -> memref<1x1x40x125xi32, #tpu.memory_space<hbm>>
            %dma_wait3A_49 = tpu.memref_squeeze %dma_wait3A_48 : memref<1x1x40x125xi32, #tpu.memory_space<hbm>> -> memref<40x125xi32, #tpu.memory_space<hbm>>
            tpu.wait_dma2 semaphore(%run_scoped3A_37 : memref<!tpu.dma_semaphore, #tpu.memory_space<semaphore_mem>>) src(%dma_wait3A_49 : memref<40x125xi32, #tpu.memory_space<hbm>>) dst(%arg7 : memref<40x125xi32, #tpu.memory_space<vmem>>)
            tpu.yield
          }) : () -> ()
          %mul3A_35 = arith.constant 40 : i32
          %mul3A_36 = arith.muli %scan3A_12, %mul3A_35 : i32
          "tpu.region"() ({
            %run_scoped3A_37 = tpu.sem_alloc : memref<!tpu.dma_semaphore, #tpu.memory_space<semaphore_mem>>
            %dma_start3A_38 = arith.constant 0 : i32
            %dma_start3A_39 = tpu.memref_slice %arg4[%arg1, %mul3A_36, %dma_start3A_38] : memref<16x80x125xi32, #tpu.memory_space<hbm>> -> memref<1x40x125xi32, #tpu.memory_space<hbm>>
            %dma_start3A_40 = tpu.memref_squeeze %dma_start3A_39 : memref<1x40x125xi32, #tpu.memory_space<hbm>> -> memref<40x125xi32, #tpu.memory_space<hbm>>
            %dma_start3A_41 = arith.constant 0 : i32
            %dma_start3A_42 = tpu.memref_slice %arg4[%arg1, %mul3A_36, %dma_start3A_41] : memref<16x80x125xi32, #tpu.memory_space<hbm>> -> memref<1x40x125xi32, #tpu.memory_space<hbm>>
            %dma_start3A_43 = tpu.memref_squeeze %dma_start3A_42 : memref<1x40x125xi32, #tpu.memory_space<hbm>> -> memref<40x125xi32, #tpu.memory_space<hbm>>
            tpu.enqueue_dma source(%dma_start3A_43 : memref<40x125xi32, #tpu.memory_space<hbm>>) target(%arg8 : memref<40x125xi32, #tpu.memory_space<vmem>>) target_semaphore(%run_scoped3A_37 : memref<!tpu.dma_semaphore, #tpu.memory_space<semaphore_mem>>)
            %dma_wait3A_44 = arith.constant 0 : i32
            %dma_wait3A_45 = tpu.memref_slice %arg4[%arg1, %mul3A_36, %dma_wait3A_44] : memref<16x80x125xi32, #tpu.memory_space<hbm>> -> memref<1x40x125xi32, #tpu.memory_space<hbm>>
            %dma_wait3A_46 = tpu.memref_squeeze %dma_wait3A_45 : memref<1x40x125xi32, #tpu.memory_space<hbm>> -> memref<40x125xi32, #tpu.memory_space<hbm>>
            %dma_wait3A_47 = arith.constant 0 : i32
            %dma_wait3A_48 = tpu.memref_slice %arg4[%arg1, %mul3A_36, %dma_wait3A_47] : memref<16x80x125xi32, #tpu.memory_space<hbm>> -> memref<1x40x125xi32, #tpu.memory_space<hbm>>
            %dma_wait3A_49 = tpu.memref_squeeze %dma_wait3A_48 : memref<1x40x125xi32, #tpu.memory_space<hbm>> -> memref<40x125xi32, #tpu.memory_space<hbm>>
            tpu.wait_dma2 semaphore(%run_scoped3A_37 : memref<!tpu.dma_semaphore, #tpu.memory_space<semaphore_mem>>) src(%dma_wait3A_49 : memref<40x125xi32, #tpu.memory_space<hbm>>) dst(%arg8 : memref<40x125xi32, #tpu.memory_space<vmem>>)
            tpu.yield
          }) : () -> ()
        } else {
        }
        %dma_start3A = arith.constant 0 : i32
        %dma_start3A_15 = arith.constant 0 : i32
        %dma_start3A_16 = tpu.memref_slice %arg7[%dma_start3A, %dma_start3A_15] : memref<40x125xi32, #tpu.memory_space<vmem>> -> memref<1x125xi32, #tpu.memory_space<vmem>>
        %dma_start3A_17 = tpu.memref_squeeze %dma_start3A_16 : memref<1x125xi32, #tpu.memory_space<vmem>> -> memref<125xi32, #tpu.memory_space<vmem>>
        %dma_start3A_18 = arith.constant 0 : i32
        %dma_start3A_19 = arith.constant 0 : i32
        %dma_start3A_20 = tpu.memref_slice %arg2[%dma_start3A_18, %dma_start3A_19] : memref<20000x128xf32, #tpu.memory_space<hbm>> -> memref<20000x128xf32, #tpu.memory_space<hbm>>
        tpu.enqueue_indirect_dma source(%dma_start3A_20 : memref<20000x128xf32, #tpu.memory_space<hbm>>) target(%arg9 : memref<125x128xf32, #tpu.memory_space<vmem>>) offsets(%dma_start3A_17 : memref<125xi32, #tpu.memory_space<vmem>>) semaphore(%run_scoped3A : memref<!tpu.dma_semaphore, #tpu.memory_space<semaphore_mem>>)
        %scan3A_21 = arith.constant 0 : i32
        %scan3A_22 = arith.constant 0 : i32
        %scan3A_23 = arith.constant 20 : i32
        %scan3A_24 = arith.addi %scan3A_22, %scan3A_23 : i32
        %scan3A_25 = arith.constant 1 : i32
        scf.for %scan3A_33 = %scan3A_22 to %scan3A_24 step %scan3A_25  : i32 {
          %mul3A_34 = arith.constant 2 : i32
          %mul3A_35 = arith.muli %mul3A_34, %scan3A_33 : i32
          %dma_wait3A_36 = arith.constant 0 : i32
          %dma_wait3A_37 = tpu.memref_slice %arg7[%mul3A_35, %dma_wait3A_36] : memref<40x125xi32, #tpu.memory_space<vmem>> -> memref<1x125xi32, #tpu.memory_space<vmem>>
          %dma_wait3A_38 = tpu.memref_squeeze %dma_wait3A_37 : memref<1x125xi32, #tpu.memory_space<vmem>> -> memref<125xi32, #tpu.memory_space<vmem>>
          %dma_wait3A_39 = arith.constant 0 : i32
          %dma_wait3A_40 = arith.constant 0 : i32
          %dma_wait3A_41 = tpu.memref_slice %arg2[%dma_wait3A_39, %dma_wait3A_40] : memref<20000x128xf32, #tpu.memory_space<hbm>> -> memref<20000x128xf32, #tpu.memory_space<hbm>>
          tpu.wait_indirect_dma semaphore(%run_scoped3A : memref<!tpu.dma_semaphore, #tpu.memory_space<semaphore_mem>>) src(%dma_wait3A_41 : memref<20000x128xf32, #tpu.memory_space<hbm>>) dst(%arg9 : memref<125x128xf32, #tpu.memory_space<vmem>>)
          %add3A_42 = arith.constant 1 : i32
          %add3A_43 = arith.addi %mul3A_35, %add3A_42 : i32
          %dma_start3A_44 = arith.constant 0 : i32
          %dma_start3A_45 = tpu.memref_slice %arg7[%add3A_43, %dma_start3A_44] : memref<40x125xi32, #tpu.memory_space<vmem>> -> memref<1x125xi32, #tpu.memory_space<vmem>>
          %dma_start3A_46 = tpu.memref_squeeze %dma_start3A_45 : memref<1x125xi32, #tpu.memory_space<vmem>> -> memref<125xi32, #tpu.memory_space<vmem>>
          %dma_start3A_47 = arith.constant 0 : i32
          %dma_start3A_48 = arith.constant 0 : i32
          %dma_start3A_49 = tpu.memref_slice %arg2[%dma_start3A_47, %dma_start3A_48] : memref<20000x128xf32, #tpu.memory_space<hbm>> -> memref<20000x128xf32, #tpu.memory_space<hbm>>
          tpu.enqueue_indirect_dma source(%dma_start3A_49 : memref<20000x128xf32, #tpu.memory_space<hbm>>) target(%arg10 : memref<125x128xf32, #tpu.memory_space<vmem>>) offsets(%dma_start3A_46 : memref<125xi32, #tpu.memory_space<vmem>>) semaphore(%run_scoped3A_6 : memref<!tpu.dma_semaphore, #tpu.memory_space<semaphore_mem>>)
          "tpu.region"() ({
            %run_scoped3A_69 = tpu.sem_alloc : memref<!tpu.dma_semaphore, #tpu.memory_space<semaphore_mem>>
            %dma_start3A_70 = arith.constant 0 : i32
            %dma_start3A_71 = tpu.memref_slice %arg8[%mul3A_35, %dma_start3A_70] : memref<40x125xi32, #tpu.memory_space<vmem>> -> memref<1x125xi32, #tpu.memory_space<vmem>>
            %dma_start3A_72 = tpu.memref_squeeze %dma_start3A_71 : memref<1x125xi32, #tpu.memory_space<vmem>> -> memref<125xi32, #tpu.memory_space<vmem>>
            %dma_start3A_73 = arith.constant 0 : i32
            %dma_start3A_74 = arith.constant 0 : i32
            %dma_start3A_75 = tpu.memref_slice %arg11[%dma_start3A_73, %dma_start3A_74] : memref<10240x128xf32, #tpu.memory_space<vmem_shared>> -> memref<10240x128xf32, #tpu.memory_space<vmem_shared>>
            tpu.enqueue_indirect_dma source(%arg9 : memref<125x128xf32, #tpu.memory_space<vmem>>) target(%dma_start3A_75 : memref<10240x128xf32, #tpu.memory_space<vmem_shared>>) offsets(%dma_start3A_72 : memref<125xi32, #tpu.memory_space<vmem>>) semaphore(%run_scoped3A_69 : memref<!tpu.dma_semaphore, #tpu.memory_space<semaphore_mem>>) {add = true}
            %dma_wait3A_76 = arith.constant 0 : i32
            %dma_wait3A_77 = tpu.memref_slice %arg8[%mul3A_35, %dma_wait3A_76] : memref<40x125xi32, #tpu.memory_space<vmem>> -> memref<1x125xi32, #tpu.memory_space<vmem>>
            %dma_wait3A_78 = tpu.memref_squeeze %dma_wait3A_77 : memref<1x125xi32, #tpu.memory_space<vmem>> -> memref<125xi32, #tpu.memory_space<vmem>>
            %dma_wait3A_79 = arith.constant 0 : i32
            %dma_wait3A_80 = arith.constant 0 : i32
            %dma_wait3A_81 = tpu.memref_slice %arg11[%dma_wait3A_79, %dma_wait3A_80] : memref<10240x128xf32, #tpu.memory_space<vmem_shared>> -> memref<10240x128xf32, #tpu.memory_space<vmem_shared>>
            tpu.wait_indirect_dma semaphore(%run_scoped3A_69 : memref<!tpu.dma_semaphore, #tpu.memory_space<semaphore_mem>>) src(%arg9 : memref<125x128xf32, #tpu.memory_space<vmem>>) dst(%dma_wait3A_81 : memref<10240x128xf32, #tpu.memory_space<vmem_shared>>)
            tpu.yield
          }) : () -> ()
          %add3A_50 = arith.constant 2 : i32
          %add3A_51 = arith.addi %mul3A_35, %add3A_50 : i32
          %min3A = arith.constant 39 : i32
          %min3A_52 = arith.minsi %add3A_51, %min3A : i32
          %dma_start3A_53 = arith.constant 0 : i32
          %dma_start3A_54 = tpu.memref_slice %arg7[%min3A_52, %dma_start3A_53] : memref<40x125xi32, #tpu.memory_space<vmem>> -> memref<1x125xi32, #tpu.memory_space<vmem>>
          %dma_start3A_55 = tpu.memref_squeeze %dma_start3A_54 : memref<1x125xi32, #tpu.memory_space<vmem>> -> memref<125xi32, #tpu.memory_space<vmem>>
          %dma_start3A_56 = arith.constant 0 : i32
          %dma_start3A_57 = arith.constant 0 : i32
          %dma_start3A_58 = tpu.memref_slice %arg2[%dma_start3A_56, %dma_start3A_57] : memref<20000x128xf32, #tpu.memory_space<hbm>> -> memref<20000x128xf32, #tpu.memory_space<hbm>>
          tpu.enqueue_indirect_dma source(%dma_start3A_58 : memref<20000x128xf32, #tpu.memory_space<hbm>>) target(%arg9 : memref<125x128xf32, #tpu.memory_space<vmem>>) offsets(%dma_start3A_55 : memref<125xi32, #tpu.memory_space<vmem>>) semaphore(%run_scoped3A : memref<!tpu.dma_semaphore, #tpu.memory_space<semaphore_mem>>)
          %add3A_59 = arith.constant 1 : i32
          %add3A_60 = arith.addi %mul3A_35, %add3A_59 : i32
          %dma_wait3A_61 = arith.constant 0 : i32
          %dma_wait3A_62 = tpu.memref_slice %arg7[%add3A_60, %dma_wait3A_61] : memref<40x125xi32, #tpu.memory_space<vmem>> -> memref<1x125xi32, #tpu.memory_space<vmem>>
          %dma_wait3A_63 = tpu.memref_squeeze %dma_wait3A_62 : memref<1x125xi32, #tpu.memory_space<vmem>> -> memref<125xi32, #tpu.memory_space<vmem>>
          %dma_wait3A_64 = arith.constant 0 : i32
          %dma_wait3A_65 = arith.constant 0 : i32
          %dma_wait3A_66 = tpu.memref_slice %arg2[%dma_wait3A_64, %dma_wait3A_65] : memref<20000x128xf32, #tpu.memory_space<hbm>> -> memref<20000x128xf32, #tpu.memory_space<hbm>>
          tpu.wait_indirect_dma semaphore(%run_scoped3A_6 : memref<!tpu.dma_semaphore, #tpu.memory_space<semaphore_mem>>) src(%dma_wait3A_66 : memref<20000x128xf32, #tpu.memory_space<hbm>>) dst(%arg10 : memref<125x128xf32, #tpu.memory_space<vmem>>)
          %add3A_67 = arith.constant 1 : i32
          %add3A_68 = arith.addi %mul3A_35, %add3A_67 : i32
          "tpu.region"() ({
            %run_scoped3A_69 = tpu.sem_alloc : memref<!tpu.dma_semaphore, #tpu.memory_space<semaphore_mem>>
            %dma_start3A_70 = arith.constant 0 : i32
            %dma_start3A_71 = tpu.memref_slice %arg8[%add3A_68, %dma_start3A_70] : memref<40x125xi32, #tpu.memory_space<vmem>> -> memref<1x125xi32, #tpu.memory_space<vmem>>
            %dma_start3A_72 = tpu.memref_squeeze %dma_start3A_71 : memref<1x125xi32, #tpu.memory_space<vmem>> -> memref<125xi32, #tpu.memory_space<vmem>>
            %dma_start3A_73 = arith.constant 0 : i32
            %dma_start3A_74 = arith.constant 0 : i32
            %dma_start3A_75 = tpu.memref_slice %arg11[%dma_start3A_73, %dma_start3A_74] : memref<10240x128xf32, #tpu.memory_space<vmem_shared>> -> memref<10240x128xf32, #tpu.memory_space<vmem_shared>>
            tpu.enqueue_indirect_dma source(%arg10 : memref<125x128xf32, #tpu.memory_space<vmem>>) target(%dma_start3A_75 : memref<10240x128xf32, #tpu.memory_space<vmem_shared>>) offsets(%dma_start3A_72 : memref<125xi32, #tpu.memory_space<vmem>>) semaphore(%run_scoped3A_69 : memref<!tpu.dma_semaphore, #tpu.memory_space<semaphore_mem>>) {add = true}
            %dma_wait3A_76 = arith.constant 0 : i32
            %dma_wait3A_77 = tpu.memref_slice %arg8[%add3A_68, %dma_wait3A_76] : memref<40x125xi32, #tpu.memory_space<vmem>> -> memref<1x125xi32, #tpu.memory_space<vmem>>
            %dma_wait3A_78 = tpu.memref_squeeze %dma_wait3A_77 : memref<1x125xi32, #tpu.memory_space<vmem>> -> memref<125xi32, #tpu.memory_space<vmem>>
            %dma_wait3A_79 = arith.constant 0 : i32
            %dma_wait3A_80 = arith.constant 0 : i32
            %dma_wait3A_81 = tpu.memref_slice %arg11[%dma_wait3A_79, %dma_wait3A_80] : memref<10240x128xf32, #tpu.memory_space<vmem_shared>> -> memref<10240x128xf32, #tpu.memory_space<vmem_shared>>
            tpu.wait_indirect_dma semaphore(%run_scoped3A_69 : memref<!tpu.dma_semaphore, #tpu.memory_space<semaphore_mem>>) src(%arg10 : memref<125x128xf32, #tpu.memory_space<vmem>>) dst(%dma_wait3A_81 : memref<10240x128xf32, #tpu.memory_space<vmem_shared>>)
            tpu.yield
          }) : () -> ()
        }
        %scan3A_26 = arith.constant 20 : i32
        %dma_wait3A = arith.constant 39 : i32
        %dma_wait3A_27 = arith.constant 0 : i32
        %dma_wait3A_28 = tpu.memref_slice %arg7[%dma_wait3A, %dma_wait3A_27] : memref<40x125xi32, #tpu.memory_space<vmem>> -> memref<1x125xi32, #tpu.memory_space<vmem>>
        %dma_wait3A_29 = tpu.memref_squeeze %dma_wait3A_28 : memref<1x125xi32, #tpu.memory_space<vmem>> -> memref<125xi32, #tpu.memory_space<vmem>>
        %dma_wait3A_30 = arith.constant 0 : i32
        %dma_wait3A_31 = arith.constant 0 : i32
        %dma_wait3A_32 = tpu.memref_slice %arg2[%dma_wait3A_30, %dma_wait3A_31] : memref<20000x128xf32, #tpu.memory_space<hbm>> -> memref<20000x128xf32, #tpu.memory_space<hbm>>
        tpu.wait_indirect_dma semaphore(%run_scoped3A : memref<!tpu.dma_semaphore, #tpu.memory_space<semaphore_mem>>) src(%dma_wait3A_32 : memref<20000x128xf32, #tpu.memory_space<hbm>>) dst(%arg9 : memref<125x128xf32, #tpu.memory_space<vmem>>)
      }
      %scan3A_11 = arith.constant 2 : i32
      tpu.yield
    }) : () -> ()
    %barrier3A_0 = arith.constant 0 : index
    tpu.barrier barrier_id(%barrier3A_0)
    %mul3A = arith.constant 640 : i32
    %mul3A_1 = arith.muli %arg1, %mul3A : i32
    %mul3A_2 = arith.constant 10240 : i32
    %mul3A_3 = arith.muli %arg0, %mul3A_2 : i32
    %mul3A_4 = arith.constant 640 : i32
    %mul3A_5 = arith.muli %arg1, %mul3A_4 : i32
    %add3A = arith.addi %mul3A_3, %mul3A_5 : i32
    "tpu.region"() ({
      %run_scoped3A = tpu.sem_alloc : memref<!tpu.dma_semaphore, #tpu.memory_space<semaphore_mem>>
      %dma_start3A = arith.constant 0 : i32
      %dma_start3A_6 = tpu.memref_slice %arg6[%add3A, %dma_start3A] : memref<20480x128xf32, #tpu.memory_space<hbm>> -> memref<640x128xf32, #tpu.memory_space<hbm>>
      %dma_start3A_7 = arith.constant 0 : i32
      %dma_start3A_8 = tpu.memref_slice %arg11[%mul3A_1, %dma_start3A_7] : memref<10240x128xf32, #tpu.memory_space<vmem_shared>> -> memref<640x128xf32, #tpu.memory_space<vmem_shared>>
      tpu.enqueue_dma source(%dma_start3A_8 : memref<640x128xf32, #tpu.memory_space<vmem_shared>>) target(%dma_start3A_6 : memref<640x128xf32, #tpu.memory_space<hbm>>) target_semaphore(%run_scoped3A : memref<!tpu.dma_semaphore, #tpu.memory_space<semaphore_mem>>)
      %dma_wait3A = arith.constant 0 : i32
      %dma_wait3A_9 = tpu.memref_slice %arg6[%add3A, %dma_wait3A] : memref<20480x128xf32, #tpu.memory_space<hbm>> -> memref<640x128xf32, #tpu.memory_space<hbm>>
      %dma_wait3A_10 = arith.constant 0 : i32
      %dma_wait3A_11 = tpu.memref_slice %arg11[%mul3A_1, %dma_wait3A_10] : memref<10240x128xf32, #tpu.memory_space<vmem_shared>> -> memref<640x128xf32, #tpu.memory_space<vmem_shared>>
      tpu.wait_dma2 semaphore(%run_scoped3A : memref<!tpu.dma_semaphore, #tpu.memory_space<semaphore_mem>>) src(%dma_wait3A_11 : memref<640x128xf32, #tpu.memory_space<vmem_shared>>) dst(%dma_wait3A_9 : memref<640x128xf32, #tpu.memory_space<hbm>>)
      tpu.yield
    }) : () -> ()
    return
  }
}

#map = affine_map<(d0, d1) -> (0, 0)>
#map1 = affine_map<(d0, d1) -> (0, 0, 0, 0)>
#map2 = affine_map<(d0, d1) -> (0, 0, 0)>
module attributes {stable_mosaic.version = 14 : i64} {
  func.func @seg(%arg0: i32, %arg1: i32, %arg2: memref<20480x128xf32, #tpu.memory_space<hbm>>, %arg3: memref<2x16x80x125xi32, #tpu.memory_space<hbm>>, %arg4: memref<16x80x125xi32, #tpu.memory_space<hbm>>, %arg5: memref<10240x128xf32, #tpu.memory_space<hbm>>, %arg6: memref<20480x128xf32, #tpu.memory_space<hbm>>, %arg7: memref<40x125xi32, #tpu.memory_space<vmem>>, %arg8: memref<40x125xi32, #tpu.memory_space<vmem>>, %arg9: memref<125x128xf32, #tpu.memory_space<vmem>>, %arg10: memref<125x128xf32, #tpu.memory_space<vmem>>, %arg11: memref<10240x128xf32, #tpu.memory_space<vmem_shared>>) attributes {dimension_semantics = [#tpu.dimension_semantics<core_parallel>, #tpu.dimension_semantics<subcore_parallel>], iteration_bounds = array<i64: 2, 16>, scalar_prefetch = 0 : i64, scratch_operands = 5 : i64, tpu.core_type = #tpu.core_type<sc_vector_subcore>, window_params = [{transform_indices = #map}, {transform_indices = #map1}, {transform_indices = #map2}, {transform_indices = #map}, {transform_indices = #map}]} {
    "tpu.region"() ({
      %run_scoped3A = tpu.sem_alloc : memref<!tpu.dma_semaphore, #tpu.memory_space<semaphore_mem>>
      %mul3A_6 = arith.constant 640 : i32
      %mul3A_7 = arith.muli %arg1, %mul3A_6 : i32
      %mul3A_8 = arith.constant 640 : i32
      %mul3A_9 = arith.muli %arg1, %mul3A_8 : i32
      %dma_start3A = arith.constant 0 : i32
      %dma_start3A_10 = tpu.memref_slice %arg11[%mul3A_9, %dma_start3A] : memref<10240x128xf32, #tpu.memory_space<vmem_shared>> -> memref<640x128xf32, #tpu.memory_space<vmem_shared>>
      %dma_start3A_11 = arith.constant 0 : i32
      %dma_start3A_12 = tpu.memref_slice %arg5[%mul3A_7, %dma_start3A_11] : memref<10240x128xf32, #tpu.memory_space<hbm>> -> memref<640x128xf32, #tpu.memory_space<hbm>>
      tpu.enqueue_dma source(%dma_start3A_12 : memref<640x128xf32, #tpu.memory_space<hbm>>) target(%dma_start3A_10 : memref<640x128xf32, #tpu.memory_space<vmem_shared>>) target_semaphore(%run_scoped3A : memref<!tpu.dma_semaphore, #tpu.memory_space<semaphore_mem>>)
      "tpu.region"() ({
        %run_scoped3A_16 = tpu.sem_alloc : memref<!tpu.dma_semaphore, #tpu.memory_space<semaphore_mem>>
        %dma_start3A_17 = arith.constant 0 : i32
        %dma_start3A_18 = arith.constant 0 : i32
        %dma_start3A_19 = tpu.memref_slice %arg3[%arg0, %arg1, %dma_start3A_17, %dma_start3A_18] : memref<2x16x80x125xi32, #tpu.memory_space<hbm>> -> memref<1x1x40x125xi32, #tpu.memory_space<hbm>>
        %dma_start3A_20 = tpu.memref_squeeze %dma_start3A_19 : memref<1x1x40x125xi32, #tpu.memory_space<hbm>> -> memref<40x125xi32, #tpu.memory_space<hbm>>
        %dma_start3A_21 = arith.constant 0 : i32
        %dma_start3A_22 = arith.constant 0 : i32
        %dma_start3A_23 = tpu.memref_slice %arg3[%arg0, %arg1, %dma_start3A_21, %dma_start3A_22] : memref<2x16x80x125xi32, #tpu.memory_space<hbm>> -> memref<1x1x40x125xi32, #tpu.memory_space<hbm>>
        %dma_start3A_24 = tpu.memref_squeeze %dma_start3A_23 : memref<1x1x40x125xi32, #tpu.memory_space<hbm>> -> memref<40x125xi32, #tpu.memory_space<hbm>>
        tpu.enqueue_dma source(%dma_start3A_24 : memref<40x125xi32, #tpu.memory_space<hbm>>) target(%arg7 : memref<40x125xi32, #tpu.memory_space<vmem>>) target_semaphore(%run_scoped3A_16 : memref<!tpu.dma_semaphore, #tpu.memory_space<semaphore_mem>>)
        %dma_wait3A_25 = arith.constant 0 : i32
        %dma_wait3A_26 = arith.constant 0 : i32
        %dma_wait3A_27 = tpu.memref_slice %arg3[%arg0, %arg1, %dma_wait3A_25, %dma_wait3A_26] : memref<2x16x80x125xi32, #tpu.memory_space<hbm>> -> memref<1x1x40x125xi32, #tpu.memory_space<hbm>>
        %dma_wait3A_28 = tpu.memref_squeeze %dma_wait3A_27 : memref<1x1x40x125xi32, #tpu.memory_space<hbm>> -> memref<40x125xi32, #tpu.memory_space<hbm>>
        %dma_wait3A_29 = arith.constant 0 : i32
        %dma_wait3A_30 = arith.constant 0 : i32
        %dma_wait3A_31 = tpu.memref_slice %arg3[%arg0, %arg1, %dma_wait3A_29, %dma_wait3A_30] : memref<2x16x80x125xi32, #tpu.memory_space<hbm>> -> memref<1x1x40x125xi32, #tpu.memory_space<hbm>>
        %dma_wait3A_32 = tpu.memref_squeeze %dma_wait3A_31 : memref<1x1x40x125xi32, #tpu.memory_space<hbm>> -> memref<40x125xi32, #tpu.memory_space<hbm>>
        tpu.wait_dma2 semaphore(%run_scoped3A_16 : memref<!tpu.dma_semaphore, #tpu.memory_space<semaphore_mem>>) src(%dma_wait3A_32 : memref<40x125xi32, #tpu.memory_space<hbm>>) dst(%arg7 : memref<40x125xi32, #tpu.memory_space<vmem>>)
        tpu.yield
      }) : () -> ()
      "tpu.region"() ({
        %run_scoped3A_16 = tpu.sem_alloc : memref<!tpu.dma_semaphore, #tpu.memory_space<semaphore_mem>>
        %dma_start3A_17 = arith.constant 0 : i32
        %dma_start3A_18 = arith.constant 0 : i32
        %dma_start3A_19 = tpu.memref_slice %arg4[%arg1, %dma_start3A_17, %dma_start3A_18] : memref<16x80x125xi32, #tpu.memory_space<hbm>> -> memref<1x40x125xi32, #tpu.memory_space<hbm>>
        %dma_start3A_20 = tpu.memref_squeeze %dma_start3A_19 : memref<1x40x125xi32, #tpu.memory_space<hbm>> -> memref<40x125xi32, #tpu.memory_space<hbm>>
        %dma_start3A_21 = arith.constant 0 : i32
        %dma_start3A_22 = arith.constant 0 : i32
        %dma_start3A_23 = tpu.memref_slice %arg4[%arg1, %dma_start3A_21, %dma_start3A_22] : memref<16x80x125xi32, #tpu.memory_space<hbm>> -> memref<1x40x125xi32, #tpu.memory_space<hbm>>
        %dma_start3A_24 = tpu.memref_squeeze %dma_start3A_23 : memref<1x40x125xi32, #tpu.memory_space<hbm>> -> memref<40x125xi32, #tpu.memory_space<hbm>>
        tpu.enqueue_dma source(%dma_start3A_24 : memref<40x125xi32, #tpu.memory_space<hbm>>) target(%arg8 : memref<40x125xi32, #tpu.memory_space<vmem>>) target_semaphore(%run_scoped3A_16 : memref<!tpu.dma_semaphore, #tpu.memory_space<semaphore_mem>>)
        %dma_wait3A_25 = arith.constant 0 : i32
        %dma_wait3A_26 = arith.constant 0 : i32
        %dma_wait3A_27 = tpu.memref_slice %arg4[%arg1, %dma_wait3A_25, %dma_wait3A_26] : memref<16x80x125xi32, #tpu.memory_space<hbm>> -> memref<1x40x125xi32, #tpu.memory_space<hbm>>
        %dma_wait3A_28 = tpu.memref_squeeze %dma_wait3A_27 : memref<1x40x125xi32, #tpu.memory_space<hbm>> -> memref<40x125xi32, #tpu.memory_space<hbm>>
        %dma_wait3A_29 = arith.constant 0 : i32
        %dma_wait3A_30 = arith.constant 0 : i32
        %dma_wait3A_31 = tpu.memref_slice %arg4[%arg1, %dma_wait3A_29, %dma_wait3A_30] : memref<16x80x125xi32, #tpu.memory_space<hbm>> -> memref<1x40x125xi32, #tpu.memory_space<hbm>>
        %dma_wait3A_32 = tpu.memref_squeeze %dma_wait3A_31 : memref<1x40x125xi32, #tpu.memory_space<hbm>> -> memref<40x125xi32, #tpu.memory_space<hbm>>
        tpu.wait_dma2 semaphore(%run_scoped3A_16 : memref<!tpu.dma_semaphore, #tpu.memory_space<semaphore_mem>>) src(%dma_wait3A_32 : memref<40x125xi32, #tpu.memory_space<hbm>>) dst(%arg8 : memref<40x125xi32, #tpu.memory_space<vmem>>)
        tpu.yield
      }) : () -> ()
      %dma_wait3A = arith.constant 0 : i32
      %dma_wait3A_13 = tpu.memref_slice %arg11[%mul3A_9, %dma_wait3A] : memref<10240x128xf32, #tpu.memory_space<vmem_shared>> -> memref<640x128xf32, #tpu.memory_space<vmem_shared>>
      %dma_wait3A_14 = arith.constant 0 : i32
      %dma_wait3A_15 = tpu.memref_slice %arg5[%mul3A_7, %dma_wait3A_14] : memref<10240x128xf32, #tpu.memory_space<hbm>> -> memref<640x128xf32, #tpu.memory_space<hbm>>
      tpu.wait_dma2 semaphore(%run_scoped3A : memref<!tpu.dma_semaphore, #tpu.memory_space<semaphore_mem>>) src(%dma_wait3A_15 : memref<640x128xf32, #tpu.memory_space<hbm>>) dst(%dma_wait3A_13 : memref<640x128xf32, #tpu.memory_space<vmem_shared>>)
      tpu.yield
    }) : () -> ()
    %barrier3A = arith.constant 0 : index
    tpu.barrier barrier_id(%barrier3A)
    "tpu.region"() ({
      %run_scoped3A = tpu.sem_alloc : memref<!tpu.dma_semaphore, #tpu.memory_space<semaphore_mem>>
      %run_scoped3A_6 = tpu.sem_alloc : memref<!tpu.dma_semaphore, #tpu.memory_space<semaphore_mem>>
      %scan3A = arith.constant 0 : i32
      %scan3A_7 = arith.constant 0 : i32
      %scan3A_8 = arith.constant 2 : i32
      %scan3A_9 = arith.addi %scan3A_7, %scan3A_8 : i32
      %scan3A_10 = arith.constant 1 : i32
      scf.for %scan3A_12 = %scan3A_7 to %scan3A_9 step %scan3A_10  : i32 {
        %gt3A = arith.constant 0 : i32
        %gt3A_13 = arith.cmpi sgt, %scan3A_12, %gt3A : i32
        %convert_element_type3A = arith.extui %gt3A_13 : i1 to i32
        %cond3A = arith.constant 0 : i32
        %cond3A_14 = arith.cmpi ne, %convert_element_type3A, %cond3A : i32
        scf.if %cond3A_14 {
          %mul3A_33 = arith.constant 40 : i32
          %mul3A_34 = arith.muli %scan3A_12, %mul3A_33 : i32
          "tpu.region"() ({
            %run_scoped3A_37 = tpu.sem_alloc : memref<!tpu.dma_semaphore, #tpu.memory_space<semaphore_mem>>
            %dma_start3A_38 = arith.constant 0 : i32
            %dma_start3A_39 = tpu.memref_slice %arg3[%arg0, %arg1, %mul3A_34, %dma_start3A_38] : memref<2x16x80x125xi32, #tpu.memory_space<hbm>> -> memref<1x1x40x125xi32, #tpu.memory_space<hbm>>
            %dma_start3A_40 = tpu.memref_squeeze %dma_start3A_39 : memref<1x1x40x125xi32, #tpu.memory_space<hbm>> -> memref<40x125xi32, #tpu.memory_space<hbm>>
            %dma_start3A_41 = arith.constant 0 : i32
            %dma_start3A_42 = tpu.memref_slice %arg3[%arg0, %arg1, %mul3A_34, %dma_start3A_41] : memref<2x16x80x125xi32, #tpu.memory_space<hbm>> -> memref<1x1x40x125xi32, #tpu.memory_space<hbm>>
            %dma_start3A_43 = tpu.memref_squeeze %dma_start3A_42 : memref<1x1x40x125xi32, #tpu.memory_space<hbm>> -> memref<40x125xi32, #tpu.memory_space<hbm>>
            tpu.enqueue_dma source(%dma_start3A_43 : memref<40x125xi32, #tpu.memory_space<hbm>>) target(%arg7 : memref<40x125xi32, #tpu.memory_space<vmem>>) target_semaphore(%run_scoped3A_37 : memref<!tpu.dma_semaphore, #tpu.memory_space<semaphore_mem>>)
            %dma_wait3A_44 = arith.constant 0 : i32
            %dma_wait3A_45 = tpu.memref_slice %arg3[%arg0, %arg1, %mul3A_34, %dma_wait3A_44] : memref<2x16x80x125xi32, #tpu.memory_space<hbm>> -> memref<1x1x40x125xi32, #tpu.memory_space<hbm>>
            %dma_wait3A_46 = tpu.memref_squeeze %dma_wait3A_45 : memref<1x1x40x125xi32, #tpu.memory_space<hbm>> -> memref<40x125xi32, #tpu.memory_space<hbm>>
            %dma_wait3A_47 = arith.constant 0 : i32
            %dma_wait3A_48 = tpu.memref_slice %arg3[%arg0, %arg1, %mul3A_34, %dma_wait3A_47] : memref<2x16x80x125xi32, #tpu.memory_space<hbm>> -> memref<1x1x40x125xi32, #tpu.memory_space<hbm>>
            %dma_wait3A_49 = tpu.memref_squeeze %dma_wait3A_48 : memref<1x1x40x125xi32, #tpu.memory_space<hbm>> -> memref<40x125xi32, #tpu.memory_space<hbm>>
            tpu.wait_dma2 semaphore(%run_scoped3A_37 : memref<!tpu.dma_semaphore, #tpu.memory_space<semaphore_mem>>) src(%dma_wait3A_49 : memref<40x125xi32, #tpu.memory_space<hbm>>) dst(%arg7 : memref<40x125xi32, #tpu.memory_space<vmem>>)
            tpu.yield
          }) : () -> ()
          %mul3A_35 = arith.constant 40 : i32
          %mul3A_36 = arith.muli %scan3A_12, %mul3A_35 : i32
          "tpu.region"() ({
            %run_scoped3A_37 = tpu.sem_alloc : memref<!tpu.dma_semaphore, #tpu.memory_space<semaphore_mem>>
            %dma_start3A_38 = arith.constant 0 : i32
            %dma_start3A_39 = tpu.memref_slice %arg4[%arg1, %mul3A_36, %dma_start3A_38] : memref<16x80x125xi32, #tpu.memory_space<hbm>> -> memref<1x40x125xi32, #tpu.memory_space<hbm>>
            %dma_start3A_40 = tpu.memref_squeeze %dma_start3A_39 : memref<1x40x125xi32, #tpu.memory_space<hbm>> -> memref<40x125xi32, #tpu.memory_space<hbm>>
            %dma_start3A_41 = arith.constant 0 : i32
            %dma_start3A_42 = tpu.memref_slice %arg4[%arg1, %mul3A_36, %dma_start3A_41] : memref<16x80x125xi32, #tpu.memory_space<hbm>> -> memref<1x40x125xi32, #tpu.memory_space<hbm>>
            %dma_start3A_43 = tpu.memref_squeeze %dma_start3A_42 : memref<1x40x125xi32, #tpu.memory_space<hbm>> -> memref<40x125xi32, #tpu.memory_space<hbm>>
            tpu.enqueue_dma source(%dma_start3A_43 : memref<40x125xi32, #tpu.memory_space<hbm>>) target(%arg8 : memref<40x125xi32, #tpu.memory_space<vmem>>) target_semaphore(%run_scoped3A_37 : memref<!tpu.dma_semaphore, #tpu.memory_space<semaphore_mem>>)
            %dma_wait3A_44 = arith.constant 0 : i32
            %dma_wait3A_45 = tpu.memref_slice %arg4[%arg1, %mul3A_36, %dma_wait3A_44] : memref<16x80x125xi32, #tpu.memory_space<hbm>> -> memref<1x40x125xi32, #tpu.memory_space<hbm>>
            %dma_wait3A_46 = tpu.memref_squeeze %dma_wait3A_45 : memref<1x40x125xi32, #tpu.memory_space<hbm>> -> memref<40x125xi32, #tpu.memory_space<hbm>>
            %dma_wait3A_47 = arith.constant 0 : i32
            %dma_wait3A_48 = tpu.memref_slice %arg4[%arg1, %mul3A_36, %dma_wait3A_47] : memref<16x80x125xi32, #tpu.memory_space<hbm>> -> memref<1x40x125xi32, #tpu.memory_space<hbm>>
            %dma_wait3A_49 = tpu.memref_squeeze %dma_wait3A_48 : memref<1x40x125xi32, #tpu.memory_space<hbm>> -> memref<40x125xi32, #tpu.memory_space<hbm>>
            tpu.wait_dma2 semaphore(%run_scoped3A_37 : memref<!tpu.dma_semaphore, #tpu.memory_space<semaphore_mem>>) src(%dma_wait3A_49 : memref<40x125xi32, #tpu.memory_space<hbm>>) dst(%arg8 : memref<40x125xi32, #tpu.memory_space<vmem>>)
            tpu.yield
          }) : () -> ()
        } else {
        }
        %dma_start3A = arith.constant 0 : i32
        %dma_start3A_15 = arith.constant 0 : i32
        %dma_start3A_16 = tpu.memref_slice %arg7[%dma_start3A, %dma_start3A_15] : memref<40x125xi32, #tpu.memory_space<vmem>> -> memref<1x125xi32, #tpu.memory_space<vmem>>
        %dma_start3A_17 = tpu.memref_squeeze %dma_start3A_16 : memref<1x125xi32, #tpu.memory_space<vmem>> -> memref<125xi32, #tpu.memory_space<vmem>>
        %dma_start3A_18 = arith.constant 0 : i32
        %dma_start3A_19 = arith.constant 0 : i32
        %dma_start3A_20 = tpu.memref_slice %arg2[%dma_start3A_18, %dma_start3A_19] : memref<20480x128xf32, #tpu.memory_space<hbm>> -> memref<20480x128xf32, #tpu.memory_space<hbm>>
        tpu.enqueue_indirect_dma source(%dma_start3A_20 : memref<20480x128xf32, #tpu.memory_space<hbm>>) target(%arg9 : memref<125x128xf32, #tpu.memory_space<vmem>>) offsets(%dma_start3A_17 : memref<125xi32, #tpu.memory_space<vmem>>) semaphore(%run_scoped3A : memref<!tpu.dma_semaphore, #tpu.memory_space<semaphore_mem>>)
        %scan3A_21 = arith.constant 0 : i32
        %scan3A_22 = arith.constant 0 : i32
        %scan3A_23 = arith.constant 20 : i32
        %scan3A_24 = arith.addi %scan3A_22, %scan3A_23 : i32
        %scan3A_25 = arith.constant 1 : i32
        scf.for %scan3A_33 = %scan3A_22 to %scan3A_24 step %scan3A_25  : i32 {
          %mul3A_34 = arith.constant 2 : i32
          %mul3A_35 = arith.muli %mul3A_34, %scan3A_33 : i32
          %dma_wait3A_36 = arith.constant 0 : i32
          %dma_wait3A_37 = tpu.memref_slice %arg7[%mul3A_35, %dma_wait3A_36] : memref<40x125xi32, #tpu.memory_space<vmem>> -> memref<1x125xi32, #tpu.memory_space<vmem>>
          %dma_wait3A_38 = tpu.memref_squeeze %dma_wait3A_37 : memref<1x125xi32, #tpu.memory_space<vmem>> -> memref<125xi32, #tpu.memory_space<vmem>>
          %dma_wait3A_39 = arith.constant 0 : i32
          %dma_wait3A_40 = arith.constant 0 : i32
          %dma_wait3A_41 = tpu.memref_slice %arg2[%dma_wait3A_39, %dma_wait3A_40] : memref<20480x128xf32, #tpu.memory_space<hbm>> -> memref<20480x128xf32, #tpu.memory_space<hbm>>
          tpu.wait_indirect_dma semaphore(%run_scoped3A : memref<!tpu.dma_semaphore, #tpu.memory_space<semaphore_mem>>) src(%dma_wait3A_41 : memref<20480x128xf32, #tpu.memory_space<hbm>>) dst(%arg9 : memref<125x128xf32, #tpu.memory_space<vmem>>)
          %add3A_42 = arith.constant 1 : i32
          %add3A_43 = arith.addi %mul3A_35, %add3A_42 : i32
          %dma_start3A_44 = arith.constant 0 : i32
          %dma_start3A_45 = tpu.memref_slice %arg7[%add3A_43, %dma_start3A_44] : memref<40x125xi32, #tpu.memory_space<vmem>> -> memref<1x125xi32, #tpu.memory_space<vmem>>
          %dma_start3A_46 = tpu.memref_squeeze %dma_start3A_45 : memref<1x125xi32, #tpu.memory_space<vmem>> -> memref<125xi32, #tpu.memory_space<vmem>>
          %dma_start3A_47 = arith.constant 0 : i32
          %dma_start3A_48 = arith.constant 0 : i32
          %dma_start3A_49 = tpu.memref_slice %arg2[%dma_start3A_47, %dma_start3A_48] : memref<20480x128xf32, #tpu.memory_space<hbm>> -> memref<20480x128xf32, #tpu.memory_space<hbm>>
          tpu.enqueue_indirect_dma source(%dma_start3A_49 : memref<20480x128xf32, #tpu.memory_space<hbm>>) target(%arg10 : memref<125x128xf32, #tpu.memory_space<vmem>>) offsets(%dma_start3A_46 : memref<125xi32, #tpu.memory_space<vmem>>) semaphore(%run_scoped3A_6 : memref<!tpu.dma_semaphore, #tpu.memory_space<semaphore_mem>>)
          "tpu.region"() ({
            %run_scoped3A_69 = tpu.sem_alloc : memref<!tpu.dma_semaphore, #tpu.memory_space<semaphore_mem>>
            %dma_start3A_70 = arith.constant 0 : i32
            %dma_start3A_71 = tpu.memref_slice %arg8[%mul3A_35, %dma_start3A_70] : memref<40x125xi32, #tpu.memory_space<vmem>> -> memref<1x125xi32, #tpu.memory_space<vmem>>
            %dma_start3A_72 = tpu.memref_squeeze %dma_start3A_71 : memref<1x125xi32, #tpu.memory_space<vmem>> -> memref<125xi32, #tpu.memory_space<vmem>>
            %dma_start3A_73 = arith.constant 0 : i32
            %dma_start3A_74 = arith.constant 0 : i32
            %dma_start3A_75 = tpu.memref_slice %arg11[%dma_start3A_73, %dma_start3A_74] : memref<10240x128xf32, #tpu.memory_space<vmem_shared>> -> memref<10240x128xf32, #tpu.memory_space<vmem_shared>>
            tpu.enqueue_indirect_dma source(%arg9 : memref<125x128xf32, #tpu.memory_space<vmem>>) target(%dma_start3A_75 : memref<10240x128xf32, #tpu.memory_space<vmem_shared>>) offsets(%dma_start3A_72 : memref<125xi32, #tpu.memory_space<vmem>>) semaphore(%run_scoped3A_69 : memref<!tpu.dma_semaphore, #tpu.memory_space<semaphore_mem>>) {add = true}
            %dma_wait3A_76 = arith.constant 0 : i32
            %dma_wait3A_77 = tpu.memref_slice %arg8[%mul3A_35, %dma_wait3A_76] : memref<40x125xi32, #tpu.memory_space<vmem>> -> memref<1x125xi32, #tpu.memory_space<vmem>>
            %dma_wait3A_78 = tpu.memref_squeeze %dma_wait3A_77 : memref<1x125xi32, #tpu.memory_space<vmem>> -> memref<125xi32, #tpu.memory_space<vmem>>
            %dma_wait3A_79 = arith.constant 0 : i32
            %dma_wait3A_80 = arith.constant 0 : i32
            %dma_wait3A_81 = tpu.memref_slice %arg11[%dma_wait3A_79, %dma_wait3A_80] : memref<10240x128xf32, #tpu.memory_space<vmem_shared>> -> memref<10240x128xf32, #tpu.memory_space<vmem_shared>>
            tpu.wait_indirect_dma semaphore(%run_scoped3A_69 : memref<!tpu.dma_semaphore, #tpu.memory_space<semaphore_mem>>) src(%arg9 : memref<125x128xf32, #tpu.memory_space<vmem>>) dst(%dma_wait3A_81 : memref<10240x128xf32, #tpu.memory_space<vmem_shared>>)
            tpu.yield
          }) : () -> ()
          %add3A_50 = arith.constant 2 : i32
          %add3A_51 = arith.addi %mul3A_35, %add3A_50 : i32
          %min3A = arith.constant 39 : i32
          %min3A_52 = arith.minsi %add3A_51, %min3A : i32
          %dma_start3A_53 = arith.constant 0 : i32
          %dma_start3A_54 = tpu.memref_slice %arg7[%min3A_52, %dma_start3A_53] : memref<40x125xi32, #tpu.memory_space<vmem>> -> memref<1x125xi32, #tpu.memory_space<vmem>>
          %dma_start3A_55 = tpu.memref_squeeze %dma_start3A_54 : memref<1x125xi32, #tpu.memory_space<vmem>> -> memref<125xi32, #tpu.memory_space<vmem>>
          %dma_start3A_56 = arith.constant 0 : i32
          %dma_start3A_57 = arith.constant 0 : i32
          %dma_start3A_58 = tpu.memref_slice %arg2[%dma_start3A_56, %dma_start3A_57] : memref<20480x128xf32, #tpu.memory_space<hbm>> -> memref<20480x128xf32, #tpu.memory_space<hbm>>
          tpu.enqueue_indirect_dma source(%dma_start3A_58 : memref<20480x128xf32, #tpu.memory_space<hbm>>) target(%arg9 : memref<125x128xf32, #tpu.memory_space<vmem>>) offsets(%dma_start3A_55 : memref<125xi32, #tpu.memory_space<vmem>>) semaphore(%run_scoped3A : memref<!tpu.dma_semaphore, #tpu.memory_space<semaphore_mem>>)
          %add3A_59 = arith.constant 1 : i32
          %add3A_60 = arith.addi %mul3A_35, %add3A_59 : i32
          %dma_wait3A_61 = arith.constant 0 : i32
          %dma_wait3A_62 = tpu.memref_slice %arg7[%add3A_60, %dma_wait3A_61] : memref<40x125xi32, #tpu.memory_space<vmem>> -> memref<1x125xi32, #tpu.memory_space<vmem>>
          %dma_wait3A_63 = tpu.memref_squeeze %dma_wait3A_62 : memref<1x125xi32, #tpu.memory_space<vmem>> -> memref<125xi32, #tpu.memory_space<vmem>>
          %dma_wait3A_64 = arith.constant 0 : i32
          %dma_wait3A_65 = arith.constant 0 : i32
          %dma_wait3A_66 = tpu.memref_slice %arg2[%dma_wait3A_64, %dma_wait3A_65] : memref<20480x128xf32, #tpu.memory_space<hbm>> -> memref<20480x128xf32, #tpu.memory_space<hbm>>
          tpu.wait_indirect_dma semaphore(%run_scoped3A_6 : memref<!tpu.dma_semaphore, #tpu.memory_space<semaphore_mem>>) src(%dma_wait3A_66 : memref<20480x128xf32, #tpu.memory_space<hbm>>) dst(%arg10 : memref<125x128xf32, #tpu.memory_space<vmem>>)
          %add3A_67 = arith.constant 1 : i32
          %add3A_68 = arith.addi %mul3A_35, %add3A_67 : i32
          "tpu.region"() ({
            %run_scoped3A_69 = tpu.sem_alloc : memref<!tpu.dma_semaphore, #tpu.memory_space<semaphore_mem>>
            %dma_start3A_70 = arith.constant 0 : i32
            %dma_start3A_71 = tpu.memref_slice %arg8[%add3A_68, %dma_start3A_70] : memref<40x125xi32, #tpu.memory_space<vmem>> -> memref<1x125xi32, #tpu.memory_space<vmem>>
            %dma_start3A_72 = tpu.memref_squeeze %dma_start3A_71 : memref<1x125xi32, #tpu.memory_space<vmem>> -> memref<125xi32, #tpu.memory_space<vmem>>
            %dma_start3A_73 = arith.constant 0 : i32
            %dma_start3A_74 = arith.constant 0 : i32
            %dma_start3A_75 = tpu.memref_slice %arg11[%dma_start3A_73, %dma_start3A_74] : memref<10240x128xf32, #tpu.memory_space<vmem_shared>> -> memref<10240x128xf32, #tpu.memory_space<vmem_shared>>
            tpu.enqueue_indirect_dma source(%arg10 : memref<125x128xf32, #tpu.memory_space<vmem>>) target(%dma_start3A_75 : memref<10240x128xf32, #tpu.memory_space<vmem_shared>>) offsets(%dma_start3A_72 : memref<125xi32, #tpu.memory_space<vmem>>) semaphore(%run_scoped3A_69 : memref<!tpu.dma_semaphore, #tpu.memory_space<semaphore_mem>>) {add = true}
            %dma_wait3A_76 = arith.constant 0 : i32
            %dma_wait3A_77 = tpu.memref_slice %arg8[%add3A_68, %dma_wait3A_76] : memref<40x125xi32, #tpu.memory_space<vmem>> -> memref<1x125xi32, #tpu.memory_space<vmem>>
            %dma_wait3A_78 = tpu.memref_squeeze %dma_wait3A_77 : memref<1x125xi32, #tpu.memory_space<vmem>> -> memref<125xi32, #tpu.memory_space<vmem>>
            %dma_wait3A_79 = arith.constant 0 : i32
            %dma_wait3A_80 = arith.constant 0 : i32
            %dma_wait3A_81 = tpu.memref_slice %arg11[%dma_wait3A_79, %dma_wait3A_80] : memref<10240x128xf32, #tpu.memory_space<vmem_shared>> -> memref<10240x128xf32, #tpu.memory_space<vmem_shared>>
            tpu.wait_indirect_dma semaphore(%run_scoped3A_69 : memref<!tpu.dma_semaphore, #tpu.memory_space<semaphore_mem>>) src(%arg10 : memref<125x128xf32, #tpu.memory_space<vmem>>) dst(%dma_wait3A_81 : memref<10240x128xf32, #tpu.memory_space<vmem_shared>>)
            tpu.yield
          }) : () -> ()
        }
        %scan3A_26 = arith.constant 20 : i32
        %dma_wait3A = arith.constant 39 : i32
        %dma_wait3A_27 = arith.constant 0 : i32
        %dma_wait3A_28 = tpu.memref_slice %arg7[%dma_wait3A, %dma_wait3A_27] : memref<40x125xi32, #tpu.memory_space<vmem>> -> memref<1x125xi32, #tpu.memory_space<vmem>>
        %dma_wait3A_29 = tpu.memref_squeeze %dma_wait3A_28 : memref<1x125xi32, #tpu.memory_space<vmem>> -> memref<125xi32, #tpu.memory_space<vmem>>
        %dma_wait3A_30 = arith.constant 0 : i32
        %dma_wait3A_31 = arith.constant 0 : i32
        %dma_wait3A_32 = tpu.memref_slice %arg2[%dma_wait3A_30, %dma_wait3A_31] : memref<20480x128xf32, #tpu.memory_space<hbm>> -> memref<20480x128xf32, #tpu.memory_space<hbm>>
        tpu.wait_indirect_dma semaphore(%run_scoped3A : memref<!tpu.dma_semaphore, #tpu.memory_space<semaphore_mem>>) src(%dma_wait3A_32 : memref<20480x128xf32, #tpu.memory_space<hbm>>) dst(%arg9 : memref<125x128xf32, #tpu.memory_space<vmem>>)
      }
      %scan3A_11 = arith.constant 2 : i32
      tpu.yield
    }) : () -> ()
    %barrier3A_0 = arith.constant 0 : index
    tpu.barrier barrier_id(%barrier3A_0)
    %mul3A = arith.constant 640 : i32
    %mul3A_1 = arith.muli %arg1, %mul3A : i32
    %mul3A_2 = arith.constant 10240 : i32
    %mul3A_3 = arith.muli %arg0, %mul3A_2 : i32
    %mul3A_4 = arith.constant 640 : i32
    %mul3A_5 = arith.muli %arg1, %mul3A_4 : i32
    %add3A = arith.addi %mul3A_3, %mul3A_5 : i32
    "tpu.region"() ({
      %run_scoped3A = tpu.sem_alloc : memref<!tpu.dma_semaphore, #tpu.memory_space<semaphore_mem>>
      %dma_start3A = arith.constant 0 : i32
      %dma_start3A_6 = tpu.memref_slice %arg6[%add3A, %dma_start3A] : memref<20480x128xf32, #tpu.memory_space<hbm>> -> memref<640x128xf32, #tpu.memory_space<hbm>>
      %dma_start3A_7 = arith.constant 0 : i32
      %dma_start3A_8 = tpu.memref_slice %arg11[%mul3A_1, %dma_start3A_7] : memref<10240x128xf32, #tpu.memory_space<vmem_shared>> -> memref<640x128xf32, #tpu.memory_space<vmem_shared>>
      tpu.enqueue_dma source(%dma_start3A_8 : memref<640x128xf32, #tpu.memory_space<vmem_shared>>) target(%dma_start3A_6 : memref<640x128xf32, #tpu.memory_space<hbm>>) target_semaphore(%run_scoped3A : memref<!tpu.dma_semaphore, #tpu.memory_space<semaphore_mem>>)
      %dma_wait3A = arith.constant 0 : i32
      %dma_wait3A_9 = tpu.memref_slice %arg6[%add3A, %dma_wait3A] : memref<20480x128xf32, #tpu.memory_space<hbm>> -> memref<640x128xf32, #tpu.memory_space<hbm>>
      %dma_wait3A_10 = arith.constant 0 : i32
      %dma_wait3A_11 = tpu.memref_slice %arg11[%mul3A_1, %dma_wait3A_10] : memref<10240x128xf32, #tpu.memory_space<vmem_shared>> -> memref<640x128xf32, #tpu.memory_space<vmem_shared>>
      tpu.wait_dma2 semaphore(%run_scoped3A : memref<!tpu.dma_semaphore, #tpu.memory_space<semaphore_mem>>) src(%dma_wait3A_11 : memref<640x128xf32, #tpu.memory_space<vmem_shared>>) dst(%dma_wait3A_9 : memref<640x128xf32, #tpu.memory_space<hbm>>)
      tpu.yield
    }) : () -> ()
    return
  }
}

#map = affine_map<(d0, d1) -> (0, 0)>
#map1 = affine_map<(d0, d1) -> (0, 0, 0, 0)>
#map2 = affine_map<(d0, d1) -> (0, 0, 0)>
module attributes {stable_mosaic.version = 14 : i64} {
  func.func @seg(%arg0: i32, %arg1: i32, %arg2: memref<20480x128xf32, #tpu.memory_space<hbm>>, %arg3: memref<2x16x80x125xi32, #tpu.memory_space<hbm>>, %arg4: memref<16x80x125xi32, #tpu.memory_space<hbm>>, %arg5: memref<10240x128xf32, #tpu.memory_space<hbm>>, %arg6: memref<20480x128xf32, #tpu.memory_space<hbm>>, %arg7: memref<40x125xi32, #tpu.memory_space<vmem>>, %arg8: memref<40x125xi32, #tpu.memory_space<vmem>>, %arg9: memref<125x128xf32, #tpu.memory_space<vmem>>, %arg10: memref<125x128xf32, #tpu.memory_space<vmem>>, %arg11: memref<10240x128xf32, #tpu.memory_space<vmem_shared>>) attributes {dimension_semantics = [#tpu.dimension_semantics<core_parallel>, #tpu.dimension_semantics<subcore_parallel>], iteration_bounds = array<i64: 2, 16>, scalar_prefetch = 0 : i64, scratch_operands = 5 : i64, tpu.core_type = #tpu.core_type<sc_vector_subcore>, window_params = [{transform_indices = #map}, {transform_indices = #map1}, {transform_indices = #map2}, {transform_indices = #map}, {transform_indices = #map}]} {
    "tpu.region"() ({
      %run_scoped3A = tpu.sem_alloc : memref<!tpu.dma_semaphore, #tpu.memory_space<semaphore_mem>>
      %mul3A_6 = arith.constant 640 : i32
      %mul3A_7 = arith.muli %arg1, %mul3A_6 : i32
      %mul3A_8 = arith.constant 640 : i32
      %mul3A_9 = arith.muli %arg1, %mul3A_8 : i32
      %dma_start3A = arith.constant 0 : i32
      %dma_start3A_10 = tpu.memref_slice %arg11[%mul3A_9, %dma_start3A] : memref<10240x128xf32, #tpu.memory_space<vmem_shared>> -> memref<640x128xf32, #tpu.memory_space<vmem_shared>>
      %dma_start3A_11 = arith.constant 0 : i32
      %dma_start3A_12 = tpu.memref_slice %arg5[%mul3A_7, %dma_start3A_11] : memref<10240x128xf32, #tpu.memory_space<hbm>> -> memref<640x128xf32, #tpu.memory_space<hbm>>
      tpu.enqueue_dma source(%dma_start3A_12 : memref<640x128xf32, #tpu.memory_space<hbm>>) target(%dma_start3A_10 : memref<640x128xf32, #tpu.memory_space<vmem_shared>>) target_semaphore(%run_scoped3A : memref<!tpu.dma_semaphore, #tpu.memory_space<semaphore_mem>>)
      "tpu.region"() ({
        %run_scoped3A_16 = tpu.sem_alloc : memref<!tpu.dma_semaphore, #tpu.memory_space<semaphore_mem>>
        %dma_start3A_17 = arith.constant 0 : i32
        %dma_start3A_18 = arith.constant 0 : i32
        %dma_start3A_19 = tpu.memref_slice %arg3[%arg0, %arg1, %dma_start3A_17, %dma_start3A_18] : memref<2x16x80x125xi32, #tpu.memory_space<hbm>> -> memref<1x1x40x125xi32, #tpu.memory_space<hbm>>
        %dma_start3A_20 = tpu.memref_squeeze %dma_start3A_19 : memref<1x1x40x125xi32, #tpu.memory_space<hbm>> -> memref<40x125xi32, #tpu.memory_space<hbm>>
        %dma_start3A_21 = arith.constant 0 : i32
        %dma_start3A_22 = arith.constant 0 : i32
        %dma_start3A_23 = tpu.memref_slice %arg3[%arg0, %arg1, %dma_start3A_21, %dma_start3A_22] : memref<2x16x80x125xi32, #tpu.memory_space<hbm>> -> memref<1x1x40x125xi32, #tpu.memory_space<hbm>>
        %dma_start3A_24 = tpu.memref_squeeze %dma_start3A_23 : memref<1x1x40x125xi32, #tpu.memory_space<hbm>> -> memref<40x125xi32, #tpu.memory_space<hbm>>
        tpu.enqueue_dma source(%dma_start3A_24 : memref<40x125xi32, #tpu.memory_space<hbm>>) target(%arg7 : memref<40x125xi32, #tpu.memory_space<vmem>>) target_semaphore(%run_scoped3A_16 : memref<!tpu.dma_semaphore, #tpu.memory_space<semaphore_mem>>)
        %dma_wait3A_25 = arith.constant 0 : i32
        %dma_wait3A_26 = arith.constant 0 : i32
        %dma_wait3A_27 = tpu.memref_slice %arg3[%arg0, %arg1, %dma_wait3A_25, %dma_wait3A_26] : memref<2x16x80x125xi32, #tpu.memory_space<hbm>> -> memref<1x1x40x125xi32, #tpu.memory_space<hbm>>
        %dma_wait3A_28 = tpu.memref_squeeze %dma_wait3A_27 : memref<1x1x40x125xi32, #tpu.memory_space<hbm>> -> memref<40x125xi32, #tpu.memory_space<hbm>>
        %dma_wait3A_29 = arith.constant 0 : i32
        %dma_wait3A_30 = arith.constant 0 : i32
        %dma_wait3A_31 = tpu.memref_slice %arg3[%arg0, %arg1, %dma_wait3A_29, %dma_wait3A_30] : memref<2x16x80x125xi32, #tpu.memory_space<hbm>> -> memref<1x1x40x125xi32, #tpu.memory_space<hbm>>
        %dma_wait3A_32 = tpu.memref_squeeze %dma_wait3A_31 : memref<1x1x40x125xi32, #tpu.memory_space<hbm>> -> memref<40x125xi32, #tpu.memory_space<hbm>>
        tpu.wait_dma2 semaphore(%run_scoped3A_16 : memref<!tpu.dma_semaphore, #tpu.memory_space<semaphore_mem>>) src(%dma_wait3A_32 : memref<40x125xi32, #tpu.memory_space<hbm>>) dst(%arg7 : memref<40x125xi32, #tpu.memory_space<vmem>>)
        tpu.yield
      }) : () -> ()
      "tpu.region"() ({
        %run_scoped3A_16 = tpu.sem_alloc : memref<!tpu.dma_semaphore, #tpu.memory_space<semaphore_mem>>
        %dma_start3A_17 = arith.constant 0 : i32
        %dma_start3A_18 = arith.constant 0 : i32
        %dma_start3A_19 = tpu.memref_slice %arg4[%arg1, %dma_start3A_17, %dma_start3A_18] : memref<16x80x125xi32, #tpu.memory_space<hbm>> -> memref<1x40x125xi32, #tpu.memory_space<hbm>>
        %dma_start3A_20 = tpu.memref_squeeze %dma_start3A_19 : memref<1x40x125xi32, #tpu.memory_space<hbm>> -> memref<40x125xi32, #tpu.memory_space<hbm>>
        %dma_start3A_21 = arith.constant 0 : i32
        %dma_start3A_22 = arith.constant 0 : i32
        %dma_start3A_23 = tpu.memref_slice %arg4[%arg1, %dma_start3A_21, %dma_start3A_22] : memref<16x80x125xi32, #tpu.memory_space<hbm>> -> memref<1x40x125xi32, #tpu.memory_space<hbm>>
        %dma_start3A_24 = tpu.memref_squeeze %dma_start3A_23 : memref<1x40x125xi32, #tpu.memory_space<hbm>> -> memref<40x125xi32, #tpu.memory_space<hbm>>
        tpu.enqueue_dma source(%dma_start3A_24 : memref<40x125xi32, #tpu.memory_space<hbm>>) target(%arg8 : memref<40x125xi32, #tpu.memory_space<vmem>>) target_semaphore(%run_scoped3A_16 : memref<!tpu.dma_semaphore, #tpu.memory_space<semaphore_mem>>)
        %dma_wait3A_25 = arith.constant 0 : i32
        %dma_wait3A_26 = arith.constant 0 : i32
        %dma_wait3A_27 = tpu.memref_slice %arg4[%arg1, %dma_wait3A_25, %dma_wait3A_26] : memref<16x80x125xi32, #tpu.memory_space<hbm>> -> memref<1x40x125xi32, #tpu.memory_space<hbm>>
        %dma_wait3A_28 = tpu.memref_squeeze %dma_wait3A_27 : memref<1x40x125xi32, #tpu.memory_space<hbm>> -> memref<40x125xi32, #tpu.memory_space<hbm>>
        %dma_wait3A_29 = arith.constant 0 : i32
        %dma_wait3A_30 = arith.constant 0 : i32
        %dma_wait3A_31 = tpu.memref_slice %arg4[%arg1, %dma_wait3A_29, %dma_wait3A_30] : memref<16x80x125xi32, #tpu.memory_space<hbm>> -> memref<1x40x125xi32, #tpu.memory_space<hbm>>
        %dma_wait3A_32 = tpu.memref_squeeze %dma_wait3A_31 : memref<1x40x125xi32, #tpu.memory_space<hbm>> -> memref<40x125xi32, #tpu.memory_space<hbm>>
        tpu.wait_dma2 semaphore(%run_scoped3A_16 : memref<!tpu.dma_semaphore, #tpu.memory_space<semaphore_mem>>) src(%dma_wait3A_32 : memref<40x125xi32, #tpu.memory_space<hbm>>) dst(%arg8 : memref<40x125xi32, #tpu.memory_space<vmem>>)
        tpu.yield
      }) : () -> ()
      %dma_wait3A = arith.constant 0 : i32
      %dma_wait3A_13 = tpu.memref_slice %arg11[%mul3A_9, %dma_wait3A] : memref<10240x128xf32, #tpu.memory_space<vmem_shared>> -> memref<640x128xf32, #tpu.memory_space<vmem_shared>>
      %dma_wait3A_14 = arith.constant 0 : i32
      %dma_wait3A_15 = tpu.memref_slice %arg5[%mul3A_7, %dma_wait3A_14] : memref<10240x128xf32, #tpu.memory_space<hbm>> -> memref<640x128xf32, #tpu.memory_space<hbm>>
      tpu.wait_dma2 semaphore(%run_scoped3A : memref<!tpu.dma_semaphore, #tpu.memory_space<semaphore_mem>>) src(%dma_wait3A_15 : memref<640x128xf32, #tpu.memory_space<hbm>>) dst(%dma_wait3A_13 : memref<640x128xf32, #tpu.memory_space<vmem_shared>>)
      tpu.yield
    }) : () -> ()
    %barrier3A = arith.constant 0 : index
    tpu.barrier barrier_id(%barrier3A)
    "tpu.region"() ({
      %run_scoped3A = tpu.sem_alloc : memref<!tpu.dma_semaphore, #tpu.memory_space<semaphore_mem>>
      %run_scoped3A_6 = tpu.sem_alloc : memref<!tpu.dma_semaphore, #tpu.memory_space<semaphore_mem>>
      %scan3A = arith.constant 0 : i32
      %scan3A_7 = arith.constant 0 : i32
      %scan3A_8 = arith.constant 2 : i32
      %scan3A_9 = arith.addi %scan3A_7, %scan3A_8 : i32
      %scan3A_10 = arith.constant 1 : i32
      scf.for %scan3A_12 = %scan3A_7 to %scan3A_9 step %scan3A_10  : i32 {
        %gt3A = arith.constant 0 : i32
        %gt3A_13 = arith.cmpi sgt, %scan3A_12, %gt3A : i32
        %convert_element_type3A = arith.extui %gt3A_13 : i1 to i32
        %cond3A = arith.constant 0 : i32
        %cond3A_14 = arith.cmpi ne, %convert_element_type3A, %cond3A : i32
        scf.if %cond3A_14 {
          %mul3A_33 = arith.constant 40 : i32
          %mul3A_34 = arith.muli %scan3A_12, %mul3A_33 : i32
          "tpu.region"() ({
            %run_scoped3A_37 = tpu.sem_alloc : memref<!tpu.dma_semaphore, #tpu.memory_space<semaphore_mem>>
            %dma_start3A_38 = arith.constant 0 : i32
            %dma_start3A_39 = tpu.memref_slice %arg3[%arg0, %arg1, %mul3A_34, %dma_start3A_38] : memref<2x16x80x125xi32, #tpu.memory_space<hbm>> -> memref<1x1x40x125xi32, #tpu.memory_space<hbm>>
            %dma_start3A_40 = tpu.memref_squeeze %dma_start3A_39 : memref<1x1x40x125xi32, #tpu.memory_space<hbm>> -> memref<40x125xi32, #tpu.memory_space<hbm>>
            %dma_start3A_41 = arith.constant 0 : i32
            %dma_start3A_42 = tpu.memref_slice %arg3[%arg0, %arg1, %mul3A_34, %dma_start3A_41] : memref<2x16x80x125xi32, #tpu.memory_space<hbm>> -> memref<1x1x40x125xi32, #tpu.memory_space<hbm>>
            %dma_start3A_43 = tpu.memref_squeeze %dma_start3A_42 : memref<1x1x40x125xi32, #tpu.memory_space<hbm>> -> memref<40x125xi32, #tpu.memory_space<hbm>>
            tpu.enqueue_dma source(%dma_start3A_43 : memref<40x125xi32, #tpu.memory_space<hbm>>) target(%arg7 : memref<40x125xi32, #tpu.memory_space<vmem>>) target_semaphore(%run_scoped3A_37 : memref<!tpu.dma_semaphore, #tpu.memory_space<semaphore_mem>>)
            %dma_wait3A_44 = arith.constant 0 : i32
            %dma_wait3A_45 = tpu.memref_slice %arg3[%arg0, %arg1, %mul3A_34, %dma_wait3A_44] : memref<2x16x80x125xi32, #tpu.memory_space<hbm>> -> memref<1x1x40x125xi32, #tpu.memory_space<hbm>>
            %dma_wait3A_46 = tpu.memref_squeeze %dma_wait3A_45 : memref<1x1x40x125xi32, #tpu.memory_space<hbm>> -> memref<40x125xi32, #tpu.memory_space<hbm>>
            %dma_wait3A_47 = arith.constant 0 : i32
            %dma_wait3A_48 = tpu.memref_slice %arg3[%arg0, %arg1, %mul3A_34, %dma_wait3A_47] : memref<2x16x80x125xi32, #tpu.memory_space<hbm>> -> memref<1x1x40x125xi32, #tpu.memory_space<hbm>>
            %dma_wait3A_49 = tpu.memref_squeeze %dma_wait3A_48 : memref<1x1x40x125xi32, #tpu.memory_space<hbm>> -> memref<40x125xi32, #tpu.memory_space<hbm>>
            tpu.wait_dma2 semaphore(%run_scoped3A_37 : memref<!tpu.dma_semaphore, #tpu.memory_space<semaphore_mem>>) src(%dma_wait3A_49 : memref<40x125xi32, #tpu.memory_space<hbm>>) dst(%arg7 : memref<40x125xi32, #tpu.memory_space<vmem>>)
            tpu.yield
          }) : () -> ()
          %mul3A_35 = arith.constant 40 : i32
          %mul3A_36 = arith.muli %scan3A_12, %mul3A_35 : i32
          "tpu.region"() ({
            %run_scoped3A_37 = tpu.sem_alloc : memref<!tpu.dma_semaphore, #tpu.memory_space<semaphore_mem>>
            %dma_start3A_38 = arith.constant 0 : i32
            %dma_start3A_39 = tpu.memref_slice %arg4[%arg1, %mul3A_36, %dma_start3A_38] : memref<16x80x125xi32, #tpu.memory_space<hbm>> -> memref<1x40x125xi32, #tpu.memory_space<hbm>>
            %dma_start3A_40 = tpu.memref_squeeze %dma_start3A_39 : memref<1x40x125xi32, #tpu.memory_space<hbm>> -> memref<40x125xi32, #tpu.memory_space<hbm>>
            %dma_start3A_41 = arith.constant 0 : i32
            %dma_start3A_42 = tpu.memref_slice %arg4[%arg1, %mul3A_36, %dma_start3A_41] : memref<16x80x125xi32, #tpu.memory_space<hbm>> -> memref<1x40x125xi32, #tpu.memory_space<hbm>>
            %dma_start3A_43 = tpu.memref_squeeze %dma_start3A_42 : memref<1x40x125xi32, #tpu.memory_space<hbm>> -> memref<40x125xi32, #tpu.memory_space<hbm>>
            tpu.enqueue_dma source(%dma_start3A_43 : memref<40x125xi32, #tpu.memory_space<hbm>>) target(%arg8 : memref<40x125xi32, #tpu.memory_space<vmem>>) target_semaphore(%run_scoped3A_37 : memref<!tpu.dma_semaphore, #tpu.memory_space<semaphore_mem>>)
            %dma_wait3A_44 = arith.constant 0 : i32
            %dma_wait3A_45 = tpu.memref_slice %arg4[%arg1, %mul3A_36, %dma_wait3A_44] : memref<16x80x125xi32, #tpu.memory_space<hbm>> -> memref<1x40x125xi32, #tpu.memory_space<hbm>>
            %dma_wait3A_46 = tpu.memref_squeeze %dma_wait3A_45 : memref<1x40x125xi32, #tpu.memory_space<hbm>> -> memref<40x125xi32, #tpu.memory_space<hbm>>
            %dma_wait3A_47 = arith.constant 0 : i32
            %dma_wait3A_48 = tpu.memref_slice %arg4[%arg1, %mul3A_36, %dma_wait3A_47] : memref<16x80x125xi32, #tpu.memory_space<hbm>> -> memref<1x40x125xi32, #tpu.memory_space<hbm>>
            %dma_wait3A_49 = tpu.memref_squeeze %dma_wait3A_48 : memref<1x40x125xi32, #tpu.memory_space<hbm>> -> memref<40x125xi32, #tpu.memory_space<hbm>>
            tpu.wait_dma2 semaphore(%run_scoped3A_37 : memref<!tpu.dma_semaphore, #tpu.memory_space<semaphore_mem>>) src(%dma_wait3A_49 : memref<40x125xi32, #tpu.memory_space<hbm>>) dst(%arg8 : memref<40x125xi32, #tpu.memory_space<vmem>>)
            tpu.yield
          }) : () -> ()
        } else {
        }
        %dma_start3A = arith.constant 0 : i32
        %dma_start3A_15 = arith.constant 0 : i32
        %dma_start3A_16 = tpu.memref_slice %arg7[%dma_start3A, %dma_start3A_15] : memref<40x125xi32, #tpu.memory_space<vmem>> -> memref<1x125xi32, #tpu.memory_space<vmem>>
        %dma_start3A_17 = tpu.memref_squeeze %dma_start3A_16 : memref<1x125xi32, #tpu.memory_space<vmem>> -> memref<125xi32, #tpu.memory_space<vmem>>
        %dma_start3A_18 = arith.constant 0 : i32
        %dma_start3A_19 = arith.constant 0 : i32
        %dma_start3A_20 = tpu.memref_slice %arg2[%dma_start3A_18, %dma_start3A_19] : memref<20480x128xf32, #tpu.memory_space<hbm>> -> memref<20480x128xf32, #tpu.memory_space<hbm>>
        tpu.enqueue_indirect_dma source(%dma_start3A_20 : memref<20480x128xf32, #tpu.memory_space<hbm>>) target(%arg9 : memref<125x128xf32, #tpu.memory_space<vmem>>) offsets(%dma_start3A_17 : memref<125xi32, #tpu.memory_space<vmem>>) semaphore(%run_scoped3A : memref<!tpu.dma_semaphore, #tpu.memory_space<semaphore_mem>>)
        %scan3A_21 = arith.constant 0 : i32
        %scan3A_22 = arith.constant 0 : i32
        %scan3A_23 = arith.constant 20 : i32
        %scan3A_24 = arith.addi %scan3A_22, %scan3A_23 : i32
        %scan3A_25 = arith.constant 1 : i32
        scf.for %scan3A_33 = %scan3A_22 to %scan3A_24 step %scan3A_25  : i32 {
          %mul3A_34 = arith.constant 2 : i32
          %mul3A_35 = arith.muli %mul3A_34, %scan3A_33 : i32
          %dma_wait3A_36 = arith.constant 0 : i32
          %dma_wait3A_37 = tpu.memref_slice %arg7[%mul3A_35, %dma_wait3A_36] : memref<40x125xi32, #tpu.memory_space<vmem>> -> memref<1x125xi32, #tpu.memory_space<vmem>>
          %dma_wait3A_38 = tpu.memref_squeeze %dma_wait3A_37 : memref<1x125xi32, #tpu.memory_space<vmem>> -> memref<125xi32, #tpu.memory_space<vmem>>
          %dma_wait3A_39 = arith.constant 0 : i32
          %dma_wait3A_40 = arith.constant 0 : i32
          %dma_wait3A_41 = tpu.memref_slice %arg2[%dma_wait3A_39, %dma_wait3A_40] : memref<20480x128xf32, #tpu.memory_space<hbm>> -> memref<20480x128xf32, #tpu.memory_space<hbm>>
          tpu.wait_indirect_dma semaphore(%run_scoped3A : memref<!tpu.dma_semaphore, #tpu.memory_space<semaphore_mem>>) src(%dma_wait3A_41 : memref<20480x128xf32, #tpu.memory_space<hbm>>) dst(%arg9 : memref<125x128xf32, #tpu.memory_space<vmem>>)
          %add3A_42 = arith.constant 1 : i32
          %add3A_43 = arith.addi %mul3A_35, %add3A_42 : i32
          %dma_start3A_44 = arith.constant 0 : i32
          %dma_start3A_45 = tpu.memref_slice %arg7[%add3A_43, %dma_start3A_44] : memref<40x125xi32, #tpu.memory_space<vmem>> -> memref<1x125xi32, #tpu.memory_space<vmem>>
          %dma_start3A_46 = tpu.memref_squeeze %dma_start3A_45 : memref<1x125xi32, #tpu.memory_space<vmem>> -> memref<125xi32, #tpu.memory_space<vmem>>
          %dma_start3A_47 = arith.constant 0 : i32
          %dma_start3A_48 = arith.constant 0 : i32
          %dma_start3A_49 = tpu.memref_slice %arg2[%dma_start3A_47, %dma_start3A_48] : memref<20480x128xf32, #tpu.memory_space<hbm>> -> memref<20480x128xf32, #tpu.memory_space<hbm>>
          tpu.enqueue_indirect_dma source(%dma_start3A_49 : memref<20480x128xf32, #tpu.memory_space<hbm>>) target(%arg10 : memref<125x128xf32, #tpu.memory_space<vmem>>) offsets(%dma_start3A_46 : memref<125xi32, #tpu.memory_space<vmem>>) semaphore(%run_scoped3A_6 : memref<!tpu.dma_semaphore, #tpu.memory_space<semaphore_mem>>)
          "tpu.region"() ({
            %run_scoped3A_69 = tpu.sem_alloc : memref<!tpu.dma_semaphore, #tpu.memory_space<semaphore_mem>>
            %dma_start3A_70 = arith.constant 0 : i32
            %dma_start3A_71 = tpu.memref_slice %arg8[%mul3A_35, %dma_start3A_70] : memref<40x125xi32, #tpu.memory_space<vmem>> -> memref<1x125xi32, #tpu.memory_space<vmem>>
            %dma_start3A_72 = tpu.memref_squeeze %dma_start3A_71 : memref<1x125xi32, #tpu.memory_space<vmem>> -> memref<125xi32, #tpu.memory_space<vmem>>
            %dma_start3A_73 = arith.constant 0 : i32
            %dma_start3A_74 = arith.constant 0 : i32
            %dma_start3A_75 = tpu.memref_slice %arg11[%dma_start3A_73, %dma_start3A_74] : memref<10240x128xf32, #tpu.memory_space<vmem_shared>> -> memref<10240x128xf32, #tpu.memory_space<vmem_shared>>
            tpu.enqueue_indirect_dma source(%arg9 : memref<125x128xf32, #tpu.memory_space<vmem>>) target(%dma_start3A_75 : memref<10240x128xf32, #tpu.memory_space<vmem_shared>>) offsets(%dma_start3A_72 : memref<125xi32, #tpu.memory_space<vmem>>) semaphore(%run_scoped3A_69 : memref<!tpu.dma_semaphore, #tpu.memory_space<semaphore_mem>>) {add = true}
            %dma_wait3A_76 = arith.constant 0 : i32
            %dma_wait3A_77 = tpu.memref_slice %arg8[%mul3A_35, %dma_wait3A_76] : memref<40x125xi32, #tpu.memory_space<vmem>> -> memref<1x125xi32, #tpu.memory_space<vmem>>
            %dma_wait3A_78 = tpu.memref_squeeze %dma_wait3A_77 : memref<1x125xi32, #tpu.memory_space<vmem>> -> memref<125xi32, #tpu.memory_space<vmem>>
            %dma_wait3A_79 = arith.constant 0 : i32
            %dma_wait3A_80 = arith.constant 0 : i32
            %dma_wait3A_81 = tpu.memref_slice %arg11[%dma_wait3A_79, %dma_wait3A_80] : memref<10240x128xf32, #tpu.memory_space<vmem_shared>> -> memref<10240x128xf32, #tpu.memory_space<vmem_shared>>
            tpu.wait_indirect_dma semaphore(%run_scoped3A_69 : memref<!tpu.dma_semaphore, #tpu.memory_space<semaphore_mem>>) src(%arg9 : memref<125x128xf32, #tpu.memory_space<vmem>>) dst(%dma_wait3A_81 : memref<10240x128xf32, #tpu.memory_space<vmem_shared>>)
            tpu.yield
          }) : () -> ()
          %add3A_50 = arith.constant 2 : i32
          %add3A_51 = arith.addi %mul3A_35, %add3A_50 : i32
          %min3A = arith.constant 39 : i32
          %min3A_52 = arith.minsi %add3A_51, %min3A : i32
          %dma_start3A_53 = arith.constant 0 : i32
          %dma_start3A_54 = tpu.memref_slice %arg7[%min3A_52, %dma_start3A_53] : memref<40x125xi32, #tpu.memory_space<vmem>> -> memref<1x125xi32, #tpu.memory_space<vmem>>
          %dma_start3A_55 = tpu.memref_squeeze %dma_start3A_54 : memref<1x125xi32, #tpu.memory_space<vmem>> -> memref<125xi32, #tpu.memory_space<vmem>>
          %dma_start3A_56 = arith.constant 0 : i32
          %dma_start3A_57 = arith.constant 0 : i32
          %dma_start3A_58 = tpu.memref_slice %arg2[%dma_start3A_56, %dma_start3A_57] : memref<20480x128xf32, #tpu.memory_space<hbm>> -> memref<20480x128xf32, #tpu.memory_space<hbm>>
          tpu.enqueue_indirect_dma source(%dma_start3A_58 : memref<20480x128xf32, #tpu.memory_space<hbm>>) target(%arg9 : memref<125x128xf32, #tpu.memory_space<vmem>>) offsets(%dma_start3A_55 : memref<125xi32, #tpu.memory_space<vmem>>) semaphore(%run_scoped3A : memref<!tpu.dma_semaphore, #tpu.memory_space<semaphore_mem>>)
          %add3A_59 = arith.constant 1 : i32
          %add3A_60 = arith.addi %mul3A_35, %add3A_59 : i32
          %dma_wait3A_61 = arith.constant 0 : i32
          %dma_wait3A_62 = tpu.memref_slice %arg7[%add3A_60, %dma_wait3A_61] : memref<40x125xi32, #tpu.memory_space<vmem>> -> memref<1x125xi32, #tpu.memory_space<vmem>>
          %dma_wait3A_63 = tpu.memref_squeeze %dma_wait3A_62 : memref<1x125xi32, #tpu.memory_space<vmem>> -> memref<125xi32, #tpu.memory_space<vmem>>
          %dma_wait3A_64 = arith.constant 0 : i32
          %dma_wait3A_65 = arith.constant 0 : i32
          %dma_wait3A_66 = tpu.memref_slice %arg2[%dma_wait3A_64, %dma_wait3A_65] : memref<20480x128xf32, #tpu.memory_space<hbm>> -> memref<20480x128xf32, #tpu.memory_space<hbm>>
          tpu.wait_indirect_dma semaphore(%run_scoped3A_6 : memref<!tpu.dma_semaphore, #tpu.memory_space<semaphore_mem>>) src(%dma_wait3A_66 : memref<20480x128xf32, #tpu.memory_space<hbm>>) dst(%arg10 : memref<125x128xf32, #tpu.memory_space<vmem>>)
          %add3A_67 = arith.constant 1 : i32
          %add3A_68 = arith.addi %mul3A_35, %add3A_67 : i32
          "tpu.region"() ({
            %run_scoped3A_69 = tpu.sem_alloc : memref<!tpu.dma_semaphore, #tpu.memory_space<semaphore_mem>>
            %dma_start3A_70 = arith.constant 0 : i32
            %dma_start3A_71 = tpu.memref_slice %arg8[%add3A_68, %dma_start3A_70] : memref<40x125xi32, #tpu.memory_space<vmem>> -> memref<1x125xi32, #tpu.memory_space<vmem>>
            %dma_start3A_72 = tpu.memref_squeeze %dma_start3A_71 : memref<1x125xi32, #tpu.memory_space<vmem>> -> memref<125xi32, #tpu.memory_space<vmem>>
            %dma_start3A_73 = arith.constant 0 : i32
            %dma_start3A_74 = arith.constant 0 : i32
            %dma_start3A_75 = tpu.memref_slice %arg11[%dma_start3A_73, %dma_start3A_74] : memref<10240x128xf32, #tpu.memory_space<vmem_shared>> -> memref<10240x128xf32, #tpu.memory_space<vmem_shared>>
            tpu.enqueue_indirect_dma source(%arg10 : memref<125x128xf32, #tpu.memory_space<vmem>>) target(%dma_start3A_75 : memref<10240x128xf32, #tpu.memory_space<vmem_shared>>) offsets(%dma_start3A_72 : memref<125xi32, #tpu.memory_space<vmem>>) semaphore(%run_scoped3A_69 : memref<!tpu.dma_semaphore, #tpu.memory_space<semaphore_mem>>) {add = true}
            %dma_wait3A_76 = arith.constant 0 : i32
            %dma_wait3A_77 = tpu.memref_slice %arg8[%add3A_68, %dma_wait3A_76] : memref<40x125xi32, #tpu.memory_space<vmem>> -> memref<1x125xi32, #tpu.memory_space<vmem>>
            %dma_wait3A_78 = tpu.memref_squeeze %dma_wait3A_77 : memref<1x125xi32, #tpu.memory_space<vmem>> -> memref<125xi32, #tpu.memory_space<vmem>>
            %dma_wait3A_79 = arith.constant 0 : i32
            %dma_wait3A_80 = arith.constant 0 : i32
            %dma_wait3A_81 = tpu.memref_slice %arg11[%dma_wait3A_79, %dma_wait3A_80] : memref<10240x128xf32, #tpu.memory_space<vmem_shared>> -> memref<10240x128xf32, #tpu.memory_space<vmem_shared>>
            tpu.wait_indirect_dma semaphore(%run_scoped3A_69 : memref<!tpu.dma_semaphore, #tpu.memory_space<semaphore_mem>>) src(%arg10 : memref<125x128xf32, #tpu.memory_space<vmem>>) dst(%dma_wait3A_81 : memref<10240x128xf32, #tpu.memory_space<vmem_shared>>)
            tpu.yield
          }) : () -> ()
        }
        %scan3A_26 = arith.constant 20 : i32
        %dma_wait3A = arith.constant 39 : i32
        %dma_wait3A_27 = arith.constant 0 : i32
        %dma_wait3A_28 = tpu.memref_slice %arg7[%dma_wait3A, %dma_wait3A_27] : memref<40x125xi32, #tpu.memory_space<vmem>> -> memref<1x125xi32, #tpu.memory_space<vmem>>
        %dma_wait3A_29 = tpu.memref_squeeze %dma_wait3A_28 : memref<1x125xi32, #tpu.memory_space<vmem>> -> memref<125xi32, #tpu.memory_space<vmem>>
        %dma_wait3A_30 = arith.constant 0 : i32
        %dma_wait3A_31 = arith.constant 0 : i32
        %dma_wait3A_32 = tpu.memref_slice %arg2[%dma_wait3A_30, %dma_wait3A_31] : memref<20480x128xf32, #tpu.memory_space<hbm>> -> memref<20480x128xf32, #tpu.memory_space<hbm>>
        tpu.wait_indirect_dma semaphore(%run_scoped3A : memref<!tpu.dma_semaphore, #tpu.memory_space<semaphore_mem>>) src(%dma_wait3A_32 : memref<20480x128xf32, #tpu.memory_space<hbm>>) dst(%arg9 : memref<125x128xf32, #tpu.memory_space<vmem>>)
      }
      %scan3A_11 = arith.constant 2 : i32
      tpu.yield
    }) : () -> ()
    %barrier3A_0 = arith.constant 0 : index
    tpu.barrier barrier_id(%barrier3A_0)
    %mul3A = arith.constant 640 : i32
    %mul3A_1 = arith.muli %arg1, %mul3A : i32
    %mul3A_2 = arith.constant 10240 : i32
    %mul3A_3 = arith.muli %arg0, %mul3A_2 : i32
    %mul3A_4 = arith.constant 640 : i32
    %mul3A_5 = arith.muli %arg1, %mul3A_4 : i32
    %add3A = arith.addi %mul3A_3, %mul3A_5 : i32
    "tpu.region"() ({
      %run_scoped3A = tpu.sem_alloc : memref<!tpu.dma_semaphore, #tpu.memory_space<semaphore_mem>>
      %dma_start3A = arith.constant 0 : i32
      %dma_start3A_6 = tpu.memref_slice %arg6[%add3A, %dma_start3A] : memref<20480x128xf32, #tpu.memory_space<hbm>> -> memref<640x128xf32, #tpu.memory_space<hbm>>
      %dma_start3A_7 = arith.constant 0 : i32
      %dma_start3A_8 = tpu.memref_slice %arg11[%mul3A_1, %dma_start3A_7] : memref<10240x128xf32, #tpu.memory_space<vmem_shared>> -> memref<640x128xf32, #tpu.memory_space<vmem_shared>>
      tpu.enqueue_dma source(%dma_start3A_8 : memref<640x128xf32, #tpu.memory_space<vmem_shared>>) target(%dma_start3A_6 : memref<640x128xf32, #tpu.memory_space<hbm>>) target_semaphore(%run_scoped3A : memref<!tpu.dma_semaphore, #tpu.memory_space<semaphore_mem>>)
      %dma_wait3A = arith.constant 0 : i32
      %dma_wait3A_9 = tpu.memref_slice %arg6[%add3A, %dma_wait3A] : memref<20480x128xf32, #tpu.memory_space<hbm>> -> memref<640x128xf32, #tpu.memory_space<hbm>>
      %dma_wait3A_10 = arith.constant 0 : i32
      %dma_wait3A_11 = tpu.memref_slice %arg11[%mul3A_1, %dma_wait3A_10] : memref<10240x128xf32, #tpu.memory_space<vmem_shared>> -> memref<640x128xf32, #tpu.memory_space<vmem_shared>>
      tpu.wait_dma2 semaphore(%run_scoped3A : memref<!tpu.dma_semaphore, #tpu.memory_space<semaphore_mem>>) src(%dma_wait3A_11 : memref<640x128xf32, #tpu.memory_space<vmem_shared>>) dst(%dma_wait3A_9 : memref<640x128xf32, #tpu.memory_space<hbm>>)
      tpu.yield
    }) : () -> ()
    return
  }
}

module attributes {stable_mosaic.version = 14 : i64} {
  func.func @body(%arg0: i32, %arg1: memref<1000x256xf32, #tpu.memory_space<vmem>>, %arg2: memref<2x1000x128xf32, #tpu.memory_space<vmem>>, %arg3: memref<2x128x256xf32, #tpu.memory_space<vmem>>, %arg4: memref<1x256xf32, #tpu.memory_space<vmem>>, %arg5: memref<2x1000x128xf32, #tpu.memory_space<vmem>>) attributes {dimension_semantics = [#tpu.dimension_semantics<arbitrary>], iteration_bounds = array<i64: 10>, scalar_prefetch = 0 : i64, scratch_operands = 0 : i64, tpu.core_type = #tpu.core_type<tc>, window_params = [{transform_indices = @transform_0, window_bounds = array<i64: 1000, 256>}, {transform_indices = @transform_1, window_bounds = array<i64: 2, 1000, 128>}, {pipeline_mode = #tpu.pipeline_mode<synchronous>, transform_indices = @transform_2, window_bounds = array<i64: 2, 128, 256>}, {pipeline_mode = #tpu.pipeline_mode<synchronous>, transform_indices = @transform_3, window_bounds = array<i64: 1, 256>}, {transform_indices = @transform_4, window_bounds = array<i64: 2, 1000, 128>}]} {
    %get3A = arith.constant 0 : index
    %get3A_0 = arith.constant 0 : index
    %get3A_1 = vector.load %arg1[%get3A, %get3A_0] : memref<1000x256xf32, #tpu.memory_space<vmem>>, vector<1000x256xf32>
    %slice3A = vector.extract_strided_slice %get3A_1 {offsets = [0, 0], sizes = [1000, 128], strides = [1, 1]} : vector<1000x256xf32> to vector<1000x128xf32>
    %get3A_2 = arith.constant 0 : index
    %get3A_3 = arith.constant 0 : index
    %get3A_4 = arith.constant 0 : index
    %get3A_5 = vector.load %arg2[%get3A_2, %get3A_3, %get3A_4] : memref<2x1000x128xf32, #tpu.memory_space<vmem>>, vector<1x1000x128xf32>
    %get3A_6 = vector.shape_cast %get3A_5 : vector<1x1000x128xf32> to vector<1000x128xf32>
    %add3A = arith.addf %slice3A, %get3A_6 : vector<1000x128xf32>
    %slice3A_7 = vector.extract_strided_slice %get3A_1 {offsets = [0, 128], sizes = [1000, 128], strides = [1, 1]} : vector<1000x256xf32> to vector<1000x128xf32>
    %get3A_8 = arith.constant 1 : index
    %get3A_9 = arith.constant 0 : index
    %get3A_10 = arith.constant 0 : index
    %get3A_11 = vector.load %arg2[%get3A_8, %get3A_9, %get3A_10] : memref<2x1000x128xf32, #tpu.memory_space<vmem>>, vector<1x1000x128xf32>
    %get3A_12 = vector.shape_cast %get3A_11 : vector<1x1000x128xf32> to vector<1000x128xf32>
    %add3A_13 = arith.addf %slice3A_7, %get3A_12 : vector<1000x128xf32>
    %get3A_14 = arith.constant 0 : index
    %get3A_15 = arith.constant 0 : index
    %get3A_16 = arith.constant 0 : index
    %get3A_17 = vector.load %arg3[%get3A_14, %get3A_15, %get3A_16] : memref<2x128x256xf32, #tpu.memory_space<vmem>>, vector<1x128x256xf32>
    %get3A_18 = vector.shape_cast %get3A_17 : vector<1x128x256xf32> to vector<128x256xf32>
    %dot_general3A = arith.constant dense<0.000000e+00> : vector<1000x256xf32>
    %dot_general3A_19 = tpu.matmul %add3A, %get3A_18, %dot_general3A {dimension_numbers = #tpu.dot_dimension_numbers<[1], [0], [0], [1], [0, 0, 1, 1], [], []>, transpose_lhs_hint = false} : vector<1000x128xf32>, vector<128x256xf32>, vector<1000x256xf32> -> vector<1000x256xf32>
    %get3A_20 = arith.constant 1 : index
    %get3A_21 = arith.constant 0 : index
    %get3A_22 = arith.constant 0 : index
    %get3A_23 = vector.load %arg3[%get3A_20, %get3A_21, %get3A_22] : memref<2x128x256xf32, #tpu.memory_space<vmem>>, vector<1x128x256xf32>
    %get3A_24 = vector.shape_cast %get3A_23 : vector<1x128x256xf32> to vector<128x256xf32>
    %dot_general3A_25 = arith.constant dense<0.000000e+00> : vector<1000x256xf32>
    %dot_general3A_26 = tpu.matmul %add3A_13, %get3A_24, %dot_general3A_25 {dimension_numbers = #tpu.dot_dimension_numbers<[1], [0], [0], [1], [0, 0, 1, 1], [], []>, transpose_lhs_hint = false} : vector<1000x128xf32>, vector<128x256xf32>, vector<1000x256xf32> -> vector<1000x256xf32>
    %add3A_27 = arith.addf %dot_general3A_19, %dot_general3A_26 : vector<1000x256xf32>
    %get3A_28 = arith.constant 0 : index
    %get3A_29 = arith.constant 0 : index
    %get3A_30 = vector.load %arg4[%get3A_28, %get3A_29] : memref<1x256xf32, #tpu.memory_space<vmem>>, vector<1x256xf32>
    %get3A_31 = vector.shape_cast %get3A_30 : vector<1x256xf32> to vector<256xf32>
    %broadcast_in_dim3A = vector.shape_cast %get3A_31 : vector<256xf32> to vector<1x256xf32>
    %add3A_32 = vector.broadcast %broadcast_in_dim3A : vector<1x256xf32> to vector<1000x256xf32>
    %add3A_33 = arith.addf %add3A_27, %add3A_32 : vector<1000x256xf32>
    %max3A = arith.constant 0.000000e+00 : f32
    %max3A_34 = vector.broadcast %max3A : f32 to vector<1000x256xf32>
    %max3A_35 = arith.maximumf %add3A_33, %max3A_34 : vector<1000x256xf32>
    %slice3A_36 = vector.extract_strided_slice %max3A_35 {offsets = [0, 0], sizes = [1000, 128], strides = [1, 1]} : vector<1000x256xf32> to vector<1000x128xf32>
    %swap3A = arith.constant 0 : index
    %swap3A_37 = arith.constant 0 : index
    %swap3A_38 = arith.constant 0 : index
    %swap3A_39 = vector.load %arg5[%swap3A, %swap3A_37, %swap3A_38] : memref<2x1000x128xf32, #tpu.memory_space<vmem>>, vector<1x1000x128xf32>
    %swap3A_40 = vector.shape_cast %swap3A_39 : vector<1x1000x128xf32> to vector<1000x128xf32>
    %swap3A_41 = vector.shape_cast %slice3A_36 : vector<1000x128xf32> to vector<1x1000x128xf32>
    tpu.vector_store %arg5[%swap3A, %swap3A_37, %swap3A_38], %swap3A_41 {strides = array<i32>} : memref<2x1000x128xf32, #tpu.memory_space<vmem>>, vector<1x1000x128xf32>,
    %slice3A_42 = vector.extract_strided_slice %max3A_35 {offsets = [0, 128], sizes = [1000, 128], strides = [1, 1]} : vector<1000x256xf32> to vector<1000x128xf32>
    %swap3A_43 = arith.constant 1 : index
    %swap3A_44 = arith.constant 0 : index
    %swap3A_45 = arith.constant 0 : index
    %swap3A_46 = vector.load %arg5[%swap3A_43, %swap3A_44, %swap3A_45] : memref<2x1000x128xf32, #tpu.memory_space<vmem>>, vector<1x1000x128xf32>
    %swap3A_47 = vector.shape_cast %swap3A_46 : vector<1x1000x128xf32> to vector<1000x128xf32>
    %swap3A_48 = vector.shape_cast %slice3A_42 : vector<1000x128xf32> to vector<1x1000x128xf32>
    tpu.vector_store %arg5[%swap3A_43, %swap3A_44, %swap3A_45], %swap3A_48 {strides = array<i32>} : memref<2x1000x128xf32, #tpu.memory_space<vmem>>, vector<1x1000x128xf32>,
    return
  }
  func.func @transform_0(%arg0: i32) -> (i32, i32) {
    %c0_i32 = arith.constant 0 : i32
    %c0_i32_0 = arith.constant 0 : i32
    return %arg0, %c0_i32 : i32, i32
  }
  func.func @transform_1(%arg0: i32) -> (i32, i32, i32) {
    %c0_i32 = arith.constant 0 : i32
    %c0_i32_0 = arith.constant 0 : i32
    %c0_i32_1 = arith.constant 0 : i32
    return %c0_i32, %arg0, %c0_i32_0 : i32, i32, i32
  }
  func.func @transform_2(%arg0: i32) -> (i32, i32, i32) {
    %c0_i32 = arith.constant 0 : i32
    %c0_i32_0 = arith.constant 0 : i32
    %c0_i32_1 = arith.constant 0 : i32
    %c0_i32_2 = arith.constant 0 : i32
    return %c0_i32, %c0_i32_0, %c0_i32_1 : i32, i32, i32
  }
  func.func @transform_3(%arg0: i32) -> (i32, i32) {
    %c0_i32 = arith.constant 0 : i32
    %c0_i32_0 = arith.constant 0 : i32
    %c0_i32_1 = arith.constant 0 : i32
    return %c0_i32, %c0_i32_0 : i32, i32
  }
  func.func @transform_4(%arg0: i32) -> (i32, i32, i32) {
    %c0_i32 = arith.constant 0 : i32
    %c0_i32_0 = arith.constant 0 : i32
    %c0_i32_1 = arith.constant 0 : i32
    return %c0_i32, %arg0, %c0_i32_0 : i32, i32, i32
  }
}

module attributes {stable_mosaic.version = 14 : i64} {
  func.func @body(%arg0: i32, %arg1: memref<2x1000x128xf32, #tpu.memory_space<vmem>>, %arg2: memref<2x1000x128xf32, #tpu.memory_space<vmem>>, %arg3: memref<2x128x256xf32, #tpu.memory_space<vmem>>, %arg4: memref<1x256xf32, #tpu.memory_space<vmem>>, %arg5: memref<2x1000x128xf32, #tpu.memory_space<vmem>>) attributes {dimension_semantics = [#tpu.dimension_semantics<arbitrary>], iteration_bounds = array<i64: 10>, scalar_prefetch = 0 : i64, scratch_operands = 0 : i64, tpu.core_type = #tpu.core_type<tc>, window_params = [{transform_indices = @transform_0, window_bounds = array<i64: 2, 1000, 128>}, {transform_indices = @transform_1, window_bounds = array<i64: 2, 1000, 128>}, {pipeline_mode = #tpu.pipeline_mode<synchronous>, transform_indices = @transform_2, window_bounds = array<i64: 2, 128, 256>}, {pipeline_mode = #tpu.pipeline_mode<synchronous>, transform_indices = @transform_3, window_bounds = array<i64: 1, 256>}, {transform_indices = @transform_4, window_bounds = array<i64: 2, 1000, 128>}]} {
    %get3A = arith.constant 0 : index
    %get3A_0 = arith.constant 0 : index
    %get3A_1 = arith.constant 0 : index
    %get3A_2 = vector.load %arg1[%get3A, %get3A_0, %get3A_1] : memref<2x1000x128xf32, #tpu.memory_space<vmem>>, vector<1x1000x128xf32>
    %get3A_3 = vector.shape_cast %get3A_2 : vector<1x1000x128xf32> to vector<1000x128xf32>
    %get3A_4 = arith.constant 0 : index
    %get3A_5 = arith.constant 0 : index
    %get3A_6 = arith.constant 0 : index
    %get3A_7 = vector.load %arg2[%get3A_4, %get3A_5, %get3A_6] : memref<2x1000x128xf32, #tpu.memory_space<vmem>>, vector<1x1000x128xf32>
    %get3A_8 = vector.shape_cast %get3A_7 : vector<1x1000x128xf32> to vector<1000x128xf32>
    %add3A = arith.addf %get3A_3, %get3A_8 : vector<1000x128xf32>
    %get3A_9 = arith.constant 1 : index
    %get3A_10 = arith.constant 0 : index
    %get3A_11 = arith.constant 0 : index
    %get3A_12 = vector.load %arg1[%get3A_9, %get3A_10, %get3A_11] : memref<2x1000x128xf32, #tpu.memory_space<vmem>>, vector<1x1000x128xf32>
    %get3A_13 = vector.shape_cast %get3A_12 : vector<1x1000x128xf32> to vector<1000x128xf32>
    %get3A_14 = arith.constant 1 : index
    %get3A_15 = arith.constant 0 : index
    %get3A_16 = arith.constant 0 : index
    %get3A_17 = vector.load %arg2[%get3A_14, %get3A_15, %get3A_16] : memref<2x1000x128xf32, #tpu.memory_space<vmem>>, vector<1x1000x128xf32>
    %get3A_18 = vector.shape_cast %get3A_17 : vector<1x1000x128xf32> to vector<1000x128xf32>
    %add3A_19 = arith.addf %get3A_13, %get3A_18 : vector<1000x128xf32>
    %get3A_20 = arith.constant 0 : index
    %get3A_21 = arith.constant 0 : index
    %get3A_22 = arith.constant 0 : index
    %get3A_23 = vector.load %arg3[%get3A_20, %get3A_21, %get3A_22] : memref<2x128x256xf32, #tpu.memory_space<vmem>>, vector<1x128x256xf32>
    %get3A_24 = vector.shape_cast %get3A_23 : vector<1x128x256xf32> to vector<128x256xf32>
    %dot_general3A = arith.constant dense<0.000000e+00> : vector<1000x256xf32>
    %dot_general3A_25 = tpu.matmul %add3A, %get3A_24, %dot_general3A {dimension_numbers = #tpu.dot_dimension_numbers<[1], [0], [0], [1], [0, 0, 1, 1], [], []>, transpose_lhs_hint = false} : vector<1000x128xf32>, vector<128x256xf32>, vector<1000x256xf32> -> vector<1000x256xf32>
    %get3A_26 = arith.constant 1 : index
    %get3A_27 = arith.constant 0 : index
    %get3A_28 = arith.constant 0 : index
    %get3A_29 = vector.load %arg3[%get3A_26, %get3A_27, %get3A_28] : memref<2x128x256xf32, #tpu.memory_space<vmem>>, vector<1x128x256xf32>
    %get3A_30 = vector.shape_cast %get3A_29 : vector<1x128x256xf32> to vector<128x256xf32>
    %dot_general3A_31 = arith.constant dense<0.000000e+00> : vector<1000x256xf32>
    %dot_general3A_32 = tpu.matmul %add3A_19, %get3A_30, %dot_general3A_31 {dimension_numbers = #tpu.dot_dimension_numbers<[1], [0], [0], [1], [0, 0, 1, 1], [], []>, transpose_lhs_hint = false} : vector<1000x128xf32>, vector<128x256xf32>, vector<1000x256xf32> -> vector<1000x256xf32>
    %add3A_33 = arith.addf %dot_general3A_25, %dot_general3A_32 : vector<1000x256xf32>
    %get3A_34 = arith.constant 0 : index
    %get3A_35 = arith.constant 0 : index
    %get3A_36 = vector.load %arg4[%get3A_34, %get3A_35] : memref<1x256xf32, #tpu.memory_space<vmem>>, vector<1x256xf32>
    %get3A_37 = vector.shape_cast %get3A_36 : vector<1x256xf32> to vector<256xf32>
    %broadcast_in_dim3A = vector.shape_cast %get3A_37 : vector<256xf32> to vector<1x256xf32>
    %add3A_38 = vector.broadcast %broadcast_in_dim3A : vector<1x256xf32> to vector<1000x256xf32>
    %add3A_39 = arith.addf %add3A_33, %add3A_38 : vector<1000x256xf32>
    %max3A = arith.constant 0.000000e+00 : f32
    %max3A_40 = vector.broadcast %max3A : f32 to vector<1000x256xf32>
    %max3A_41 = arith.maximumf %add3A_39, %max3A_40 : vector<1000x256xf32>
    %slice3A = vector.extract_strided_slice %max3A_41 {offsets = [0, 0], sizes = [1000, 128], strides = [1, 1]} : vector<1000x256xf32> to vector<1000x128xf32>
    %swap3A = arith.constant 0 : index
    %swap3A_42 = arith.constant 0 : index
    %swap3A_43 = arith.constant 0 : index
    %swap3A_44 = vector.load %arg5[%swap3A, %swap3A_42, %swap3A_43] : memref<2x1000x128xf32, #tpu.memory_space<vmem>>, vector<1x1000x128xf32>
    %swap3A_45 = vector.shape_cast %swap3A_44 : vector<1x1000x128xf32> to vector<1000x128xf32>
    %swap3A_46 = vector.shape_cast %slice3A : vector<1000x128xf32> to vector<1x1000x128xf32>
    tpu.vector_store %arg5[%swap3A, %swap3A_42, %swap3A_43], %swap3A_46 {strides = array<i32>} : memref<2x1000x128xf32, #tpu.memory_space<vmem>>, vector<1x1000x128xf32>,
    %slice3A_47 = vector.extract_strided_slice %max3A_41 {offsets = [0, 128], sizes = [1000, 128], strides = [1, 1]} : vector<1000x256xf32> to vector<1000x128xf32>
    %swap3A_48 = arith.constant 1 : index
    %swap3A_49 = arith.constant 0 : index
    %swap3A_50 = arith.constant 0 : index
    %swap3A_51 = vector.load %arg5[%swap3A_48, %swap3A_49, %swap3A_50] : memref<2x1000x128xf32, #tpu.memory_space<vmem>>, vector<1x1000x128xf32>
    %swap3A_52 = vector.shape_cast %swap3A_51 : vector<1x1000x128xf32> to vector<1000x128xf32>
    %swap3A_53 = vector.shape_cast %slice3A_47 : vector<1000x128xf32> to vector<1x1000x128xf32>
    tpu.vector_store %arg5[%swap3A_48, %swap3A_49, %swap3A_50], %swap3A_53 {strides = array<i32>} : memref<2x1000x128xf32, #tpu.memory_space<vmem>>, vector<1x1000x128xf32>,
    return
  }
  func.func @transform_0(%arg0: i32) -> (i32, i32, i32) {
    %c0_i32 = arith.constant 0 : i32
    %c0_i32_0 = arith.constant 0 : i32
    %c0_i32_1 = arith.constant 0 : i32
    return %c0_i32, %arg0, %c0_i32_0 : i32, i32, i32
  }
  func.func @transform_1(%arg0: i32) -> (i32, i32, i32) {
    %c0_i32 = arith.constant 0 : i32
    %c0_i32_0 = arith.constant 0 : i32
    %c0_i32_1 = arith.constant 0 : i32
    return %c0_i32, %arg0, %c0_i32_0 : i32, i32, i32
  }
  func.func @transform_2(%arg0: i32) -> (i32, i32, i32) {
    %c0_i32 = arith.constant 0 : i32
    %c0_i32_0 = arith.constant 0 : i32
    %c0_i32_1 = arith.constant 0 : i32
    %c0_i32_2 = arith.constant 0 : i32
    return %c0_i32, %c0_i32_0, %c0_i32_1 : i32, i32, i32
  }
  func.func @transform_3(%arg0: i32) -> (i32, i32) {
    %c0_i32 = arith.constant 0 : i32
    %c0_i32_0 = arith.constant 0 : i32
    %c0_i32_1 = arith.constant 0 : i32
    return %c0_i32, %c0_i32_0 : i32, i32
  }
  func.func @transform_4(%arg0: i32) -> (i32, i32, i32) {
    %c0_i32 = arith.constant 0 : i32
    %c0_i32_0 = arith.constant 0 : i32
    %c0_i32_1 = arith.constant 0 : i32
    return %c0_i32, %arg0, %c0_i32_0 : i32, i32, i32
  }
}

module attributes {stable_mosaic.version = 14 : i64} {
  func.func @body(%arg0: i32, %arg1: memref<2x1000x128xf32, #tpu.memory_space<vmem>>, %arg2: memref<2x1000x128xf32, #tpu.memory_space<vmem>>, %arg3: memref<2x128x256xf32, #tpu.memory_space<vmem>>, %arg4: memref<1x256xf32, #tpu.memory_space<vmem>>, %arg5: memref<256x40xf32, #tpu.memory_space<vmem>>, %arg6: memref<1x40xf32, #tpu.memory_space<vmem>>, %arg7: memref<1000x40xf32, #tpu.memory_space<vmem>>) attributes {dimension_semantics = [#tpu.dimension_semantics<arbitrary>], iteration_bounds = array<i64: 10>, scalar_prefetch = 0 : i64, scratch_operands = 0 : i64, tpu.core_type = #tpu.core_type<tc>, window_params = [{transform_indices = @transform_0, window_bounds = array<i64: 2, 1000, 128>}, {transform_indices = @transform_1, window_bounds = array<i64: 2, 1000, 128>}, {pipeline_mode = #tpu.pipeline_mode<synchronous>, transform_indices = @transform_2, window_bounds = array<i64: 2, 128, 256>}, {pipeline_mode = #tpu.pipeline_mode<synchronous>, transform_indices = @transform_3, window_bounds = array<i64: 1, 256>}, {pipeline_mode = #tpu.pipeline_mode<synchronous>, transform_indices = @transform_4, window_bounds = array<i64: 256, 40>}, {pipeline_mode = #tpu.pipeline_mode<synchronous>, transform_indices = @transform_5, window_bounds = array<i64: 1, 40>}, {transform_indices = @transform_6, window_bounds = array<i64: 1000, 40>}]} {
    %get3A = arith.constant 0 : index
    %get3A_0 = arith.constant 0 : index
    %get3A_1 = arith.constant 0 : index
    %get3A_2 = vector.load %arg1[%get3A, %get3A_0, %get3A_1] : memref<2x1000x128xf32, #tpu.memory_space<vmem>>, vector<1x1000x128xf32>
    %get3A_3 = vector.shape_cast %get3A_2 : vector<1x1000x128xf32> to vector<1000x128xf32>
    %get3A_4 = arith.constant 0 : index
    %get3A_5 = arith.constant 0 : index
    %get3A_6 = arith.constant 0 : index
    %get3A_7 = vector.load %arg2[%get3A_4, %get3A_5, %get3A_6] : memref<2x1000x128xf32, #tpu.memory_space<vmem>>, vector<1x1000x128xf32>
    %get3A_8 = vector.shape_cast %get3A_7 : vector<1x1000x128xf32> to vector<1000x128xf32>
    %add3A = arith.addf %get3A_3, %get3A_8 : vector<1000x128xf32>
    %get3A_9 = arith.constant 1 : index
    %get3A_10 = arith.constant 0 : index
    %get3A_11 = arith.constant 0 : index
    %get3A_12 = vector.load %arg1[%get3A_9, %get3A_10, %get3A_11] : memref<2x1000x128xf32, #tpu.memory_space<vmem>>, vector<1x1000x128xf32>
    %get3A_13 = vector.shape_cast %get3A_12 : vector<1x1000x128xf32> to vector<1000x128xf32>
    %get3A_14 = arith.constant 1 : index
    %get3A_15 = arith.constant 0 : index
    %get3A_16 = arith.constant 0 : index
    %get3A_17 = vector.load %arg2[%get3A_14, %get3A_15, %get3A_16] : memref<2x1000x128xf32, #tpu.memory_space<vmem>>, vector<1x1000x128xf32>
    %get3A_18 = vector.shape_cast %get3A_17 : vector<1x1000x128xf32> to vector<1000x128xf32>
    %add3A_19 = arith.addf %get3A_13, %get3A_18 : vector<1000x128xf32>
    %get3A_20 = arith.constant 0 : index
    %get3A_21 = arith.constant 0 : index
    %get3A_22 = arith.constant 0 : index
    %get3A_23 = vector.load %arg3[%get3A_20, %get3A_21, %get3A_22] : memref<2x128x256xf32, #tpu.memory_space<vmem>>, vector<1x128x256xf32>
    %get3A_24 = vector.shape_cast %get3A_23 : vector<1x128x256xf32> to vector<128x256xf32>
    %dot_general3A = arith.constant dense<0.000000e+00> : vector<1000x256xf32>
    %dot_general3A_25 = tpu.matmul %add3A, %get3A_24, %dot_general3A {dimension_numbers = #tpu.dot_dimension_numbers<[1], [0], [0], [1], [0, 0, 1, 1], [], []>, transpose_lhs_hint = false} : vector<1000x128xf32>, vector<128x256xf32>, vector<1000x256xf32> -> vector<1000x256xf32>
    %get3A_26 = arith.constant 1 : index
    %get3A_27 = arith.constant 0 : index
    %get3A_28 = arith.constant 0 : index
    %get3A_29 = vector.load %arg3[%get3A_26, %get3A_27, %get3A_28] : memref<2x128x256xf32, #tpu.memory_space<vmem>>, vector<1x128x256xf32>
    %get3A_30 = vector.shape_cast %get3A_29 : vector<1x128x256xf32> to vector<128x256xf32>
    %dot_general3A_31 = arith.constant dense<0.000000e+00> : vector<1000x256xf32>
    %dot_general3A_32 = tpu.matmul %add3A_19, %get3A_30, %dot_general3A_31 {dimension_numbers = #tpu.dot_dimension_numbers<[1], [0], [0], [1], [0, 0, 1, 1], [], []>, transpose_lhs_hint = false} : vector<1000x128xf32>, vector<128x256xf32>, vector<1000x256xf32> -> vector<1000x256xf32>
    %add3A_33 = arith.addf %dot_general3A_25, %dot_general3A_32 : vector<1000x256xf32>
    %get3A_34 = arith.constant 0 : index
    %get3A_35 = arith.constant 0 : index
    %get3A_36 = vector.load %arg4[%get3A_34, %get3A_35] : memref<1x256xf32, #tpu.memory_space<vmem>>, vector<1x256xf32>
    %get3A_37 = vector.shape_cast %get3A_36 : vector<1x256xf32> to vector<256xf32>
    %broadcast_in_dim3A = vector.shape_cast %get3A_37 : vector<256xf32> to vector<1x256xf32>
    %add3A_38 = vector.broadcast %broadcast_in_dim3A : vector<1x256xf32> to vector<1000x256xf32>
    %add3A_39 = arith.addf %add3A_33, %add3A_38 : vector<1000x256xf32>
    %max3A = arith.constant 0.000000e+00 : f32
    %max3A_40 = vector.broadcast %max3A : f32 to vector<1000x256xf32>
    %max3A_41 = arith.maximumf %add3A_39, %max3A_40 : vector<1000x256xf32>
    %get3A_42 = arith.constant 0 : index
    %get3A_43 = arith.constant 0 : index
    %get3A_44 = vector.load %arg5[%get3A_42, %get3A_43] : memref<256x40xf32, #tpu.memory_space<vmem>>, vector<256x40xf32>
    %dot_general3A_45 = arith.constant dense<0.000000e+00> : vector<1000x40xf32>
    %dot_general3A_46 = tpu.matmul %max3A_41, %get3A_44, %dot_general3A_45 {dimension_numbers = #tpu.dot_dimension_numbers<[1], [0], [0], [1], [0, 0, 1, 1], [], []>, transpose_lhs_hint = false} : vector<1000x256xf32>, vector<256x40xf32>, vector<1000x40xf32> -> vector<1000x40xf32>
    %get3A_47 = arith.constant 0 : index
    %get3A_48 = arith.constant 0 : index
    %get3A_49 = vector.load %arg6[%get3A_47, %get3A_48] : memref<1x40xf32, #tpu.memory_space<vmem>>, vector<1x40xf32>
    %get3A_50 = vector.shape_cast %get3A_49 : vector<1x40xf32> to vector<40xf32>
    %broadcast_in_dim3A_51 = vector.shape_cast %get3A_50 : vector<40xf32> to vector<1x40xf32>
    %add3A_52 = vector.broadcast %broadcast_in_dim3A_51 : vector<1x40xf32> to vector<1000x40xf32>
    %add3A_53 = arith.addf %dot_general3A_46, %add3A_52 : vector<1000x40xf32>
    %swap3A = arith.constant 0 : index
    %swap3A_54 = arith.constant 0 : index
    %swap3A_55 = vector.load %arg7[%swap3A, %swap3A_54] : memref<1000x40xf32, #tpu.memory_space<vmem>>, vector<1000x40xf32>
    tpu.vector_store %arg7[%swap3A, %swap3A_54], %add3A_53 {strides = array<i32>} : memref<1000x40xf32, #tpu.memory_space<vmem>>, vector<1000x40xf32>,
    return
  }
  func.func @transform_0(%arg0: i32) -> (i32, i32, i32) {
    %c0_i32 = arith.constant 0 : i32
    %c0_i32_0 = arith.constant 0 : i32
    %c0_i32_1 = arith.constant 0 : i32
    return %c0_i32, %arg0, %c0_i32_0 : i32, i32, i32
  }
  func.func @transform_1(%arg0: i32) -> (i32, i32, i32) {
    %c0_i32 = arith.constant 0 : i32
    %c0_i32_0 = arith.constant 0 : i32
    %c0_i32_1 = arith.constant 0 : i32
    return %c0_i32, %arg0, %c0_i32_0 : i32, i32, i32
  }
  func.func @transform_2(%arg0: i32) -> (i32, i32, i32) {
    %c0_i32 = arith.constant 0 : i32
    %c0_i32_0 = arith.constant 0 : i32
    %c0_i32_1 = arith.constant 0 : i32
    %c0_i32_2 = arith.constant 0 : i32
    return %c0_i32, %c0_i32_0, %c0_i32_1 : i32, i32, i32
  }
  func.func @transform_3(%arg0: i32) -> (i32, i32) {
    %c0_i32 = arith.constant 0 : i32
    %c0_i32_0 = arith.constant 0 : i32
    %c0_i32_1 = arith.constant 0 : i32
    return %c0_i32, %c0_i32_0 : i32, i32
  }
  func.func @transform_4(%arg0: i32) -> (i32, i32) {
    %c0_i32 = arith.constant 0 : i32
    %c0_i32_0 = arith.constant 0 : i32
    %c0_i32_1 = arith.constant 0 : i32
    return %c0_i32, %c0_i32_0 : i32, i32
  }
  func.func @transform_5(%arg0: i32) -> (i32, i32) {
    %c0_i32 = arith.constant 0 : i32
    %c0_i32_0 = arith.constant 0 : i32
    %c0_i32_1 = arith.constant 0 : i32
    return %c0_i32, %c0_i32_0 : i32, i32
  }
  func.func @transform_6(%arg0: i32) -> (i32, i32) {
    %c0_i32 = arith.constant 0 : i32
    %c0_i32_0 = arith.constant 0 : i32
    return %arg0, %c0_i32 : i32, i32
  }
}

</mosaic_0001>

<sc_bundles>
// kernel: kernel.10.cloned.1.call-start
scs
__scs_entry_jumppad:
0x0: {  	(pc) =	sbr.rel $0x88, $3  }
0x1: {  	(tag) =	ssettag $0x0;
	lr =	simm.s32 $0x1  }
0x2: {  	[smem:$0x3F95] =	sst lr;
	_ =	strace $0xD0000000  }
0x3: {  	_ = 	snop  }
0x4: {  	_ = 	snop  }
0x5: {  	_ = 	snop  }
0x6: {  	_ = 	snop  }
0x7: {  	_ = 	snop  }
__scs_overlays_trampoline_lowered:
0x8: {  	[smem:$0x3FA4] =	sst s0  }
0x9: {  	[smem:$0x3FA5] =	sst s1  }
0xa: {  	[smem:$0x3FA6] =	sst s2  }
0xb: {  	[smem:$0x3FA7] =	sst s3  }
0xc: {  	[smem:$0x3FA8] =	sst s4  }
0xd: {  	[smem:$0x3FA9] =	sst s5  }
0xe: {  	[smem:$0x3FAA] =	sst s6  }
0xf: {  	[smem:$0x3FAB] =	sst s7  }
0x10: {  	[smem:$0x3FAC] =	sst s8  }
0x11: {  	[smem:$0x3FAD] =	sst s9;
	s0 =	simm.s32 @!p0 $0x0  }
0x12: {  	s1 =	sld [smem:$0x3F93];
	s0 =	simm.s32 @p0 $0x1  }
0x13: {  	[smem:$0x3FAE] =	sst s0;
	s0 =	simm.s32 @!p1 $0x0  }
0x14: {  	s2 =	sld [smem:$0x3F92];
	s0 =	simm.s32 @p1 $0x1  }
0x15: {  	[smem:$0x3FAF] =	sst s0;
	s0 =	simm.s32 @!p2 $0x0  }
0x16: {  	s3 =	sld [smem:$0x3FDB];
	s0 =	simm.s32 @p2 $0x1  }
0x17: {  	s4 =	simm.s32 $0x1BF5;
	[smem:$0x3FB1] =	sst s0  }
0x18: {  	s0 =	sld [smem:$0x3F94];
	_ =	swait.ge [sflag:s4], $0x0  }
0x19: {  	s7 =	sld [smem:$0x3F95]  }
0x1a: {  	s8 =	sadd.s32 $0xFFFFE003, lr  }
0x1b: {  	s9 =	sadd.s32 $0xFFFFFEF7, lr;
	s5 =	simm.s32 $0xFFFFFFFF;
	p2 =	slt.u32 s8, $0xFFFFF086  }
0x1c: {  	p1 =	slt.u32 s9, $0xF7A;
	s5 =	simm.s32 @!p2 $0x0  }
0x1d: {  	s5 =	simm.s32 @p1 $0x1;
	p0 =	seq.s32 s7, s2  }
0x1e: {  	s7 =	smul.u32 @!p0 $0xF7A, s2;
	p2 =	seq.s32 @!p0 s5, $0x0  }
0x1f: {  	s9 =	smul.u32 $0xF7A, s1;
	s8 =	simm.s32 @!p0 $0x1BF5;
	p2 =	por !p2, p0  }
0x20: {  	[sflag:s8] =	ssyncset.s32 @!p0 $0xFFFFF086;
	s6 =	sadd.s32 @!p0 s3, s7;
	s7 =	simm.s32 @!p0 $0x108  }
0x21: {  	s3 =	sadd.s32 s3, s9;
	s6 =	sadd.s32 @!p0 $0x88, s6;
	s7 =	simm.s32 @p2 $0x1082  }
0x22: {  	[simem:s7], [sflag:s8] =	dma.local @!p0 [hbm:s6], $0xF7A  }
0x23: {  	s9 =	sor.u32 $0xD0000000, s2;
	s6 =	simm.s32 $0x108;
	_ =	swait.ge @!p0 [sflag:s8], $0x0  }
0x24: {  	s3 =	sadd.s32 $0x88, s3;
	s6 =	simm.s32 @!p1 $0x1082;
	[sflag:s4] =	ssyncset.s32 $0xFFFFF086  }
0x25: {  	[simem:s6], [sflag:s4] =	dma.local [hbm:s3], $0xF7A  }
0x26: {  	[smem:$0x3F95] =	sst s1;
	(tag) =	ssettag s2;
	_ =	strace s9  }
0x27: {  	s1 =	sld [smem:$0x3FA5]  }
0x28: {  	s2 =	sld [smem:$0x3FA6]  }
0x29: {  	s4 =	sld [smem:$0x3FA8]  }
0x2a: {  	p0 =	seq.s32 s5, $0x0;
	s5 =	sld [smem:$0x3FA9]  }
0x2b: {  	s6 =	sld [smem:$0x3FAA]  }
0x2c: {  	s7 =	sld [smem:$0x3FAB]  }
0x2d: {  	s3 =	simm.s32 $0x108;
	s8 =	sld [smem:$0x3FAC]  }
0x2e: {  	s3 =	simm.s32 @!p0 $0x1082;
	s9 =	sld [smem:$0x3FAD]  }
0x2f: {  	lr =	sadd.s32 s0, s3;
	s0 =	sld [smem:$0x3FA4]  }
0x30: {  	s3 =	sld [smem:$0x3FA7]  }
0x31: {  	[smem:$0x3FB0] =	sst s10  }
0x32: {  	s10 =	sld [smem:$0x3FAE];
	_ =	sdelay $0x3  }
0x33: {  	p0 =	seq.s32 s10, $0x1;
	s10 =	sld [smem:$0x3FB0];
	_ =	sdelay $0x3  }
0x34: {  	[smem:$0x3FB0] =	sst s10  }
0x35: {  	s10 =	sld [smem:$0x3FAF];
	_ =	sdelay $0x3  }
0x36: {  	p1 =	seq.s32 s10, $0x1;
	s10 =	sld [smem:$0x3FB0];
	_ =	sdelay $0x3  }
0x37: {  	[smem:$0x3FB0] =	sst s10  }
0x38: {  	s10 =	sld [smem:$0x3FB1]  }
0x39: {  	_ = 	snop;
	(pc) =	sbr.ind lr, $3  }
0x3a: {  	_ = 	snop  }
0x3b: {  	_ = 	snop  }
0x3c: {  	p2 =	seq.s32 s10, $0x1;
	s10 =	sld [smem:$0x3FB0]  }
0x3d: {  	_ =	shalt  }
0x3e: {  	_ =	shalt  }
0x3f: {  	_ =	shalt  }
0x40: {  	_ =	shalt  }
0x41: {  	_ =	shalt  }
0x42: {  	_ =	shalt  }
0x43: {  	_ =	shalt  }
0x44: {  	_ =	shalt  }
0x45: {  	_ =	shalt  }
0x46: {  	_ =	shalt  }
0x47: {  	_ =	shalt  }
0x48: {  	_ =	shalt  }
0x49: {  	_ =	shalt  }
0x4a: {  	_ =	shalt  }
0x4b: {  	_ =	shalt  }
0x4c: {  	_ =	shalt  }
0x4d: {  	_ =	shalt  }
0x4e: {  	_ =	shalt  }
0x4f: {  	_ =	shalt  }
0x50: {  	_ =	shalt  }
0x51: {  	_ =	shalt  }
0x52: {  	_ =	shalt  }
0x53: {  	_ =	shalt  }
0x54: {  	_ =	shalt  }
0x55: {  	_ =	shalt  }
0x56: {  	_ =	shalt  }
0x57: {  	_ =	shalt  }
0x58: {  	_ =	shalt  }
0x59: {  	_ =	shalt  }
0x5a: {  	_ =	shalt  }
0x5b: {  	_ =	shalt  }
0x5c: {  	_ =	shalt  }
0x5d: {  	_ =	shalt  }
0x5e: {  	_ =	shalt  }
0x5f: {  	_ =	shalt  }
0x60: {  	_ =	shalt  }
0x61: {  	_ =	shalt  }
0x62: {  	_ =	shalt  }
0x63: {  	_ =	shalt  }
0x64: {  	_ =	shalt  }
0x65: {  	_ =	shalt  }
0x66: {  	_ =	shalt  }
0x67: {  	_ =	shalt  }
0x68: {  	_ =	shalt  }
0x69: {  	_ =	shalt  }
0x6a: {  	_ =	shalt  }
0x6b: {  	_ =	shalt  }
0x6c: {  	_ =	shalt  }
0x6d: {  	_ =	shalt  }
0x6e: {  	_ =	shalt  }
0x6f: {  	_ =	shalt  }
0x70: {  	_ =	shalt  }
0x71: {  	_ =	shalt  }
0x72: {  	_ =	shalt  }
0x73: {  	_ =	shalt  }
0x74: {  	_ =	shalt  }
0x75: {  	_ =	shalt  }
0x76: {  	_ =	shalt  }
0x77: {  	_ =	shalt  }
0x78: {  	_ =	shalt  }
0x79: {  	_ =	shalt  }
0x7a: {  	_ =	shalt  }
0x7b: {  	_ =	shalt  }
0x7c: {  	_ =	shalt  }
0x7d: {  	_ =	shalt  }
0x7e: {  	_ =	shalt  }
0x7f: {  	_ =	shalt  }
0x80: {  	_ =	shalt  }
0x81: {  	_ =	shalt  }
0x82: {  	_ =	shalt  }
0x83: {  	_ =	shalt  }
0x84: {  	_ =	shalt  }
0x85: {  	_ =	shalt  }
0x86: {  	_ =	shalt  }
0x87: {  	_ =	shalt  }
.Lfunc_end0:
.L_simem_size_0:
called_computation_lowered:
.L_overlay_start_0:
0x88: {  	s2 =	sld [smem:$0x3FD9]  }
0x89: {  	s3 =	sld [smem:$0x3FFE];
	_ =	sdelay $0x1  }
0x8a: {  	s1 =	srdreg.scid  }
0x8b: {  	s0 =	sand.u32 $0x1, s1  }
0x8c: {  	s17 =	sshll.u32 s0, $0xA;
	s2 =	sadd.s32 s3, s2  }
0x8d: {  	s2 =	sadd.s32 s2, s17  }
0x8e: {  	[smem:$0x3FBC] =	sst s2  }
0x8f: {  	_ = 	snop  }
0x90: {  	s2 =	sld [smem:$0x3FD0];
	(tm) =	ssettm $0x1  }
0x91: {  	s18 =	sld [smem:$0x3FFB];
	_ =	sdelay $0x3  }
0x92: {  	_ =	strace s18  }
0x93: {  	s3 =	sld [smem:$0x3FFC];
	_ =	sdelay $0x3  }
0x94: {  	_ =	strace s3  }
0x95: {  	s3 =	sld [smem:$0x3FFD];
	_ =	sdelay $0x3  }
0x96: {  	_ =	strace s3  }
0x97: {  	_ =	strace $0x8FFFFFFF  }
0x98: {  	s19 =	sld [smem:$0x3FDB];
	_ =	sdelay $0x1  }
0x99: {  	s4 =	simm.s32 $_scs_section_size  }
0x9a: {  	s5 =	simm.s32 $_size__tile_overlayer_lowered;
	s6 =	simm.s32 $_tile_overlayer_lowered  }
0x9b: {  	s22 =	simm.s32 $0x1BFF;
	s21 =	sshll.u32 s6, $0x1;
	s3 =	sadd.s32 s4, s19  }
0x9c: {  	s7 =	simm.s32 $0x0;
	s20 =	sshll.u32 s5, $0x1;
	s5 =	sadd.s32 s21, s3  }
0x9d: {  	[timem:s7], [sflag:s22] =	dma.local [hbm:s5], s20  }
0x9e: {  	_ =	swait.ge [sflag:s22], s20  }
0x9f: {  	s4 =	ssub.s32 $0x0, s20;
	[sflag:s22] =	ssyncset.done $0x0  }
0xa0: {  	[sflag:s22] =	ssyncadd.s32 s4;
	_ =	sdelay $0x1  }
0xa1: {  	s23 =	simm.s32 $0x1B8B  }
0xa2: {  	_ =	swait.ge [sflag:s23], $0x1  }
0xa3: {  	[sflag:s23] =	ssyncset.done $0x0  }
0xa4: {  	s25 =	simm.s32 $0x1B8E;
	s24 =	sld [smem:$0x3FFE];
	[sflag:s23] =	ssyncadd.s32 $0xFFFFFFFF  }
0xa5: {  	s26 =	simm.s32 $execute0_lowered;
	[smem:$0x3FD2] =	sst s25  }
0xa6: {  	s5 =	sshll.u32 s26, $0x1;
	_ =	strace $0x80000046;
	[dreg:$0x1] =	wrdreg $0xFFFFFFFF  }
0xa7: {  	s28 =	simm.s32 $_size_execute0_lowered;
	s3 =	sadd.s32 s3, s5;
	[dreg:$0x0] =	wrdreg $0x0  }
0xa8: {  	s5 =	sshll.u32 s28, $0x1;
	[dreg:$0x2] =	wrdreg s3  }
0xa9: {  	[dreg:$0x3] =	wrdreg s5  }
0xaa: {  	[dreg:$0x4] =	wrdreg $0xC0  }
0xab: {  	_ =	task [dreg:s7], $0x5FFFF  }
0xac: {  	[dreg:$0x1] =	wrdreg $0xFFFFFFFF  }
0xad: {  	[dreg:$0x0] =	wrdreg $0x60  }
0xae: {  	[dreg:$0x2] =	wrdreg s24  }
0xaf: {  	[dreg:$0x3] =	wrdreg s2  }
0xb0: {  	[dreg:$0x4] =	wrdreg $0xA8000  }
0xb1: {  	[dreg:$0x5] =	wrdreg $0x9  }
0xb2: {  	_ =	task.clear_ibuf [dreg:s7], $0x6FFFF;
	_ =	strace $0x90000046  }
0xb3: {  	s29 =	simm.s32 $0x9;
	_ =	strace $0x80000048  }
0xb4: {  	_ =	swait.ge [sflag:s29], $0x1  }
0xb5: {  	[sflag:s29] =	ssyncadd.s32 $0xFFFFFFFF  }
0xb6: {  	_ =	strace $0x90000048  }
0xb7: {  	_ =	sfence  }
0xb8: {  	s30 =	sld [smem:$0x0];
	_ =	sdelay $0x2  }
0xb9: {  	s31 =	sshll.u32 s1, $0xD;
	s1 =	sshrl.u32 s1, $0x2  }
0xba: {  	s3 =	sand.u32 $0x4000, s31;
	s1 =	sadd.s32 s1, s30  }
0xbb: {  	s0 =	sor.u32 s3, s0;
	s1 =	sshll.u32 s1, $0x11  }
0xbc: {  	s0 =	sor.u32 s1, s0  }
0xbd: {  	s0 =	sadd.s32 $0x8F2B, s0  }
0xbe: {  	[sflag:s0] =	ssyncadd.remote.s32 $0x1  }
0xbf: {  	_ =	sfence.sel $0xFFFF  }
0xc0: {  	[dreg:$0x0] =	wrdreg $0xFFFFFFFF;
	(pc) =	sbr.abs _section_cstart, $3  }
0xc1: {  	[dreg:$0x1] =	wrdreg $0xFFFFFFFF  }
0xc2: {  	_ =	task.clear_ibuf [dreg:s7], $0x2FFFF;
	_ =	strace $0x9FFFFFFF  }
0xc3: {  	(tm) =	ssettm $0x7FFFFFFF  }
tec
execute0_lowered:
.L_overlay_start_1:
0x0: {  	(tag) =	ssettag $0x1  }
0x1: {  	s5 =	rddreg [dreg:$0x0]  }
0x2: {  	s6 =	rddreg [dreg:$0x1]  }
0x3: {  	s2 =	rddreg [dreg:$0x2]  }
0x4: {  	s0 =	rddreg [dreg:$0x3]  }
0x5: {  	s1 =	stileid.u32;
	s3 =	simm.s32 $0x0;
	s4 =	srdreg.scid  }
0x6: {  	s16 =	simm.s32 $0x1;
	s17 =	simm.s32 $0x7D;
	s18 =	simm.s32 $0x2800  }
0x7: {  	s19 =	simm.s32 $0x6800;
	s20 =	simm.s32 $0x3;
	s21 =	simm.s32 $0x1380  }
0x8: {  	s22 =	simm.s32 $0x2700;
	s23 =	simm.s32 $0x2780;
	s24 =	simm.s32 $0x0  }
0x9: {  	s7 =	smul.u32 $0x2800, s1;
	[smem:$0x7FF] =	sst s3;
	s8 =	sand.u32 $0x1, s4  }
0xa: {  	s4 =	sadd.s32 $0x9200, s5;
	s29 =	smul.u32 $0x50000, s1;
	s31 =	sshll.u32 s1, $0x6  }
0xb: {  	_ =	strace $0x80000047;
	s10 =	smul.u32 $0x28000, s8;
	s8 =	ssub.s32 $0x2, s8  }
0xc: {  	s9 =	sshrl.u32 s7, $0x3;
	s12 =	sadd.s32 s7, s5;
	s30 =	sshrl.u32 s8, $0x1  }
0xd: {  	s11 =	sadd.s32 s9, s5;
	s7 =	sadd.s32 s7, s10;
	s9 =	sshrl.u32 s29, $0x2  }
0xe: {  	s14 =	ssub.s32 s8, s30;
	s13 =	sadd.s32 s7, s5;
	s15 =	sadd.s32 s9, s2  }
0xf: {  	s7 =	sshrl.u32 s7, $0x3;
	s5 =	sadd.s32 $0x57400, s12;
	s8 =	sadd.s32 $0x4200, s11  }
0x10: {  	s10 =	sadd.s32 $0x4480, s11;
	s12 =	smax.u32 s14, $0x1;
	s14 =	simm.s32 $0x2  }
0x11: {  	s6 =	sadd.s32 s6, s7;
	s7 =	sor.u32 $0x1C01, s31;
	s11 =	sadd.s32 $0x7F400, s13  }
0x12: {  	s13 =	sshrl.u32 s15, $0x3;
	s15 =	simm.s32 $0x1400;
	s9 =	sadd.s32 $0x280, s6  }
.LBB2_1:
0x13: {  	[spmem:s13], [sflag:s7] =	dma.local [hbm:s5], $0x2800  }
0x14: {  	[tilespmem:s3], [sflag:$0x2] =	stream.linear.gather [hbm4b:s6+s3], $0x1400, $0x38;
	[tilespmem:$0x1E800] =	vst v63  }
0x15: {  	_ =	swait.ge [sflag:s14], $0x1400  }
0x16: {  	[sflag:s14] =	ssyncset.done $0x0  }
0x17: {  	[sflag:s14] =	ssyncadd.s32 $0xFFFFEC00  }
0x18: {  	[tilespmem:s15], [sflag:$0x2] =	stream.linear.gather [hbm4b:s8+s3], $0x1400, $0x38;
	[tilespmem:$0x1E800] =	vst v63  }
0x19: {  	_ =	swait.ge [sflag:s14], $0x1400  }
0x1a: {  	[sflag:s14] =	ssyncset.done $0x0  }
0x1b: {  	[sflag:s14] =	ssyncadd.s32 $0xFFFFEC00  }
0x1c: {  	_ =	swait.ge [sflag:s16], $0x2800  }
0x1d: {  	[sflag:s16] =	ssyncset.done $0x0  }
0x1e: {  	[sflag:s16] =	ssyncadd.s32 $0xFFFFD800  }
0x1f: {  	[bflag:$0x0] =	sbarrier.arrive $0xFFFF  }
0x20: {  	[tilespmem:s18], [sflag:$0x1] =	stream.indirect.gather [hbm4b:s4+s17], $0x80, s3, s17, $0xb8;
	[tilespmem:$0x1E800] =	vst v63  }
0x21: {  	_ =	swait.ge [sflag:s16], $0x3E80  }
0x22: {  	[sflag:s16] =	ssyncset.done $0x0  }
0x23: {  	s25 =	simm.s32 $0x80;
	[sflag:s16] =	ssyncadd.s32 $0xFFFFC180  }
0x24: {  	[tilespmem:s19], [sflag:$0x2] =	stream.indirect.gather [hbm4b:s4+s17], $0x80, s25, s17, $0xb8;
	[tilespmem:$0x1E800] =	vst v63  }
0x25: {  	s29 =	simm.s32 $0x1400  }
0x26: {  	[spmem:s2] =	stream.indirect.scatter.add.f32 [tilespmem:s18], [sflag:$0x3], $0x80, s29, s17, $0xb8;
	[tilespmem:$0x1E800] =	vst v63  }
0x27: {  	_ =	swait.ge [sflag:s20], $0x3E80  }
0x28: {  	[sflag:s20] =	ssyncset.done $0x0  }
0x29: {  	s30 =	simm.s32 $0x100;
	[sflag:s20] =	ssyncadd.s32 $0xFFFFC180  }
0x2a: {  	[tilespmem:s18], [sflag:$0x1] =	stream.indirect.gather [hbm4b:s4+s17], $0x80, s30, s17, $0xb8;
	[tilespmem:$0x1E800] =	vst v63  }
0x2b: {  	_ =	swait.ge [sflag:s14], $0x3E80  }
0x2c: {  	[sflag:s14] =	ssyncset.done $0x0  }
0x2d: {  	s31 =	simm.s32 $0x1480;
	[sflag:s14] =	ssyncadd.s32 $0xFFFFC180  }
0x2e: {  	[spmem:s2] =	stream.indirect.scatter.add.f32 [tilespmem:s19], [sflag:$0x3], $0x80, s31, s17, $0xb8;
	[tilespmem:$0x1E800] =	vst v63  }
0x2f: {  	_ =	swait.ge [sflag:s20], $0x3E80  }
0x30: {  	s25 =	simm.s32 $0x400;
	[sflag:s20] =	ssyncset.done $0x0  }
.LBB2_2:
0x31: {  	p0 =	sne.s32 s25, $0x4800  }
0x32: {  	[sflag:s20] =	ssyncadd.s32 $0xFFFFC180;
	s26 =	smov.u32 s25;
	s25 =	sadd.s32 $0x400, s25  }
0x33: {  	_ =	swait.ge [sflag:s16], $0x3E80  }
0x34: {  	s26 =	sshra.s32 s26, $0x2;
	[sflag:s16] =	ssyncset.done $0x0  }
0x35: {  	s28 =	sadd.s32 $0x80, s26;
	[sflag:s16] =	ssyncadd.s32 $0xFFFFC180  }
0x36: {  	[tilespmem:s19], [sflag:$0x2] =	stream.indirect.gather [hbm4b:s4+s17], $0x80, s28, s17, $0xb8;
	[tilespmem:$0x1E800] =	vst v63  }
0x37: {  	s28 =	sadd.s32 $0x1400, s26  }
0x38: {  	[spmem:s2] =	stream.indirect.scatter.add.f32 [tilespmem:s18], [sflag:$0x3], $0x80, s28, s17, $0xb8;
	[tilespmem:$0x1E800] =	vst v63  }
0x39: {  	_ =	swait.ge [sflag:s20], $0x3E80  }
0x3a: {  	[sflag:s20] =	ssyncset.done $0x0  }
0x3b: {  	s28 =	sadd.s32 $0x100, s26;
	[sflag:s20] =	ssyncadd.s32 $0xFFFFC180  }
0x3c: {  	[tilespmem:s18], [sflag:$0x1] =	stream.indirect.gather [hbm4b:s4+s17], $0x80, s28, s17, $0xb8;
	[tilespmem:$0x1E800] =	vst v63  }
0x3d: {  	_ =	swait.ge [sflag:s14], $0x3E80  }
.Ltmp0:
0x3e: {  	[sflag:s14] =	ssyncset.done $0x0;
	(pc) =	sbr.rel @p0 .LBB2_2-.Ltmp0, $4  }
0x3f: {  	s26 =	sadd.s32 $0x1480, s26;
	[sflag:s14] =	ssyncadd.s32 $0xFFFFC180  }
0x40: {  	[spmem:s2] =	stream.indirect.scatter.add.f32 [tilespmem:s19], [sflag:$0x3], $0x80, s26, s17, $0xb8;
	[tilespmem:$0x1E800] =	vst v63  }
0x41: {  	_ =	swait.ge [sflag:s20], $0x3E80  }
0x42: {  	[sflag:s20] =	ssyncset.done $0x0  }
0x43: {  	[sflag:s20] =	ssyncadd.s32 $0xFFFFC180  }
0x44: {  	_ =	swait.ge [sflag:s16], $0x3E80  }
0x45: {  	[sflag:s16] =	ssyncset.done $0x0  }
0x46: {  	[sflag:s16] =	ssyncadd.s32 $0xFFFFC180  }
0x47: {  	[tilespmem:s19], [sflag:$0x2] =	stream.indirect.gather [hbm4b:s4+s17], $0x80, s21, s17, $0xb8;
	[tilespmem:$0x1E800] =	vst v63  }
0x48: {  	_ = 	snop  }
0x49: {  	[spmem:s2] =	stream.indirect.scatter.add.f32 [tilespmem:s18], [sflag:$0x3], $0x80, s22, s17, $0xb8;
	[tilespmem:$0x1E800] =	vst v63  }
0x4a: {  	_ =	swait.ge [sflag:s20], $0x3E80  }
0x4b: {  	[sflag:s20] =	ssyncset.done $0x0  }
0x4c: {  	[sflag:s20] =	ssyncadd.s32 $0xFFFFC180  }
0x4d: {  	[tilespmem:s18], [sflag:$0x1] =	stream.indirect.gather [hbm4b:s4+s17], $0x80, s21, s17, $0xb8;
	[tilespmem:$0x1E800] =	vst v63  }
0x4e: {  	_ =	swait.ge [sflag:s14], $0x3E80  }
0x4f: {  	[sflag:s14] =	ssyncset.done $0x0  }
0x50: {  	[sflag:s14] =	ssyncadd.s32 $0xFFFFC180  }
0x51: {  	[spmem:s2] =	stream.indirect.scatter.add.f32 [tilespmem:s19], [sflag:$0x3], $0x80, s23, s17, $0xb8;
	[tilespmem:$0x1E800] =	vst v63  }
0x52: {  	_ =	swait.ge [sflag:s20], $0x3E80  }
0x53: {  	[sflag:s20] =	ssyncset.done $0x0  }
0x54: {  	[sflag:s20] =	ssyncadd.s32 $0xFFFFC180  }
0x55: {  	_ =	swait.ge [sflag:s16], $0x3E80  }
0x56: {  	[sflag:s16] =	ssyncset.done $0x0  }
0x57: {  	s25 =	simm.s32 $0x0;
	[sflag:s16] =	ssyncadd.s32 $0xFFFFC180  }
0x58: {  	[tilespmem:s25], [sflag:$0x3] =	stream.linear.gather [hbm4b:s9+s25], $0x1400, $0x38;
	[tilespmem:$0x1E800] =	vst v63  }
0x59: {  	_ =	swait.ge [sflag:s20], $0x1400  }
0x5a: {  	[sflag:s20] =	ssyncset.done $0x0  }
0x5b: {  	[sflag:s20] =	ssyncadd.s32 $0xFFFFEC00  }
0x5c: {  	[tilespmem:s15], [sflag:$0x3] =	stream.linear.gather [hbm4b:s10+s25], $0x1400, $0x38;
	[tilespmem:$0x1E800] =	vst v63  }
0x5d: {  	_ =	swait.ge [sflag:s20], $0x1400  }
0x5e: {  	[sflag:s20] =	ssyncset.done $0x0  }
0x5f: {  	[sflag:s20] =	ssyncadd.s32 $0xFFFFEC00  }
0x60: {  	[tilespmem:s18], [sflag:$0x1] =	stream.indirect.gather [hbm4b:s4+s17], $0x80, s25, s17, $0xb8;
	[tilespmem:$0x1E800] =	vst v63  }
0x61: {  	_ =	swait.ge [sflag:s16], $0x3E80  }
0x62: {  	[sflag:s16] =	ssyncset.done $0x0  }
0x63: {  	s28 =	simm.s32 $0x80;
	[sflag:s16] =	ssyncadd.s32 $0xFFFFC180  }
0x64: {  	[tilespmem:s19], [sflag:$0x2] =	stream.indirect.gather [hbm4b:s4+s17], $0x80, s28, s17, $0xb8;
	[tilespmem:$0x1E800] =	vst v63  }
0x65: {  	s29 =	simm.s32 $0x1400  }
0x66: {  	[spmem:s2] =	stream.indirect.scatter.add.f32 [tilespmem:s18], [sflag:$0x3], $0x80, s29, s17, $0xb8;
	[tilespmem:$0x1E800] =	vst v63  }
0x67: {  	_ =	swait.ge [sflag:s20], $0x3E80  }
0x68: {  	[sflag:s20] =	ssyncset.done $0x0  }
0x69: {  	s30 =	simm.s32 $0x100;
	[sflag:s20] =	ssyncadd.s32 $0xFFFFC180  }
0x6a: {  	[tilespmem:s18], [sflag:$0x1] =	stream.indirect.gather [hbm4b:s4+s17], $0x80, s30, s17, $0xb8;
	[tilespmem:$0x1E800] =	vst v63  }
0x6b: {  	_ =	swait.ge [sflag:s14], $0x3E80  }
0x6c: {  	[sflag:s14] =	ssyncset.done $0x0  }
0x6d: {  	s31 =	simm.s32 $0x1480;
	[sflag:s14] =	ssyncadd.s32 $0xFFFFC180  }
0x6e: {  	[spmem:s2] =	stream.indirect.scatter.add.f32 [tilespmem:s19], [sflag:$0x3], $0x80, s31, s17, $0xb8;
	[tilespmem:$0x1E800] =	vst v63  }
0x6f: {  	_ =	swait.ge [sflag:s20], $0x3E80  }
0x70: {  	s25 =	simm.s32 $0x400;
	[sflag:s20] =	ssyncset.done $0x0  }
.LBB2_4:
0x71: {  	p0 =	sne.s32 s25, $0x4800  }
0x72: {  	[sflag:s20] =	ssyncadd.s32 $0xFFFFC180;
	s26 =	smov.u32 s25;
	s25 =	sadd.s32 $0x400, s25  }
0x73: {  	_ =	swait.ge [sflag:s16], $0x3E80  }
0x74: {  	s26 =	sshra.s32 s26, $0x2;
	[sflag:s16] =	ssyncset.done $0x0  }
0x75: {  	s28 =	sadd.s32 $0x80, s26;
	[sflag:s16] =	ssyncadd.s32 $0xFFFFC180  }
0x76: {  	[tilespmem:s19], [sflag:$0x2] =	stream.indirect.gather [hbm4b:s4+s17], $0x80, s28, s17, $0xb8;
	[tilespmem:$0x1E800] =	vst v63  }
0x77: {  	s28 =	sadd.s32 $0x1400, s26  }
0x78: {  	[spmem:s2] =	stream.indirect.scatter.add.f32 [tilespmem:s18], [sflag:$0x3], $0x80, s28, s17, $0xb8;
	[tilespmem:$0x1E800] =	vst v63  }
0x79: {  	_ =	swait.ge [sflag:s20], $0x3E80  }
0x7a: {  	[sflag:s20] =	ssyncset.done $0x0  }
0x7b: {  	s28 =	sadd.s32 $0x100, s26;
	[sflag:s20] =	ssyncadd.s32 $0xFFFFC180  }
0x7c: {  	[tilespmem:s18], [sflag:$0x1] =	stream.indirect.gather [hbm4b:s4+s17], $0x80, s28, s17, $0xb8;
	[tilespmem:$0x1E800] =	vst v63  }
0x7d: {  	_ =	swait.ge [sflag:s14], $0x3E80  }
.Ltmp1:
0x7e: {  	[sflag:s14] =	ssyncset.done $0x0;
	(pc) =	sbr.rel @p0 .LBB2_4-.Ltmp1, $4  }
0x7f: {  	s26 =	sadd.s32 $0x1480, s26;
	[sflag:s14] =	ssyncadd.s32 $0xFFFFC180  }
0x80: {  	[spmem:s2] =	stream.indirect.scatter.add.f32 [tilespmem:s19], [sflag:$0x3], $0x80, s26, s17, $0xb8;
	[tilespmem:$0x1E800] =	vst v63  }
0x81: {  	_ =	swait.ge [sflag:s20], $0x3E80  }
0x82: {  	[sflag:s20] =	ssyncset.done $0x0  }
0x83: {  	[sflag:s20] =	ssyncadd.s32 $0xFFFFC180  }
0x84: {  	_ =	swait.ge [sflag:s16], $0x3E80  }
0x85: {  	[sflag:s16] =	ssyncset.done $0x0  }
0x86: {  	[sflag:s16] =	ssyncadd.s32 $0xFFFFC180  }
0x87: {  	[tilespmem:s19], [sflag:$0x2] =	stream.indirect.gather [hbm4b:s4+s17], $0x80, s21, s17, $0xb8;
	[tilespmem:$0x1E800] =	vst v63  }
0x88: {  	_ = 	snop  }
0x89: {  	[spmem:s2] =	stream.indirect.scatter.add.f32 [tilespmem:s18], [sflag:$0x3], $0x80, s22, s17, $0xb8;
	[tilespmem:$0x1E800] =	vst v63  }
0x8a: {  	_ =	swait.ge [sflag:s20], $0x3E80  }
0x8b: {  	[sflag:s20] =	ssyncset.done $0x0  }
0x8c: {  	[sflag:s20] =	ssyncadd.s32 $0xFFFFC180  }
0x8d: {  	[tilespmem:s18], [sflag:$0x1] =	stream.indirect.gather [hbm4b:s4+s17], $0x80, s21, s17, $0xb8;
	[tilespmem:$0x1E800] =	vst v63  }
0x8e: {  	_ =	swait.ge [sflag:s14], $0x3E80  }
0x8f: {  	[sflag:s14] =	ssyncset.done $0x0  }
0x90: {  	[sflag:s14] =	ssyncadd.s32 $0xFFFFC180  }
0x91: {  	[spmem:s2] =	stream.indirect.scatter.add.f32 [tilespmem:s19], [sflag:$0x3], $0x80, s23, s17, $0xb8;
	[tilespmem:$0x1E800] =	vst v63  }
0x92: {  	_ =	swait.ge [sflag:s20], $0x3E80  }
0x93: {  	[sflag:s20] =	ssyncset.done $0x0  }
0x94: {  	[sflag:s20] =	ssyncadd.s32 $0xFFFFC180  }
0x95: {  	_ =	swait.ge [sflag:s16], $0x3E80  }
0x96: {  	s24 =	sadd.s32 $0x1, s24;
	[sflag:s16] =	ssyncset.done $0x0  }
0x97: {  	p0 =	sne.s32 s24, s12;
	[sflag:s16] =	ssyncadd.s32 $0xFFFFC180  }
.Ltmp2:
0x98: {  	[bflag:$0x0] =	sbarrier.arrive $0xFFFF;
	(pc) =	sbr.rel @p0 .LBB2_1-.Ltmp2, $4  }
0x99: {  	[hbm:s11], [sflag:s7] =	dma.local [spmem:s13], $0x2800  }
0x9a: {  	_ =	swait.ge [sflag:s16], $0x2800  }
0x9b: {  	[sflag:s16] =	ssyncset.done $0x0  }
0x9c: {  	[sflag:s16] =	ssyncadd.s32 $0xFFFFD800  }
0x9d: {  	_ =	sfence.sel $0x180000  }
0x9e: {  	[bflag:$0x0] =	sbarrier.arrive $0xFFFF  }
0x9f: {  	p0 =	sne.s32 s1, $0x0;
	_ =	strace $0x90000047  }
0xa0: {  	s0 =	sadd.s32 @!p0 $0x100000, s0;
	[bflag:$0x2] =	sbarrier.arrive $0xFFFF  }
0xa1: {  	[sflag:s0] =	ssyncadd.tile.s32 @!p0 $0x1;
	_ =	shalt  }
.Lfunc_end2:
_tile_overlayer_lowered:
.L_overlay_start_2:
0xa2: {  	(tag) =	ssettag $0x2  }
0xa3: {  	s0 =	rddreg [dreg:$0x0];
	s2 =	stileid.u32  }
0xa4: {  	s1 =	rddreg [dreg:$0x1];
	p0 =	sne.s32 s2, $0x0  }
0xa5: {  	s3 =	rddreg [dreg:$0x2];
	[bflag:$0x3] =	sbarrier.arrive $0xFFFF;
	s2 =	simm.s32 @!p0 $0x1C01  }
0xa6: {  	[timem:s3], [sflag:s2] =	dma.local @!p0 [hbm:s0], s1  }
0xa7: {  	s0 =	simm.s32 @!p0 $0x1  }
0xa8: {  	_ =	swait.ge @!p0 [sflag:s0], s1  }
0xa9: {  	s1 =	ssub.s32 @!p0 $0x0, s1;
	[sflag:s0] =	ssyncset.done @!p0 $0x0  }
0xaa: {  	[sflag:s0] =	ssyncadd.s32 @!p0 s1  }
0xab: {  	[bflag:$0x3] =	sbarrier.arrive $0xFFFF  }
0xac: {  	_ =	shalt  }

// kernel: kernel.13.cloned.1.call-start
scs
__scs_entry_jumppad:
0x0: {  	(pc) =	sbr.rel $0x88, $3  }
0x1: {  	(tag) =	ssettag $0x0;
	lr =	simm.s32 $0x1  }
0x2: {  	[smem:$0x3F95] =	sst lr;
	_ =	strace $0xD0000000  }
0x3: {  	_ = 	snop  }
0x4: {  	_ = 	snop  }
0x5: {  	_ = 	snop  }
0x6: {  	_ = 	snop  }
0x7: {  	_ = 	snop  }
__scs_overlays_trampoline_lowered:
0x8: {  	[smem:$0x3FA4] =	sst s0  }
0x9: {  	[smem:$0x3FA5] =	sst s1  }
0xa: {  	[smem:$0x3FA6] =	sst s2  }
0xb: {  	[smem:$0x3FA7] =	sst s3  }
0xc: {  	[smem:$0x3FA8] =	sst s4  }
0xd: {  	[smem:$0x3FA9] =	sst s5  }
0xe: {  	[smem:$0x3FAA] =	sst s6  }
0xf: {  	[smem:$0x3FAB] =	sst s7  }
0x10: {  	[smem:$0x3FAC] =	sst s8  }
0x11: {  	[smem:$0x3FAD] =	sst s9;
	s0 =	simm.s32 @!p0 $0x0  }
0x12: {  	s1 =	sld [smem:$0x3F93];
	s0 =	simm.s32 @p0 $0x1  }
0x13: {  	[smem:$0x3FAE] =	sst s0;
	s0 =	simm.s32 @!p1 $0x0  }
0x14: {  	s2 =	sld [smem:$0x3F92];
	s0 =	simm.s32 @p1 $0x1  }
0x15: {  	[smem:$0x3FAF] =	sst s0;
	s0 =	simm.s32 @!p2 $0x0  }
0x16: {  	s3 =	sld [smem:$0x3FDB];
	s0 =	simm.s32 @p2 $0x1  }
0x17: {  	s4 =	simm.s32 $0x1BF5;
	[smem:$0x3FB1] =	sst s0  }
0x18: {  	s0 =	sld [smem:$0x3F94];
	_ =	swait.ge [sflag:s4], $0x0  }
0x19: {  	s7 =	sld [smem:$0x3F95]  }
0x1a: {  	s8 =	sadd.s32 $0xFFFFE003, lr  }
0x1b: {  	s9 =	sadd.s32 $0xFFFFFEF7, lr;
	s5 =	simm.s32 $0xFFFFFFFF;
	p2 =	slt.u32 s8, $0xFFFFF086  }
0x1c: {  	p1 =	slt.u32 s9, $0xF7A;
	s5 =	simm.s32 @!p2 $0x0  }
0x1d: {  	s5 =	simm.s32 @p1 $0x1;
	p0 =	seq.s32 s7, s2  }
0x1e: {  	s7 =	smul.u32 @!p0 $0xF7A, s2;
	p2 =	seq.s32 @!p0 s5, $0x0  }
0x1f: {  	s9 =	smul.u32 $0xF7A, s1;
	s8 =	simm.s32 @!p0 $0x1BF5;
	p2 =	por !p2, p0  }
0x20: {  	[sflag:s8] =	ssyncset.s32 @!p0 $0xFFFFF086;
	s6 =	sadd.s32 @!p0 s3, s7;
	s7 =	simm.s32 @!p0 $0x108  }
0x21: {  	s3 =	sadd.s32 s3, s9;
	s6 =	sadd.s32 @!p0 $0x88, s6;
	s7 =	simm.s32 @p2 $0x1082  }
0x22: {  	[simem:s7], [sflag:s8] =	dma.local @!p0 [hbm:s6], $0xF7A  }
0x23: {  	s9 =	sor.u32 $0xD0000000, s2;
	s6 =	simm.s32 $0x108;
	_ =	swait.ge @!p0 [sflag:s8], $0x0  }
0x24: {  	s3 =	sadd.s32 $0x88, s3;
	s6 =	simm.s32 @!p1 $0x1082;
	[sflag:s4] =	ssyncset.s32 $0xFFFFF086  }
0x25: {  	[simem:s6], [sflag:s4] =	dma.local [hbm:s3], $0xF7A  }
0x26: {  	[smem:$0x3F95] =	sst s1;
	(tag) =	ssettag s2;
	_ =	strace s9  }
0x27: {  	s1 =	sld [smem:$0x3FA5]  }
0x28: {  	s2 =	sld [smem:$0x3FA6]  }
0x29: {  	s4 =	sld [smem:$0x3FA8]  }
0x2a: {  	p0 =	seq.s32 s5, $0x0;
	s5 =	sld [smem:$0x3FA9]  }
0x2b: {  	s6 =	sld [smem:$0x3FAA]  }
0x2c: {  	s7 =	sld [smem:$0x3FAB]  }
0x2d: {  	s3 =	simm.s32 $0x108;
	s8 =	sld [smem:$0x3FAC]  }
0x2e: {  	s3 =	simm.s32 @!p0 $0x1082;
	s9 =	sld [smem:$0x3FAD]  }
0x2f: {  	lr =	sadd.s32 s0, s3;
	s0 =	sld [smem:$0x3FA4]  }
0x30: {  	s3 =	sld [smem:$0x3FA7]  }
0x31: {  	[smem:$0x3FB0] =	sst s10  }
0x32: {  	s10 =	sld [smem:$0x3FAE];
	_ =	sdelay $0x3  }
0x33: {  	p0 =	seq.s32 s10, $0x1;
	s10 =	sld [smem:$0x3FB0];
	_ =	sdelay $0x3  }
0x34: {  	[smem:$0x3FB0] =	sst s10  }
0x35: {  	s10 =	sld [smem:$0x3FAF];
	_ =	sdelay $0x3  }
0x36: {  	p1 =	seq.s32 s10, $0x1;
	s10 =	sld [smem:$0x3FB0];
	_ =	sdelay $0x3  }
0x37: {  	[smem:$0x3FB0] =	sst s10  }
0x38: {  	s10 =	sld [smem:$0x3FB1]  }
0x39: {  	_ = 	snop;
	(pc) =	sbr.ind lr, $3  }
0x3a: {  	_ = 	snop  }
0x3b: {  	_ = 	snop  }
0x3c: {  	p2 =	seq.s32 s10, $0x1;
	s10 =	sld [smem:$0x3FB0]  }
0x3d: {  	_ =	shalt  }
0x3e: {  	_ =	shalt  }
0x3f: {  	_ =	shalt  }
0x40: {  	_ =	shalt  }
0x41: {  	_ =	shalt  }
0x42: {  	_ =	shalt  }
0x43: {  	_ =	shalt  }
0x44: {  	_ =	shalt  }
0x45: {  	_ =	shalt  }
0x46: {  	_ =	shalt  }
0x47: {  	_ =	shalt  }
0x48: {  	_ =	shalt  }
0x49: {  	_ =	shalt  }
0x4a: {  	_ =	shalt  }
0x4b: {  	_ =	shalt  }
0x4c: {  	_ =	shalt  }
0x4d: {  	_ =	shalt  }
0x4e: {  	_ =	shalt  }
0x4f: {  	_ =	shalt  }
0x50: {  	_ =	shalt  }
0x51: {  	_ =	shalt  }
0x52: {  	_ =	shalt  }
0x53: {  	_ =	shalt  }
0x54: {  	_ =	shalt  }
0x55: {  	_ =	shalt  }
0x56: {  	_ =	shalt  }
0x57: {  	_ =	shalt  }
0x58: {  	_ =	shalt  }
0x59: {  	_ =	shalt  }
0x5a: {  	_ =	shalt  }
0x5b: {  	_ =	shalt  }
0x5c: {  	_ =	shalt  }
0x5d: {  	_ =	shalt  }
0x5e: {  	_ =	shalt  }
0x5f: {  	_ =	shalt  }
0x60: {  	_ =	shalt  }
0x61: {  	_ =	shalt  }
0x62: {  	_ =	shalt  }
0x63: {  	_ =	shalt  }
0x64: {  	_ =	shalt  }
0x65: {  	_ =	shalt  }
0x66: {  	_ =	shalt  }
0x67: {  	_ =	shalt  }
0x68: {  	_ =	shalt  }
0x69: {  	_ =	shalt  }
0x6a: {  	_ =	shalt  }
0x6b: {  	_ =	shalt  }
0x6c: {  	_ =	shalt  }
0x6d: {  	_ =	shalt  }
0x6e: {  	_ =	shalt  }
0x6f: {  	_ =	shalt  }
0x70: {  	_ =	shalt  }
0x71: {  	_ =	shalt  }
0x72: {  	_ =	shalt  }
0x73: {  	_ =	shalt  }
0x74: {  	_ =	shalt  }
0x75: {  	_ =	shalt  }
0x76: {  	_ =	shalt  }
0x77: {  	_ =	shalt  }
0x78: {  	_ =	shalt  }
0x79: {  	_ =	shalt  }
0x7a: {  	_ =	shalt  }
0x7b: {  	_ =	shalt  }
0x7c: {  	_ =	shalt  }
0x7d: {  	_ =	shalt  }
0x7e: {  	_ =	shalt  }
0x7f: {  	_ =	shalt  }
0x80: {  	_ =	shalt  }
0x81: {  	_ =	shalt  }
0x82: {  	_ =	shalt  }
0x83: {  	_ =	shalt  }
0x84: {  	_ =	shalt  }
0x85: {  	_ =	shalt  }
0x86: {  	_ =	shalt  }
0x87: {  	_ =	shalt  }
.Lfunc_end0:
.L_simem_size_0:
called_computation.1_lowered:
.L_overlay_start_0:
0x88: {  	s2 =	sld [smem:$0x3FD9]  }
0x89: {  	s3 =	sld [smem:$0x3FFE];
	_ =	sdelay $0x1  }
0x8a: {  	s1 =	srdreg.scid  }
0x8b: {  	s0 =	sand.u32 $0x1, s1  }
0x8c: {  	s16 =	sshll.u32 s0, $0xA;
	s2 =	sadd.s32 s3, s2  }
0x8d: {  	s2 =	sadd.s32 s2, s16  }
0x8e: {  	[smem:$0x3FBC] =	sst s2  }
0x8f: {  	_ = 	snop  }
0x90: {  	(tm) =	ssettm $0x1  }
0x91: {  	s17 =	sld [smem:$0x3FFB];
	_ =	sdelay $0x3  }
0x92: {  	_ =	strace s17  }
0x93: {  	s2 =	sld [smem:$0x3FFC];
	_ =	sdelay $0x3  }
0x94: {  	_ =	strace s2  }
0x95: {  	s2 =	sld [smem:$0x3FFD];
	_ =	sdelay $0x3  }
0x96: {  	_ =	strace s2  }
0x97: {  	_ =	strace $0x8FFFFFFF  }
0x98: {  	s18 =	sld [smem:$0x3FDB];
	_ =	sdelay $0x1  }
0x99: {  	s19 =	simm.s32 $_scs_section_size  }
0x9a: {  	s4 =	simm.s32 $_size__tile_overlayer_lowered;
	s5 =	simm.s32 $_tile_overlayer_lowered  }
0x9b: {  	s22 =	simm.s32 $0x1BFF;
	s21 =	sshll.u32 s5, $0x1;
	s2 =	sadd.s32 s19, s18  }
0x9c: {  	s6 =	simm.s32 $0x0;
	s20 =	sshll.u32 s4, $0x1;
	s4 =	sadd.s32 s21, s2  }
0x9d: {  	[timem:s6], [sflag:s22] =	dma.local [hbm:s4], s20  }
0x9e: {  	_ =	swait.ge [sflag:s22], s20  }
0x9f: {  	s3 =	ssub.s32 $0x0, s20;
	[sflag:s22] =	ssyncset.done $0x0  }
0xa0: {  	[sflag:s22] =	ssyncadd.s32 s3;
	_ =	sdelay $0x1  }
0xa1: {  	s23 =	simm.s32 $0x1B8B  }
0xa2: {  	_ =	swait.ge [sflag:s23], $0x1  }
0xa3: {  	[sflag:s23] =	ssyncset.done $0x0  }
0xa4: {  	s25 =	simm.s32 $0x1B8E;
	s24 =	sld [smem:$0x3FFE];
	[sflag:s23] =	ssyncadd.s32 $0xFFFFFFFF  }
0xa5: {  	s26 =	simm.s32 $execute0_lowered;
	[smem:$0x3FD2] =	sst s25  }
0xa6: {  	s4 =	sshll.u32 s26, $0x1;
	_ =	strace $0x80000049;
	[dreg:$0x1] =	wrdreg $0xFFFFFFFF  }
0xa7: {  	s28 =	simm.s32 $_size_execute0_lowered;
	s2 =	sadd.s32 s2, s4;
	[dreg:$0x0] =	wrdreg $0x0  }
0xa8: {  	s4 =	sshll.u32 s28, $0x1;
	[dreg:$0x2] =	wrdreg s2  }
0xa9: {  	[dreg:$0x3] =	wrdreg s4  }
0xaa: {  	[dreg:$0x4] =	wrdreg $0xC0  }
0xab: {  	_ =	task [dreg:s6], $0x5FFFF  }
0xac: {  	[dreg:$0x1] =	wrdreg $0xFFFFFFFF  }
0xad: {  	[dreg:$0x0] =	wrdreg $0x60  }
0xae: {  	[dreg:$0x2] =	wrdreg s24  }
0xaf: {  	[dreg:$0x3] =	wrdreg $0xA8000  }
0xb0: {  	[dreg:$0x4] =	wrdreg $0x9  }
0xb1: {  	_ =	task.clear_ibuf [dreg:s6], $0x5FFFF;
	_ =	strace $0x90000049  }
0xb2: {  	s29 =	simm.s32 $0x9;
	_ =	strace $0x8000004B  }
0xb3: {  	_ =	swait.ge [sflag:s29], $0x1  }
0xb4: {  	[sflag:s29] =	ssyncadd.s32 $0xFFFFFFFF  }
0xb5: {  	_ =	strace $0x9000004B  }
0xb6: {  	_ =	sfence  }
0xb7: {  	s30 =	sld [smem:$0x0];
	_ =	sdelay $0x2  }
0xb8: {  	s31 =	sshll.u32 s1, $0xD;
	s1 =	sshrl.u32 s1, $0x2  }
0xb9: {  	s3 =	sand.u32 $0x4000, s31;
	s1 =	sadd.s32 s1, s30  }
0xba: {  	s0 =	sor.u32 s3, s0;
	s1 =	sshll.u32 s1, $0x11  }
0xbb: {  	s0 =	sor.u32 s1, s0  }
0xbc: {  	s0 =	sadd.s32 $0x8F2B, s0  }
0xbd: {  	[sflag:s0] =	ssyncadd.remote.s32 $0x1  }
0xbe: {  	_ =	sfence.sel $0xFFFF  }
0xbf: {  	[dreg:$0x0] =	wrdreg $0xFFFFFFFF;
	(pc) =	sbr.abs _section_cstart, $3  }
0xc0: {  	[dreg:$0x1] =	wrdreg $0xFFFFFFFF  }
0xc1: {  	_ =	task.clear_ibuf [dreg:s6], $0x2FFFF;
	_ =	strace $0x9FFFFFFF  }
0xc2: {  	(tm) =	ssettm $0x7FFFFFFF  }
0xc3: {  	_ =	shalt  }
tec
execute0_lowered:
.L_overlay_start_1:
0x0: {  	(tag) =	ssettag $0x1  }
0x1: {  	s1 =	srdreg.scid;
	s5 =	rddreg [dreg:$0x0]  }
0x2: {  	s0 =	stileid.u32;
	s2 =	rddreg [dreg:$0x1]  }
0x3: {  	s3 =	simm.s32 $0x0;
	s15 =	simm.s32 $0x1400;
	s16 =	simm.s32 $0x1  }
0x4: {  	s17 =	simm.s32 $0x7D;
	s18 =	simm.s32 $0x2800;
	s19 =	simm.s32 $0x6800  }
0x5: {  	s20 =	simm.s32 $0x3;
	s21 =	simm.s32 $0x1380;
	s22 =	simm.s32 $0x2700  }
0x6: {  	s23 =	simm.s32 $0x2780;
	s24 =	simm.s32 $0x0;
	s7 =	smul.u32 $0x2800, s0  }
0x7: {  	s6 =	sand.u32 $0x1, s1;
	s1 =	rddreg [dreg:$0x2];
	s11 =	smul.u32 $0x50000, s0  }
0x8: {  	[smem:$0x7FF] =	sst s3;
	s31 =	sshll.u32 s0, $0x6;
	s4 =	smul.u32 $0x28000, s6  }
0x9: {  	_ =	strace $0x8000004A;
	s6 =	ssub.s32 $0x2, s6;
	s10 =	sshrl.u32 s7, $0x3  }
0xa: {  	s29 =	sshrl.u32 s6, $0x1;
	s30 =	sshrl.u32 s11, $0x2;
	s8 =	sadd.s32 s7, s4  }
0xb: {  	s4 =	sadd.s32 $0x7F400, s5;
	s10 =	sadd.s32 s10, s5;
	s7 =	sadd.s32 s7, s5  }
0xc: {  	s13 =	ssub.s32 s6, s29;
	s14 =	sadd.s32 s30, s2;
	s6 =	sor.u32 $0x1C01, s31  }
0xd: {  	s9 =	sshrl.u32 s8, $0x3;
	s12 =	sadd.s32 s8, s5;
	s8 =	sadd.s32 $0x4200, s10  }
0xe: {  	s10 =	sadd.s32 $0x4480, s10;
	s9 =	sadd.s32 s9, s5;
	s5 =	sadd.s32 $0x57400, s7  }
0xf: {  	s11 =	sadd.s32 $0xD9400, s12;
	s12 =	smax.u32 s13, $0x1;
	s13 =	sshrl.u32 s14, $0x3  }
0x10: {  	s14 =	simm.s32 $0x2;
	s7 =	sadd.s32 $0xCF400, s9;
	s9 =	sadd.s32 $0xCF680, s9  }
.LBB2_1:
0x11: {  	[spmem:s13], [sflag:s6] =	dma.local [hbm:s5], $0x2800  }
0x12: {  	[tilespmem:s3], [sflag:$0x2] =	stream.linear.gather [hbm4b:s7+s3], $0x1400, $0x38;
	[tilespmem:$0x1E800] =	vst v63  }
0x13: {  	_ =	swait.ge [sflag:s14], $0x1400  }
0x14: {  	[sflag:s14] =	ssyncset.done $0x0  }
0x15: {  	[sflag:s14] =	ssyncadd.s32 $0xFFFFEC00  }
0x16: {  	[tilespmem:s15], [sflag:$0x2] =	stream.linear.gather [hbm4b:s8+s3], $0x1400, $0x38;
	[tilespmem:$0x1E800] =	vst v63  }
0x17: {  	_ =	swait.ge [sflag:s14], $0x1400  }
0x18: {  	[sflag:s14] =	ssyncset.done $0x0  }
0x19: {  	[sflag:s14] =	ssyncadd.s32 $0xFFFFEC00  }
0x1a: {  	_ =	swait.ge [sflag:s16], $0x2800  }
0x1b: {  	[sflag:s16] =	ssyncset.done $0x0  }
0x1c: {  	[sflag:s16] =	ssyncadd.s32 $0xFFFFD800  }
0x1d: {  	[bflag:$0x0] =	sbarrier.arrive $0xFFFF  }
0x1e: {  	[tilespmem:s18], [sflag:$0x1] =	stream.indirect.gather [hbm4b:s4+s17], $0x80, s3, s17, $0xb8;
	[tilespmem:$0x1E800] =	vst v63  }
0x1f: {  	_ =	swait.ge [sflag:s16], $0x3E80  }
0x20: {  	[sflag:s16] =	ssyncset.done $0x0  }
0x21: {  	s25 =	simm.s32 $0x80;
	[sflag:s16] =	ssyncadd.s32 $0xFFFFC180  }
0x22: {  	[tilespmem:s19], [sflag:$0x2] =	stream.indirect.gather [hbm4b:s4+s17], $0x80, s25, s17, $0xb8;
	[tilespmem:$0x1E800] =	vst v63  }
0x23: {  	s29 =	simm.s32 $0x1400  }
0x24: {  	[spmem:s2] =	stream.indirect.scatter.add.f32 [tilespmem:s18], [sflag:$0x3], $0x80, s29, s17, $0xb8;
	[tilespmem:$0x1E800] =	vst v63  }
0x25: {  	_ =	swait.ge [sflag:s20], $0x3E80  }
0x26: {  	[sflag:s20] =	ssyncset.done $0x0  }
0x27: {  	s30 =	simm.s32 $0x100;
	[sflag:s20] =	ssyncadd.s32 $0xFFFFC180  }
0x28: {  	[tilespmem:s18], [sflag:$0x1] =	stream.indirect.gather [hbm4b:s4+s17], $0x80, s30, s17, $0xb8;
	[tilespmem:$0x1E800] =	vst v63  }
0x29: {  	_ =	swait.ge [sflag:s14], $0x3E80  }
0x2a: {  	[sflag:s14] =	ssyncset.done $0x0  }
0x2b: {  	s31 =	simm.s32 $0x1480;
	[sflag:s14] =	ssyncadd.s32 $0xFFFFC180  }
0x2c: {  	[spmem:s2] =	stream.indirect.scatter.add.f32 [tilespmem:s19], [sflag:$0x3], $0x80, s31, s17, $0xb8;
	[tilespmem:$0x1E800] =	vst v63  }
0x2d: {  	_ =	swait.ge [sflag:s20], $0x3E80  }
0x2e: {  	s25 =	simm.s32 $0x400;
	[sflag:s20] =	ssyncset.done $0x0  }
.LBB2_2:
0x2f: {  	p0 =	sne.s32 s25, $0x4800  }
0x30: {  	[sflag:s20] =	ssyncadd.s32 $0xFFFFC180;
	s26 =	smov.u32 s25;
	s25 =	sadd.s32 $0x400, s25  }
0x31: {  	_ =	swait.ge [sflag:s16], $0x3E80  }
0x32: {  	s26 =	sshra.s32 s26, $0x2;
	[sflag:s16] =	ssyncset.done $0x0  }
0x33: {  	s28 =	sadd.s32 $0x80, s26;
	[sflag:s16] =	ssyncadd.s32 $0xFFFFC180  }
0x34: {  	[tilespmem:s19], [sflag:$0x2] =	stream.indirect.gather [hbm4b:s4+s17], $0x80, s28, s17, $0xb8;
	[tilespmem:$0x1E800] =	vst v63  }
0x35: {  	s28 =	sadd.s32 $0x1400, s26  }
0x36: {  	[spmem:s2] =	stream.indirect.scatter.add.f32 [tilespmem:s18], [sflag:$0x3], $0x80, s28, s17, $0xb8;
	[tilespmem:$0x1E800] =	vst v63  }
0x37: {  	_ =	swait.ge [sflag:s20], $0x3E80  }
0x38: {  	[sflag:s20] =	ssyncset.done $0x0  }
0x39: {  	s28 =	sadd.s32 $0x100, s26;
	[sflag:s20] =	ssyncadd.s32 $0xFFFFC180  }
0x3a: {  	[tilespmem:s18], [sflag:$0x1] =	stream.indirect.gather [hbm4b:s4+s17], $0x80, s28, s17, $0xb8;
	[tilespmem:$0x1E800] =	vst v63  }
0x3b: {  	_ =	swait.ge [sflag:s14], $0x3E80  }
.Ltmp0:
0x3c: {  	[sflag:s14] =	ssyncset.done $0x0;
	(pc) =	sbr.rel @p0 .LBB2_2-.Ltmp0, $4  }
0x3d: {  	s26 =	sadd.s32 $0x1480, s26;
	[sflag:s14] =	ssyncadd.s32 $0xFFFFC180  }
0x3e: {  	[spmem:s2] =	stream.indirect.scatter.add.f32 [tilespmem:s19], [sflag:$0x3], $0x80, s26, s17, $0xb8;
	[tilespmem:$0x1E800] =	vst v63  }
0x3f: {  	_ =	swait.ge [sflag:s20], $0x3E80  }
0x40: {  	[sflag:s20] =	ssyncset.done $0x0  }
0x41: {  	[sflag:s20] =	ssyncadd.s32 $0xFFFFC180  }
0x42: {  	_ =	swait.ge [sflag:s16], $0x3E80  }
0x43: {  	[sflag:s16] =	ssyncset.done $0x0  }
0x44: {  	[sflag:s16] =	ssyncadd.s32 $0xFFFFC180  }
0x45: {  	[tilespmem:s19], [sflag:$0x2] =	stream.indirect.gather [hbm4b:s4+s17], $0x80, s21, s17, $0xb8;
	[tilespmem:$0x1E800] =	vst v63  }
0x46: {  	_ = 	snop  }
0x47: {  	[spmem:s2] =	stream.indirect.scatter.add.f32 [tilespmem:s18], [sflag:$0x3], $0x80, s22, s17, $0xb8;
	[tilespmem:$0x1E800] =	vst v63  }
0x48: {  	_ =	swait.ge [sflag:s20], $0x3E80  }
0x49: {  	[sflag:s20] =	ssyncset.done $0x0  }
0x4a: {  	[sflag:s20] =	ssyncadd.s32 $0xFFFFC180  }
0x4b: {  	[tilespmem:s18], [sflag:$0x1] =	stream.indirect.gather [hbm4b:s4+s17], $0x80, s21, s17, $0xb8;
	[tilespmem:$0x1E800] =	vst v63  }
0x4c: {  	_ =	swait.ge [sflag:s14], $0x3E80  }
0x4d: {  	[sflag:s14] =	ssyncset.done $0x0  }
0x4e: {  	[sflag:s14] =	ssyncadd.s32 $0xFFFFC180  }
0x4f: {  	[spmem:s2] =	stream.indirect.scatter.add.f32 [tilespmem:s19], [sflag:$0x3], $0x80, s23, s17, $0xb8;
	[tilespmem:$0x1E800] =	vst v63  }
0x50: {  	_ =	swait.ge [sflag:s20], $0x3E80  }
0x51: {  	[sflag:s20] =	ssyncset.done $0x0  }
0x52: {  	[sflag:s20] =	ssyncadd.s32 $0xFFFFC180  }
0x53: {  	_ =	swait.ge [sflag:s16], $0x3E80  }
0x54: {  	[sflag:s16] =	ssyncset.done $0x0  }
0x55: {  	s25 =	simm.s32 $0x0;
	[sflag:s16] =	ssyncadd.s32 $0xFFFFC180  }
0x56: {  	[tilespmem:s25], [sflag:$0x3] =	stream.linear.gather [hbm4b:s9+s25], $0x1400, $0x38;
	[tilespmem:$0x1E800] =	vst v63  }
0x57: {  	_ =	swait.ge [sflag:s20], $0x1400  }
0x58: {  	[sflag:s20] =	ssyncset.done $0x0  }
0x59: {  	[sflag:s20] =	ssyncadd.s32 $0xFFFFEC00  }
0x5a: {  	[tilespmem:s15], [sflag:$0x3] =	stream.linear.gather [hbm4b:s10+s25], $0x1400, $0x38;
	[tilespmem:$0x1E800] =	vst v63  }
0x5b: {  	_ =	swait.ge [sflag:s20], $0x1400  }
0x5c: {  	[sflag:s20] =	ssyncset.done $0x0  }
0x5d: {  	[sflag:s20] =	ssyncadd.s32 $0xFFFFEC00  }
0x5e: {  	[tilespmem:s18], [sflag:$0x1] =	stream.indirect.gather [hbm4b:s4+s17], $0x80, s25, s17, $0xb8;
	[tilespmem:$0x1E800] =	vst v63  }
0x5f: {  	_ =	swait.ge [sflag:s16], $0x3E80  }
0x60: {  	[sflag:s16] =	ssyncset.done $0x0  }
0x61: {  	s28 =	simm.s32 $0x80;
	[sflag:s16] =	ssyncadd.s32 $0xFFFFC180  }
0x62: {  	[tilespmem:s19], [sflag:$0x2] =	stream.indirect.gather [hbm4b:s4+s17], $0x80, s28, s17, $0xb8;
	[tilespmem:$0x1E800] =	vst v63  }
0x63: {  	s29 =	simm.s32 $0x1400  }
0x64: {  	[spmem:s2] =	stream.indirect.scatter.add.f32 [tilespmem:s18], [sflag:$0x3], $0x80, s29, s17, $0xb8;
	[tilespmem:$0x1E800] =	vst v63  }
0x65: {  	_ =	swait.ge [sflag:s20], $0x3E80  }
0x66: {  	[sflag:s20] =	ssyncset.done $0x0  }
0x67: {  	s30 =	simm.s32 $0x100;
	[sflag:s20] =	ssyncadd.s32 $0xFFFFC180  }
0x68: {  	[tilespmem:s18], [sflag:$0x1] =	stream.indirect.gather [hbm4b:s4+s17], $0x80, s30, s17, $0xb8;
	[tilespmem:$0x1E800] =	vst v63  }
0x69: {  	_ =	swait.ge [sflag:s14], $0x3E80  }
0x6a: {  	[sflag:s14] =	ssyncset.done $0x0  }
0x6b: {  	s31 =	simm.s32 $0x1480;
	[sflag:s14] =	ssyncadd.s32 $0xFFFFC180  }
0x6c: {  	[spmem:s2] =	stream.indirect.scatter.add.f32 [tilespmem:s19], [sflag:$0x3], $0x80, s31, s17, $0xb8;
	[tilespmem:$0x1E800] =	vst v63  }
0x6d: {  	_ =	swait.ge [sflag:s20], $0x3E80  }
0x6e: {  	s25 =	simm.s32 $0x400;
	[sflag:s20] =	ssyncset.done $0x0  }
.LBB2_4:
0x6f: {  	p0 =	sne.s32 s25, $0x4800  }
0x70: {  	[sflag:s20] =	ssyncadd.s32 $0xFFFFC180;
	s26 =	smov.u32 s25;
	s25 =	sadd.s32 $0x400, s25  }
0x71: {  	_ =	swait.ge [sflag:s16], $0x3E80  }
0x72: {  	s26 =	sshra.s32 s26, $0x2;
	[sflag:s16] =	ssyncset.done $0x0  }
0x73: {  	s28 =	sadd.s32 $0x80, s26;
	[sflag:s16] =	ssyncadd.s32 $0xFFFFC180  }
0x74: {  	[tilespmem:s19], [sflag:$0x2] =	stream.indirect.gather [hbm4b:s4+s17], $0x80, s28, s17, $0xb8;
	[tilespmem:$0x1E800] =	vst v63  }
0x75: {  	s28 =	sadd.s32 $0x1400, s26  }
0x76: {  	[spmem:s2] =	stream.indirect.scatter.add.f32 [tilespmem:s18], [sflag:$0x3], $0x80, s28, s17, $0xb8;
	[tilespmem:$0x1E800] =	vst v63  }
0x77: {  	_ =	swait.ge [sflag:s20], $0x3E80  }
0x78: {  	[sflag:s20] =	ssyncset.done $0x0  }
0x79: {  	s28 =	sadd.s32 $0x100, s26;
	[sflag:s20] =	ssyncadd.s32 $0xFFFFC180  }
0x7a: {  	[tilespmem:s18], [sflag:$0x1] =	stream.indirect.gather [hbm4b:s4+s17], $0x80, s28, s17, $0xb8;
	[tilespmem:$0x1E800] =	vst v63  }
0x7b: {  	_ =	swait.ge [sflag:s14], $0x3E80  }
.Ltmp1:
0x7c: {  	[sflag:s14] =	ssyncset.done $0x0;
	(pc) =	sbr.rel @p0 .LBB2_4-.Ltmp1, $4  }
0x7d: {  	s26 =	sadd.s32 $0x1480, s26;
	[sflag:s14] =	ssyncadd.s32 $0xFFFFC180  }
0x7e: {  	[spmem:s2] =	stream.indirect.scatter.add.f32 [tilespmem:s19], [sflag:$0x3], $0x80, s26, s17, $0xb8;
	[tilespmem:$0x1E800] =	vst v63  }
0x7f: {  	_ =	swait.ge [sflag:s20], $0x3E80  }
0x80: {  	[sflag:s20] =	ssyncset.done $0x0  }
0x81: {  	[sflag:s20] =	ssyncadd.s32 $0xFFFFC180  }
0x82: {  	_ =	swait.ge [sflag:s16], $0x3E80  }
0x83: {  	[sflag:s16] =	ssyncset.done $0x0  }
0x84: {  	[sflag:s16] =	ssyncadd.s32 $0xFFFFC180  }
0x85: {  	[tilespmem:s19], [sflag:$0x2] =	stream.indirect.gather [hbm4b:s4+s17], $0x80, s21, s17, $0xb8;
	[tilespmem:$0x1E800] =	vst v63  }
0x86: {  	_ = 	snop  }
0x87: {  	[spmem:s2] =	stream.indirect.scatter.add.f32 [tilespmem:s18], [sflag:$0x3], $0x80, s22, s17, $0xb8;
	[tilespmem:$0x1E800] =	vst v63  }
0x88: {  	_ =	swait.ge [sflag:s20], $0x3E80  }
0x89: {  	[sflag:s20] =	ssyncset.done $0x0  }
0x8a: {  	[sflag:s20] =	ssyncadd.s32 $0xFFFFC180  }
0x8b: {  	[tilespmem:s18], [sflag:$0x1] =	stream.indirect.gather [hbm4b:s4+s17], $0x80, s21, s17, $0xb8;
	[tilespmem:$0x1E800] =	vst v63  }
0x8c: {  	_ =	swait.ge [sflag:s14], $0x3E80  }
0x8d: {  	[sflag:s14] =	ssyncset.done $0x0  }
0x8e: {  	[sflag:s14] =	ssyncadd.s32 $0xFFFFC180  }
0x8f: {  	[spmem:s2] =	stream.indirect.scatter.add.f32 [tilespmem:s19], [sflag:$0x3], $0x80, s23, s17, $0xb8;
	[tilespmem:$0x1E800] =	vst v63  }
0x90: {  	_ =	swait.ge [sflag:s20], $0x3E80  }
0x91: {  	[sflag:s20] =	ssyncset.done $0x0  }
0x92: {  	[sflag:s20] =	ssyncadd.s32 $0xFFFFC180  }
0x93: {  	_ =	swait.ge [sflag:s16], $0x3E80  }
0x94: {  	s24 =	sadd.s32 $0x1, s24;
	[sflag:s16] =	ssyncset.done $0x0  }
0x95: {  	p0 =	sne.s32 s24, s12;
	[sflag:s16] =	ssyncadd.s32 $0xFFFFC180  }
.Ltmp2:
0x96: {  	[bflag:$0x0] =	sbarrier.arrive $0xFFFF;
	(pc) =	sbr.rel @p0 .LBB2_1-.Ltmp2, $4  }
0x97: {  	[hbm:s11], [sflag:s6] =	dma.local [spmem:s13], $0x2800  }
0x98: {  	_ =	swait.ge [sflag:s16], $0x2800  }
0x99: {  	[sflag:s16] =	ssyncset.done $0x0  }
0x9a: {  	[sflag:s16] =	ssyncadd.s32 $0xFFFFD800  }
0x9b: {  	_ =	sfence.sel $0x180000  }
0x9c: {  	[bflag:$0x0] =	sbarrier.arrive $0xFFFF  }
0x9d: {  	p0 =	sne.s32 s0, $0x0;
	_ =	strace $0x9000004A  }
0x9e: {  	s0 =	sadd.s32 @!p0 $0x100000, s1;
	[bflag:$0x2] =	sbarrier.arrive $0xFFFF  }
0x9f: {  	[sflag:s0] =	ssyncadd.tile.s32 @!p0 $0x1;
	_ =	shalt  }
.Lfunc_end2:
_tile_overlayer_lowered:
.L_overlay_start_2:
0xa0: {  	(tag) =	ssettag $0x2  }
0xa1: {  	s0 =	rddreg [dreg:$0x0];
	s2 =	stileid.u32  }
0xa2: {  	s1 =	rddreg [dreg:$0x1];
	p0 =	sne.s32 s2, $0x0  }
0xa3: {  	s3 =	rddreg [dreg:$0x2];
	[bflag:$0x3] =	sbarrier.arrive $0xFFFF;
	s2 =	simm.s32 @!p0 $0x1C01  }
0xa4: {  	[timem:s3], [sflag:s2] =	dma.local @!p0 [hbm:s0], s1  }
0xa5: {  	s0 =	simm.s32 @!p0 $0x1  }
0xa6: {  	_ =	swait.ge @!p0 [sflag:s0], s1  }
0xa7: {  	s1 =	ssub.s32 @!p0 $0x0, s1;
	[sflag:s0] =	ssyncset.done @!p0 $0x0  }
0xa8: {  	[sflag:s0] =	ssyncadd.s32 @!p0 s1  }
0xa9: {  	[bflag:$0x3] =	sbarrier.arrive $0xFFFF  }
0xaa: {  	_ =	shalt  }

// kernel: kernel.16.cloned.1.call-start
scs
__scs_entry_jumppad:
0x0: {  	(pc) =	sbr.rel $0x88, $3  }
0x1: {  	(tag) =	ssettag $0x0;
	lr =	simm.s32 $0x1  }
0x2: {  	[smem:$0x3F95] =	sst lr;
	_ =	strace $0xD0000000  }
0x3: {  	_ = 	snop  }
0x4: {  	_ = 	snop  }
0x5: {  	_ = 	snop  }
0x6: {  	_ = 	snop  }
0x7: {  	_ = 	snop  }
__scs_overlays_trampoline_lowered:
0x8: {  	[smem:$0x3FA4] =	sst s0  }
0x9: {  	[smem:$0x3FA5] =	sst s1  }
0xa: {  	[smem:$0x3FA6] =	sst s2  }
0xb: {  	[smem:$0x3FA7] =	sst s3  }
0xc: {  	[smem:$0x3FA8] =	sst s4  }
0xd: {  	[smem:$0x3FA9] =	sst s5  }
0xe: {  	[smem:$0x3FAA] =	sst s6  }
0xf: {  	[smem:$0x3FAB] =	sst s7  }
0x10: {  	[smem:$0x3FAC] =	sst s8  }
0x11: {  	[smem:$0x3FAD] =	sst s9;
	s0 =	simm.s32 @!p0 $0x0  }
0x12: {  	s1 =	sld [smem:$0x3F93];
	s0 =	simm.s32 @p0 $0x1  }
0x13: {  	[smem:$0x3FAE] =	sst s0;
	s0 =	simm.s32 @!p1 $0x0  }
0x14: {  	s2 =	sld [smem:$0x3F92];
	s0 =	simm.s32 @p1 $0x1  }
0x15: {  	[smem:$0x3FAF] =	sst s0;
	s0 =	simm.s32 @!p2 $0x0  }
0x16: {  	s3 =	sld [smem:$0x3FDB];
	s0 =	simm.s32 @p2 $0x1  }
0x17: {  	s4 =	simm.s32 $0x1BF5;
	[smem:$0x3FB1] =	sst s0  }
0x18: {  	s0 =	sld [smem:$0x3F94];
	_ =	swait.ge [sflag:s4], $0x0  }
0x19: {  	s7 =	sld [smem:$0x3F95]  }
0x1a: {  	s8 =	sadd.s32 $0xFFFFE003, lr  }
0x1b: {  	s9 =	sadd.s32 $0xFFFFFEF7, lr;
	s5 =	simm.s32 $0xFFFFFFFF;
	p2 =	slt.u32 s8, $0xFFFFF086  }
0x1c: {  	p1 =	slt.u32 s9, $0xF7A;
	s5 =	simm.s32 @!p2 $0x0  }
0x1d: {  	s5 =	simm.s32 @p1 $0x1;
	p0 =	seq.s32 s7, s2  }
0x1e: {  	s7 =	smul.u32 @!p0 $0xF7A, s2;
	p2 =	seq.s32 @!p0 s5, $0x0  }
0x1f: {  	s9 =	smul.u32 $0xF7A, s1;
	s8 =	simm.s32 @!p0 $0x1BF5;
	p2 =	por !p2, p0  }
0x20: {  	[sflag:s8] =	ssyncset.s32 @!p0 $0xFFFFF086;
	s6 =	sadd.s32 @!p0 s3, s7;
	s7 =	simm.s32 @!p0 $0x108  }
0x21: {  	s3 =	sadd.s32 s3, s9;
	s6 =	sadd.s32 @!p0 $0x88, s6;
	s7 =	simm.s32 @p2 $0x1082  }
0x22: {  	[simem:s7], [sflag:s8] =	dma.local @!p0 [hbm:s6], $0xF7A  }
0x23: {  	s9 =	sor.u32 $0xD0000000, s2;
	s6 =	simm.s32 $0x108;
	_ =	swait.ge @!p0 [sflag:s8], $0x0  }
0x24: {  	s3 =	sadd.s32 $0x88, s3;
	s6 =	simm.s32 @!p1 $0x1082;
	[sflag:s4] =	ssyncset.s32 $0xFFFFF086  }
0x25: {  	[simem:s6], [sflag:s4] =	dma.local [hbm:s3], $0xF7A  }
0x26: {  	[smem:$0x3F95] =	sst s1;
	(tag) =	ssettag s2;
	_ =	strace s9  }
0x27: {  	s1 =	sld [smem:$0x3FA5]  }
0x28: {  	s2 =	sld [smem:$0x3FA6]  }
0x29: {  	s4 =	sld [smem:$0x3FA8]  }
0x2a: {  	p0 =	seq.s32 s5, $0x0;
	s5 =	sld [smem:$0x3FA9]  }
0x2b: {  	s6 =	sld [smem:$0x3FAA]  }
0x2c: {  	s7 =	sld [smem:$0x3FAB]  }
0x2d: {  	s3 =	simm.s32 $0x108;
	s8 =	sld [smem:$0x3FAC]  }
0x2e: {  	s3 =	simm.s32 @!p0 $0x1082;
	s9 =	sld [smem:$0x3FAD]  }
0x2f: {  	lr =	sadd.s32 s0, s3;
	s0 =	sld [smem:$0x3FA4]  }
0x30: {  	s3 =	sld [smem:$0x3FA7]  }
0x31: {  	[smem:$0x3FB0] =	sst s10  }
0x32: {  	s10 =	sld [smem:$0x3FAE];
	_ =	sdelay $0x3  }
0x33: {  	p0 =	seq.s32 s10, $0x1;
	s10 =	sld [smem:$0x3FB0];
	_ =	sdelay $0x3  }
0x34: {  	[smem:$0x3FB0] =	sst s10  }
0x35: {  	s10 =	sld [smem:$0x3FAF];
	_ =	sdelay $0x3  }
0x36: {  	p1 =	seq.s32 s10, $0x1;
	s10 =	sld [smem:$0x3FB0];
	_ =	sdelay $0x3  }
0x37: {  	[smem:$0x3FB0] =	sst s10  }
0x38: {  	s10 =	sld [smem:$0x3FB1]  }
0x39: {  	_ = 	snop;
	(pc) =	sbr.ind lr, $3  }
0x3a: {  	_ = 	snop  }
0x3b: {  	_ = 	snop  }
0x3c: {  	p2 =	seq.s32 s10, $0x1;
	s10 =	sld [smem:$0x3FB0]  }
0x3d: {  	_ =	shalt  }
0x3e: {  	_ =	shalt  }
0x3f: {  	_ =	shalt  }
0x40: {  	_ =	shalt  }
0x41: {  	_ =	shalt  }
0x42: {  	_ =	shalt  }
0x43: {  	_ =	shalt  }
0x44: {  	_ =	shalt  }
0x45: {  	_ =	shalt  }
0x46: {  	_ =	shalt  }
0x47: {  	_ =	shalt  }
0x48: {  	_ =	shalt  }
0x49: {  	_ =	shalt  }
0x4a: {  	_ =	shalt  }
0x4b: {  	_ =	shalt  }
0x4c: {  	_ =	shalt  }
0x4d: {  	_ =	shalt  }
0x4e: {  	_ =	shalt  }
0x4f: {  	_ =	shalt  }
0x50: {  	_ =	shalt  }
0x51: {  	_ =	shalt  }
0x52: {  	_ =	shalt  }
0x53: {  	_ =	shalt  }
0x54: {  	_ =	shalt  }
0x55: {  	_ =	shalt  }
0x56: {  	_ =	shalt  }
0x57: {  	_ =	shalt  }
0x58: {  	_ =	shalt  }
0x59: {  	_ =	shalt  }
0x5a: {  	_ =	shalt  }
0x5b: {  	_ =	shalt  }
0x5c: {  	_ =	shalt  }
0x5d: {  	_ =	shalt  }
0x5e: {  	_ =	shalt  }
0x5f: {  	_ =	shalt  }
0x60: {  	_ =	shalt  }
0x61: {  	_ =	shalt  }
0x62: {  	_ =	shalt  }
0x63: {  	_ =	shalt  }
0x64: {  	_ =	shalt  }
0x65: {  	_ =	shalt  }
0x66: {  	_ =	shalt  }
0x67: {  	_ =	shalt  }
0x68: {  	_ =	shalt  }
0x69: {  	_ =	shalt  }
0x6a: {  	_ =	shalt  }
0x6b: {  	_ =	shalt  }
0x6c: {  	_ =	shalt  }
0x6d: {  	_ =	shalt  }
0x6e: {  	_ =	shalt  }
0x6f: {  	_ =	shalt  }
0x70: {  	_ =	shalt  }
0x71: {  	_ =	shalt  }
0x72: {  	_ =	shalt  }
0x73: {  	_ =	shalt  }
0x74: {  	_ =	shalt  }
0x75: {  	_ =	shalt  }
0x76: {  	_ =	shalt  }
0x77: {  	_ =	shalt  }
0x78: {  	_ =	shalt  }
0x79: {  	_ =	shalt  }
0x7a: {  	_ =	shalt  }
0x7b: {  	_ =	shalt  }
0x7c: {  	_ =	shalt  }
0x7d: {  	_ =	shalt  }
0x7e: {  	_ =	shalt  }
0x7f: {  	_ =	shalt  }
0x80: {  	_ =	shalt  }
0x81: {  	_ =	shalt  }
0x82: {  	_ =	shalt  }
0x83: {  	_ =	shalt  }
0x84: {  	_ =	shalt  }
0x85: {  	_ =	shalt  }
0x86: {  	_ =	shalt  }
0x87: {  	_ =	shalt  }
.Lfunc_end0:
.L_simem_size_0:
called_computation.2_lowered:
.L_overlay_start_0:
0x88: {  	s2 =	sld [smem:$0x3FD9]  }
0x89: {  	s3 =	sld [smem:$0x3FFE];
	_ =	sdelay $0x1  }
0x8a: {  	s1 =	srdreg.scid  }
0x8b: {  	s0 =	sand.u32 $0x1, s1  }
0x8c: {  	s16 =	sshll.u32 s0, $0xA;
	s2 =	sadd.s32 s3, s2  }
0x8d: {  	s2 =	sadd.s32 s2, s16  }
0x8e: {  	[smem:$0x3FBC] =	sst s2  }
0x8f: {  	_ = 	snop  }
0x90: {  	(tm) =	ssettm $0x1  }
0x91: {  	s17 =	sld [smem:$0x3FFB];
	_ =	sdelay $0x3  }
0x92: {  	_ =	strace s17  }
0x93: {  	s2 =	sld [smem:$0x3FFC];
	_ =	sdelay $0x3  }
0x94: {  	_ =	strace s2  }
0x95: {  	s2 =	sld [smem:$0x3FFD];
	_ =	sdelay $0x3  }
0x96: {  	_ =	strace s2  }
0x97: {  	_ =	strace $0x8FFFFFFF  }
0x98: {  	s18 =	sld [smem:$0x3FDB];
	_ =	sdelay $0x1  }
0x99: {  	s19 =	simm.s32 $_scs_section_size  }
0x9a: {  	s4 =	simm.s32 $_size__tile_overlayer_lowered;
	s5 =	simm.s32 $_tile_overlayer_lowered  }
0x9b: {  	s22 =	simm.s32 $0x1BFF;
	s21 =	sshll.u32 s5, $0x1;
	s2 =	sadd.s32 s19, s18  }
0x9c: {  	s6 =	simm.s32 $0x0;
	s20 =	sshll.u32 s4, $0x1;
	s4 =	sadd.s32 s21, s2  }
0x9d: {  	[timem:s6], [sflag:s22] =	dma.local [hbm:s4], s20  }
0x9e: {  	_ =	swait.ge [sflag:s22], s20  }
0x9f: {  	s3 =	ssub.s32 $0x0, s20;
	[sflag:s22] =	ssyncset.done $0x0  }
0xa0: {  	[sflag:s22] =	ssyncadd.s32 s3;
	_ =	sdelay $0x1  }
0xa1: {  	s23 =	simm.s32 $0x1B8B  }
0xa2: {  	_ =	swait.ge [sflag:s23], $0x1  }
0xa3: {  	[sflag:s23] =	ssyncset.done $0x0  }
0xa4: {  	s25 =	simm.s32 $0x1B8E;
	s24 =	sld [smem:$0x3FFE];
	[sflag:s23] =	ssyncadd.s32 $0xFFFFFFFF  }
0xa5: {  	s26 =	simm.s32 $execute0_lowered;
	[smem:$0x3FD2] =	sst s25  }
0xa6: {  	s4 =	sshll.u32 s26, $0x1;
	_ =	strace $0x8000004C;
	[dreg:$0x1] =	wrdreg $0xFFFFFFFF  }
0xa7: {  	s28 =	simm.s32 $_size_execute0_lowered;
	s2 =	sadd.s32 s2, s4;
	[dreg:$0x0] =	wrdreg $0x0  }
0xa8: {  	s4 =	sshll.u32 s28, $0x1;
	[dreg:$0x2] =	wrdreg s2  }
0xa9: {  	[dreg:$0x3] =	wrdreg s4  }
0xaa: {  	[dreg:$0x4] =	wrdreg $0xC0  }
0xab: {  	_ =	task [dreg:s6], $0x5FFFF  }
0xac: {  	[dreg:$0x1] =	wrdreg $0xFFFFFFFF  }
0xad: {  	[dreg:$0x0] =	wrdreg $0x60  }
0xae: {  	[dreg:$0x2] =	wrdreg s24  }
0xaf: {  	[dreg:$0x3] =	wrdreg $0xA8000  }
0xb0: {  	[dreg:$0x4] =	wrdreg $0x9  }
0xb1: {  	_ =	task.clear_ibuf [dreg:s6], $0x5FFFF;
	_ =	strace $0x9000004C  }
0xb2: {  	s29 =	simm.s32 $0x9;
	_ =	strace $0x8000004E  }
0xb3: {  	_ =	swait.ge [sflag:s29], $0x1  }
0xb4: {  	[sflag:s29] =	ssyncadd.s32 $0xFFFFFFFF  }
0xb5: {  	_ =	strace $0x9000004E  }
0xb6: {  	_ =	sfence  }
0xb7: {  	s30 =	sld [smem:$0x0];
	_ =	sdelay $0x2  }
0xb8: {  	s31 =	sshll.u32 s1, $0xD;
	s1 =	sshrl.u32 s1, $0x2  }
0xb9: {  	s3 =	sand.u32 $0x4000, s31;
	s1 =	sadd.s32 s1, s30  }
0xba: {  	s0 =	sor.u32 s3, s0;
	s1 =	sshll.u32 s1, $0x11  }
0xbb: {  	s0 =	sor.u32 s1, s0  }
0xbc: {  	s0 =	sadd.s32 $0x8F2B, s0  }
0xbd: {  	[sflag:s0] =	ssyncadd.remote.s32 $0x1  }
0xbe: {  	_ =	sfence.sel $0xFFFF  }
0xbf: {  	[dreg:$0x0] =	wrdreg $0xFFFFFFFF;
	(pc) =	sbr.abs _section_cstart, $3  }
0xc0: {  	[dreg:$0x1] =	wrdreg $0xFFFFFFFF  }
0xc1: {  	_ =	task.clear_ibuf [dreg:s6], $0x2FFFF;
	_ =	strace $0x9FFFFFFF  }
0xc2: {  	(tm) =	ssettm $0x7FFFFFFF  }
0xc3: {  	_ =	shalt  }
tec
execute0_lowered:
.L_overlay_start_1:
0x0: {  	(tag) =	ssettag $0x1  }
0x1: {  	s1 =	srdreg.scid;
	s5 =	rddreg [dreg:$0x0]  }
0x2: {  	s0 =	stileid.u32;
	s2 =	rddreg [dreg:$0x1]  }
0x3: {  	s3 =	simm.s32 $0x0;
	s15 =	simm.s32 $0x1400;
	s16 =	simm.s32 $0x1  }
0x4: {  	s17 =	simm.s32 $0x7D;
	s18 =	simm.s32 $0x2800;
	s19 =	simm.s32 $0x6800  }
0x5: {  	s20 =	simm.s32 $0x3;
	s21 =	simm.s32 $0x1380;
	s22 =	simm.s32 $0x2700  }
0x6: {  	s23 =	simm.s32 $0x2780;
	s24 =	simm.s32 $0x0;
	s7 =	smul.u32 $0x2800, s0  }
0x7: {  	s6 =	sand.u32 $0x1, s1;
	s1 =	rddreg [dreg:$0x2];
	s11 =	smul.u32 $0x50000, s0  }
0x8: {  	[smem:$0x7FF] =	sst s3;
	s31 =	sshll.u32 s0, $0x6;
	s4 =	smul.u32 $0x28000, s6  }
0x9: {  	_ =	strace $0x8000004D;
	s6 =	ssub.s32 $0x2, s6;
	s10 =	sshrl.u32 s7, $0x3  }
0xa: {  	s29 =	sshrl.u32 s6, $0x1;
	s30 =	sshrl.u32 s11, $0x2;
	s8 =	sadd.s32 s7, s4  }
0xb: {  	s4 =	sadd.s32 $0x7F400, s5;
	s10 =	sadd.s32 s10, s5;
	s7 =	sadd.s32 s7, s5  }
0xc: {  	s13 =	ssub.s32 s6, s29;
	s14 =	sadd.s32 s30, s2;
	s6 =	sor.u32 $0x1C01, s31  }
0xd: {  	s9 =	sshrl.u32 s8, $0x3;
	s12 =	sadd.s32 s8, s5;
	s8 =	sadd.s32 $0x4200, s10  }
0xe: {  	s10 =	sadd.s32 $0x4480, s10;
	s9 =	sadd.s32 s9, s5;
	s5 =	sadd.s32 $0x57400, s7  }
0xf: {  	s11 =	sadd.s32 $0xD9400, s12;
	s12 =	smax.u32 s13, $0x1;
	s13 =	sshrl.u32 s14, $0x3  }
0x10: {  	s14 =	simm.s32 $0x2;
	s7 =	sadd.s32 $0xCF400, s9;
	s9 =	sadd.s32 $0xCF680, s9  }
.LBB2_1:
0x11: {  	[spmem:s13], [sflag:s6] =	dma.local [hbm:s5], $0x2800  }
0x12: {  	[tilespmem:s3], [sflag:$0x2] =	stream.linear.gather [hbm4b:s7+s3], $0x1400, $0x38;
	[tilespmem:$0x1E800] =	vst v63  }
0x13: {  	_ =	swait.ge [sflag:s14], $0x1400  }
0x14: {  	[sflag:s14] =	ssyncset.done $0x0  }
0x15: {  	[sflag:s14] =	ssyncadd.s32 $0xFFFFEC00  }
0x16: {  	[tilespmem:s15], [sflag:$0x2] =	stream.linear.gather [hbm4b:s8+s3], $0x1400, $0x38;
	[tilespmem:$0x1E800] =	vst v63  }
0x17: {  	_ =	swait.ge [sflag:s14], $0x1400  }
0x18: {  	[sflag:s14] =	ssyncset.done $0x0  }
0x19: {  	[sflag:s14] =	ssyncadd.s32 $0xFFFFEC00  }
0x1a: {  	_ =	swait.ge [sflag:s16], $0x2800  }
0x1b: {  	[sflag:s16] =	ssyncset.done $0x0  }
0x1c: {  	[sflag:s16] =	ssyncadd.s32 $0xFFFFD800  }
0x1d: {  	[bflag:$0x0] =	sbarrier.arrive $0xFFFF  }
0x1e: {  	[tilespmem:s18], [sflag:$0x1] =	stream.indirect.gather [hbm4b:s4+s17], $0x80, s3, s17, $0xb8;
	[tilespmem:$0x1E800] =	vst v63  }
0x1f: {  	_ =	swait.ge [sflag:s16], $0x3E80  }
0x20: {  	[sflag:s16] =	ssyncset.done $0x0  }
0x21: {  	s25 =	simm.s32 $0x80;
	[sflag:s16] =	ssyncadd.s32 $0xFFFFC180  }
0x22: {  	[tilespmem:s19], [sflag:$0x2] =	stream.indirect.gather [hbm4b:s4+s17], $0x80, s25, s17, $0xb8;
	[tilespmem:$0x1E800] =	vst v63  }
0x23: {  	s29 =	simm.s32 $0x1400  }
0x24: {  	[spmem:s2] =	stream.indirect.scatter.add.f32 [tilespmem:s18], [sflag:$0x3], $0x80, s29, s17, $0xb8;
	[tilespmem:$0x1E800] =	vst v63  }
0x25: {  	_ =	swait.ge [sflag:s20], $0x3E80  }
0x26: {  	[sflag:s20] =	ssyncset.done $0x0  }
0x27: {  	s30 =	simm.s32 $0x100;
	[sflag:s20] =	ssyncadd.s32 $0xFFFFC180  }
0x28: {  	[tilespmem:s18], [sflag:$0x1] =	stream.indirect.gather [hbm4b:s4+s17], $0x80, s30, s17, $0xb8;
	[tilespmem:$0x1E800] =	vst v63  }
0x29: {  	_ =	swait.ge [sflag:s14], $0x3E80  }
0x2a: {  	[sflag:s14] =	ssyncset.done $0x0  }
0x2b: {  	s31 =	simm.s32 $0x1480;
	[sflag:s14] =	ssyncadd.s32 $0xFFFFC180  }
0x2c: {  	[spmem:s2] =	stream.indirect.scatter.add.f32 [tilespmem:s19], [sflag:$0x3], $0x80, s31, s17, $0xb8;
	[tilespmem:$0x1E800] =	vst v63  }
0x2d: {  	_ =	swait.ge [sflag:s20], $0x3E80  }
0x2e: {  	s25 =	simm.s32 $0x400;
	[sflag:s20] =	ssyncset.done $0x0  }
.LBB2_2:
0x2f: {  	p0 =	sne.s32 s25, $0x4800  }
0x30: {  	[sflag:s20] =	ssyncadd.s32 $0xFFFFC180;
	s26 =	smov.u32 s25;
	s25 =	sadd.s32 $0x400, s25  }
0x31: {  	_ =	swait.ge [sflag:s16], $0x3E80  }
0x32: {  	s26 =	sshra.s32 s26, $0x2;
	[sflag:s16] =	ssyncset.done $0x0  }
0x33: {  	s28 =	sadd.s32 $0x80, s26;
	[sflag:s16] =	ssyncadd.s32 $0xFFFFC180  }
0x34: {  	[tilespmem:s19], [sflag:$0x2] =	stream.indirect.gather [hbm4b:s4+s17], $0x80, s28, s17, $0xb8;
	[tilespmem:$0x1E800] =	vst v63  }
0x35: {  	s28 =	sadd.s32 $0x1400, s26  }
0x36: {  	[spmem:s2] =	stream.indirect.scatter.add.f32 [tilespmem:s18], [sflag:$0x3], $0x80, s28, s17, $0xb8;
	[tilespmem:$0x1E800] =	vst v63  }
0x37: {  	_ =	swait.ge [sflag:s20], $0x3E80  }
0x38: {  	[sflag:s20] =	ssyncset.done $0x0  }
0x39: {  	s28 =	sadd.s32 $0x100, s26;
	[sflag:s20] =	ssyncadd.s32 $0xFFFFC180  }
0x3a: {  	[tilespmem:s18], [sflag:$0x1] =	stream.indirect.gather [hbm4b:s4+s17], $0x80, s28, s17, $0xb8;
	[tilespmem:$0x1E800] =	vst v63  }
0x3b: {  	_ =	swait.ge [sflag:s14], $0x3E80  }
.Ltmp0:
0x3c: {  	[sflag:s14] =	ssyncset.done $0x0;
	(pc) =	sbr.rel @p0 .LBB2_2-.Ltmp0, $4  }
0x3d: {  	s26 =	sadd.s32 $0x1480, s26;
	[sflag:s14] =	ssyncadd.s32 $0xFFFFC180  }
0x3e: {  	[spmem:s2] =	stream.indirect.scatter.add.f32 [tilespmem:s19], [sflag:$0x3], $0x80, s26, s17, $0xb8;
	[tilespmem:$0x1E800] =	vst v63  }
0x3f: {  	_ =	swait.ge [sflag:s20], $0x3E80  }
0x40: {  	[sflag:s20] =	ssyncset.done $0x0  }
0x41: {  	[sflag:s20] =	ssyncadd.s32 $0xFFFFC180  }
0x42: {  	_ =	swait.ge [sflag:s16], $0x3E80  }
0x43: {  	[sflag:s16] =	ssyncset.done $0x0  }
0x44: {  	[sflag:s16] =	ssyncadd.s32 $0xFFFFC180  }
0x45: {  	[tilespmem:s19], [sflag:$0x2] =	stream.indirect.gather [hbm4b:s4+s17], $0x80, s21, s17, $0xb8;
	[tilespmem:$0x1E800] =	vst v63  }
0x46: {  	_ = 	snop  }
0x47: {  	[spmem:s2] =	stream.indirect.scatter.add.f32 [tilespmem:s18], [sflag:$0x3], $0x80, s22, s17, $0xb8;
	[tilespmem:$0x1E800] =	vst v63  }
0x48: {  	_ =	swait.ge [sflag:s20], $0x3E80  }
0x49: {  	[sflag:s20] =	ssyncset.done $0x0  }
0x4a: {  	[sflag:s20] =	ssyncadd.s32 $0xFFFFC180  }
0x4b: {  	[tilespmem:s18], [sflag:$0x1] =	stream.indirect.gather [hbm4b:s4+s17], $0x80, s21, s17, $0xb8;
	[tilespmem:$0x1E800] =	vst v63  }
0x4c: {  	_ =	swait.ge [sflag:s14], $0x3E80  }
0x4d: {  	[sflag:s14] =	ssyncset.done $0x0  }
0x4e: {  	[sflag:s14] =	ssyncadd.s32 $0xFFFFC180  }
0x4f: {  	[spmem:s2] =	stream.indirect.scatter.add.f32 [tilespmem:s19], [sflag:$0x3], $0x80, s23, s17, $0xb8;
	[tilespmem:$0x1E800] =	vst v63  }
0x50: {  	_ =	swait.ge [sflag:s20], $0x3E80  }
0x51: {  	[sflag:s20] =	ssyncset.done $0x0  }
0x52: {  	[sflag:s20] =	ssyncadd.s32 $0xFFFFC180  }
0x53: {  	_ =	swait.ge [sflag:s16], $0x3E80  }
0x54: {  	[sflag:s16] =	ssyncset.done $0x0  }
0x55: {  	s25 =	simm.s32 $0x0;
	[sflag:s16] =	ssyncadd.s32 $0xFFFFC180  }
0x56: {  	[tilespmem:s25], [sflag:$0x3] =	stream.linear.gather [hbm4b:s9+s25], $0x1400, $0x38;
	[tilespmem:$0x1E800] =	vst v63  }
0x57: {  	_ =	swait.ge [sflag:s20], $0x1400  }
0x58: {  	[sflag:s20] =	ssyncset.done $0x0  }
0x59: {  	[sflag:s20] =	ssyncadd.s32 $0xFFFFEC00  }
0x5a: {  	[tilespmem:s15], [sflag:$0x3] =	stream.linear.gather [hbm4b:s10+s25], $0x1400, $0x38;
	[tilespmem:$0x1E800] =	vst v63  }
0x5b: {  	_ =	swait.ge [sflag:s20], $0x1400  }
0x5c: {  	[sflag:s20] =	ssyncset.done $0x0  }
0x5d: {  	[sflag:s20] =	ssyncadd.s32 $0xFFFFEC00  }
0x5e: {  	[tilespmem:s18], [sflag:$0x1] =	stream.indirect.gather [hbm4b:s4+s17], $0x80, s25, s17, $0xb8;
	[tilespmem:$0x1E800] =	vst v63  }
0x5f: {  	_ =	swait.ge [sflag:s16], $0x3E80  }
0x60: {  	[sflag:s16] =	ssyncset.done $0x0  }
0x61: {  	s28 =	simm.s32 $0x80;
	[sflag:s16] =	ssyncadd.s32 $0xFFFFC180  }
0x62: {  	[tilespmem:s19], [sflag:$0x2] =	stream.indirect.gather [hbm4b:s4+s17], $0x80, s28, s17, $0xb8;
	[tilespmem:$0x1E800] =	vst v63  }
0x63: {  	s29 =	simm.s32 $0x1400  }
0x64: {  	[spmem:s2] =	stream.indirect.scatter.add.f32 [tilespmem:s18], [sflag:$0x3], $0x80, s29, s17, $0xb8;
	[tilespmem:$0x1E800] =	vst v63  }
0x65: {  	_ =	swait.ge [sflag:s20], $0x3E80  }
0x66: {  	[sflag:s20] =	ssyncset.done $0x0  }
0x67: {  	s30 =	simm.s32 $0x100;
	[sflag:s20] =	ssyncadd.s32 $0xFFFFC180  }
0x68: {  	[tilespmem:s18], [sflag:$0x1] =	stream.indirect.gather [hbm4b:s4+s17], $0x80, s30, s17, $0xb8;
	[tilespmem:$0x1E800] =	vst v63  }
0x69: {  	_ =	swait.ge [sflag:s14], $0x3E80  }
0x6a: {  	[sflag:s14] =	ssyncset.done $0x0  }
0x6b: {  	s31 =	simm.s32 $0x1480;
	[sflag:s14] =	ssyncadd.s32 $0xFFFFC180  }
0x6c: {  	[spmem:s2] =	stream.indirect.scatter.add.f32 [tilespmem:s19], [sflag:$0x3], $0x80, s31, s17, $0xb8;
	[tilespmem:$0x1E800] =	vst v63  }
0x6d: {  	_ =	swait.ge [sflag:s20], $0x3E80  }
0x6e: {  	s25 =	simm.s32 $0x400;
	[sflag:s20] =	ssyncset.done $0x0  }
.LBB2_4:
0x6f: {  	p0 =	sne.s32 s25, $0x4800  }
0x70: {  	[sflag:s20] =	ssyncadd.s32 $0xFFFFC180;
	s26 =	smov.u32 s25;
	s25 =	sadd.s32 $0x400, s25  }
0x71: {  	_ =	swait.ge [sflag:s16], $0x3E80  }
0x72: {  	s26 =	sshra.s32 s26, $0x2;
	[sflag:s16] =	ssyncset.done $0x0  }
0x73: {  	s28 =	sadd.s32 $0x80, s26;
	[sflag:s16] =	ssyncadd.s32 $0xFFFFC180  }
0x74: {  	[tilespmem:s19], [sflag:$0x2] =	stream.indirect.gather [hbm4b:s4+s17], $0x80, s28, s17, $0xb8;
	[tilespmem:$0x1E800] =	vst v63  }
0x75: {  	s28 =	sadd.s32 $0x1400, s26  }
0x76: {  	[spmem:s2] =	stream.indirect.scatter.add.f32 [tilespmem:s18], [sflag:$0x3], $0x80, s28, s17, $0xb8;
	[tilespmem:$0x1E800] =	vst v63  }
0x77: {  	_ =	swait.ge [sflag:s20], $0x3E80  }
0x78: {  	[sflag:s20] =	ssyncset.done $0x0  }
0x79: {  	s28 =	sadd.s32 $0x100, s26;
	[sflag:s20] =	ssyncadd.s32 $0xFFFFC180  }
0x7a: {  	[tilespmem:s18], [sflag:$0x1] =	stream.indirect.gather [hbm4b:s4+s17], $0x80, s28, s17, $0xb8;
	[tilespmem:$0x1E800] =	vst v63  }
0x7b: {  	_ =	swait.ge [sflag:s14], $0x3E80  }
.Ltmp1:
0x7c: {  	[sflag:s14] =	ssyncset.done $0x0;
	(pc) =	sbr.rel @p0 .LBB2_4-.Ltmp1, $4  }
0x7d: {  	s26 =	sadd.s32 $0x1480, s26;
	[sflag:s14] =	ssyncadd.s32 $0xFFFFC180  }
0x7e: {  	[spmem:s2] =	stream.indirect.scatter.add.f32 [tilespmem:s19], [sflag:$0x3], $0x80, s26, s17, $0xb8;
	[tilespmem:$0x1E800] =	vst v63  }
0x7f: {  	_ =	swait.ge [sflag:s20], $0x3E80  }
0x80: {  	[sflag:s20] =	ssyncset.done $0x0  }
0x81: {  	[sflag:s20] =	ssyncadd.s32 $0xFFFFC180  }
0x82: {  	_ =	swait.ge [sflag:s16], $0x3E80  }
0x83: {  	[sflag:s16] =	ssyncset.done $0x0  }
0x84: {  	[sflag:s16] =	ssyncadd.s32 $0xFFFFC180  }
0x85: {  	[tilespmem:s19], [sflag:$0x2] =	stream.indirect.gather [hbm4b:s4+s17], $0x80, s21, s17, $0xb8;
	[tilespmem:$0x1E800] =	vst v63  }
0x86: {  	_ = 	snop  }
0x87: {  	[spmem:s2] =	stream.indirect.scatter.add.f32 [tilespmem:s18], [sflag:$0x3], $0x80, s22, s17, $0xb8;
	[tilespmem:$0x1E800] =	vst v63  }
0x88: {  	_ =	swait.ge [sflag:s20], $0x3E80  }
0x89: {  	[sflag:s20] =	ssyncset.done $0x0  }
0x8a: {  	[sflag:s20] =	ssyncadd.s32 $0xFFFFC180  }
0x8b: {  	[tilespmem:s18], [sflag:$0x1] =	stream.indirect.gather [hbm4b:s4+s17], $0x80, s21, s17, $0xb8;
	[tilespmem:$0x1E800] =	vst v63  }
0x8c: {  	_ =	swait.ge [sflag:s14], $0x3E80  }
0x8d: {  	[sflag:s14] =	ssyncset.done $0x0  }
0x8e: {  	[sflag:s14] =	ssyncadd.s32 $0xFFFFC180  }
0x8f: {  	[spmem:s2] =	stream.indirect.scatter.add.f32 [tilespmem:s19], [sflag:$0x3], $0x80, s23, s17, $0xb8;
	[tilespmem:$0x1E800] =	vst v63  }
0x90: {  	_ =	swait.ge [sflag:s20], $0x3E80  }
0x91: {  	[sflag:s20] =	ssyncset.done $0x0  }
0x92: {  	[sflag:s20] =	ssyncadd.s32 $0xFFFFC180  }
0x93: {  	_ =	swait.ge [sflag:s16], $0x3E80  }
0x94: {  	s24 =	sadd.s32 $0x1, s24;
	[sflag:s16] =	ssyncset.done $0x0  }
0x95: {  	p0 =	sne.s32 s24, s12;
	[sflag:s16] =	ssyncadd.s32 $0xFFFFC180  }
.Ltmp2:
0x96: {  	[bflag:$0x0] =	sbarrier.arrive $0xFFFF;
	(pc) =	sbr.rel @p0 .LBB2_1-.Ltmp2, $4  }
0x97: {  	[hbm:s11], [sflag:s6] =	dma.local [spmem:s13], $0x2800  }
0x98: {  	_ =	swait.ge [sflag:s16], $0x2800  }
0x99: {  	[sflag:s16] =	ssyncset.done $0x0  }
0x9a: {  	[sflag:s16] =	ssyncadd.s32 $0xFFFFD800  }
0x9b: {  	_ =	sfence.sel $0x180000  }
0x9c: {  	[bflag:$0x0] =	sbarrier.arrive $0xFFFF  }
0x9d: {  	p0 =	sne.s32 s0, $0x0;
	_ =	strace $0x9000004D  }
0x9e: {  	s0 =	sadd.s32 @!p0 $0x100000, s1;
	[bflag:$0x2] =	sbarrier.arrive $0xFFFF  }
0x9f: {  	[sflag:s0] =	ssyncadd.tile.s32 @!p0 $0x1;
	_ =	shalt  }
.Lfunc_end2:
_tile_overlayer_lowered:
.L_overlay_start_2:
0xa0: {  	(tag) =	ssettag $0x2  }
0xa1: {  	s0 =	rddreg [dreg:$0x0];
	s2 =	stileid.u32  }
0xa2: {  	s1 =	rddreg [dreg:$0x1];
	p0 =	sne.s32 s2, $0x0  }
0xa3: {  	s3 =	rddreg [dreg:$0x2];
	[bflag:$0x3] =	sbarrier.arrive $0xFFFF;
	s2 =	simm.s32 @!p0 $0x1C01  }
0xa4: {  	[timem:s3], [sflag:s2] =	dma.local @!p0 [hbm:s0], s1  }
0xa5: {  	s0 =	simm.s32 @!p0 $0x1  }
0xa6: {  	_ =	swait.ge @!p0 [sflag:s0], s1  }
0xa7: {  	s1 =	ssub.s32 @!p0 $0x0, s1;
	[sflag:s0] =	ssyncset.done @!p0 $0x0  }
0xa8: {  	[sflag:s0] =	ssyncadd.s32 @!p0 s1  }
0xa9: {  	[bflag:$0x3] =	sbarrier.arrive $0xFFFF  }
0xaa: {  	_ =	shalt  }

// kernel: kernel.19.cloned.1.call-start
scs
__scs_entry_jumppad:
0x0: {  	(pc) =	sbr.rel $0x88, $3  }
0x1: {  	(tag) =	ssettag $0x0;
	lr =	simm.s32 $0x1  }
0x2: {  	[smem:$0x3F95] =	sst lr;
	_ =	strace $0xD0000000  }
0x3: {  	_ = 	snop  }
0x4: {  	_ = 	snop  }
0x5: {  	_ = 	snop  }
0x6: {  	_ = 	snop  }
0x7: {  	_ = 	snop  }
__scs_overlays_trampoline_lowered:
0x8: {  	[smem:$0x3FA4] =	sst s0  }
0x9: {  	[smem:$0x3FA5] =	sst s1  }
0xa: {  	[smem:$0x3FA6] =	sst s2  }
0xb: {  	[smem:$0x3FA7] =	sst s3  }
0xc: {  	[smem:$0x3FA8] =	sst s4  }
0xd: {  	[smem:$0x3FA9] =	sst s5  }
0xe: {  	[smem:$0x3FAA] =	sst s6  }
0xf: {  	[smem:$0x3FAB] =	sst s7  }
0x10: {  	[smem:$0x3FAC] =	sst s8  }
0x11: {  	[smem:$0x3FAD] =	sst s9;
	s0 =	simm.s32 @!p0 $0x0  }
0x12: {  	s1 =	sld [smem:$0x3F93];
	s0 =	simm.s32 @p0 $0x1  }
0x13: {  	[smem:$0x3FAE] =	sst s0;
	s0 =	simm.s32 @!p1 $0x0  }
0x14: {  	s2 =	sld [smem:$0x3F92];
	s0 =	simm.s32 @p1 $0x1  }
0x15: {  	[smem:$0x3FAF] =	sst s0;
	s0 =	simm.s32 @!p2 $0x0  }
0x16: {  	s3 =	sld [smem:$0x3FDB];
	s0 =	simm.s32 @p2 $0x1  }
0x17: {  	s4 =	simm.s32 $0x1BF5;
	[smem:$0x3FB1] =	sst s0  }
0x18: {  	s0 =	sld [smem:$0x3F94];
	_ =	swait.ge [sflag:s4], $0x0  }
0x19: {  	s7 =	sld [smem:$0x3F95]  }
0x1a: {  	s8 =	sadd.s32 $0xFFFFE003, lr  }
0x1b: {  	s9 =	sadd.s32 $0xFFFFFEF7, lr;
	s5 =	simm.s32 $0xFFFFFFFF;
	p2 =	slt.u32 s8, $0xFFFFF086  }
0x1c: {  	p1 =	slt.u32 s9, $0xF7A;
	s5 =	simm.s32 @!p2 $0x0  }
0x1d: {  	s5 =	simm.s32 @p1 $0x1;
	p0 =	seq.s32 s7, s2  }
0x1e: {  	s7 =	smul.u32 @!p0 $0xF7A, s2;
	p2 =	seq.s32 @!p0 s5, $0x0  }
0x1f: {  	s9 =	smul.u32 $0xF7A, s1;
	s8 =	simm.s32 @!p0 $0x1BF5;
	p2 =	por !p2, p0  }
0x20: {  	[sflag:s8] =	ssyncset.s32 @!p0 $0xFFFFF086;
	s6 =	sadd.s32 @!p0 s3, s7;
	s7 =	simm.s32 @!p0 $0x108  }
0x21: {  	s3 =	sadd.s32 s3, s9;
	s6 =	sadd.s32 @!p0 $0x88, s6;
	s7 =	simm.s32 @p2 $0x1082  }
0x22: {  	[simem:s7], [sflag:s8] =	dma.local @!p0 [hbm:s6], $0xF7A  }
0x23: {  	s9 =	sor.u32 $0xD0000000, s2;
	s6 =	simm.s32 $0x108;
	_ =	swait.ge @!p0 [sflag:s8], $0x0  }
0x24: {  	s3 =	sadd.s32 $0x88, s3;
	s6 =	simm.s32 @!p1 $0x1082;
	[sflag:s4] =	ssyncset.s32 $0xFFFFF086  }
0x25: {  	[simem:s6], [sflag:s4] =	dma.local [hbm:s3], $0xF7A  }
0x26: {  	[smem:$0x3F95] =	sst s1;
	(tag) =	ssettag s2;
	_ =	strace s9  }
0x27: {  	s1 =	sld [smem:$0x3FA5]  }
0x28: {  	s2 =	sld [smem:$0x3FA6]  }
0x29: {  	s4 =	sld [smem:$0x3FA8]  }
0x2a: {  	p0 =	seq.s32 s5, $0x0;
	s5 =	sld [smem:$0x3FA9]  }
0x2b: {  	s6 =	sld [smem:$0x3FAA]  }
0x2c: {  	s7 =	sld [smem:$0x3FAB]  }
0x2d: {  	s3 =	simm.s32 $0x108;
	s8 =	sld [smem:$0x3FAC]  }
0x2e: {  	s3 =	simm.s32 @!p0 $0x1082;
	s9 =	sld [smem:$0x3FAD]  }
0x2f: {  	lr =	sadd.s32 s0, s3;
	s0 =	sld [smem:$0x3FA4]  }
0x30: {  	s3 =	sld [smem:$0x3FA7]  }
0x31: {  	[smem:$0x3FB0] =	sst s10  }
0x32: {  	s10 =	sld [smem:$0x3FAE];
	_ =	sdelay $0x3  }
0x33: {  	p0 =	seq.s32 s10, $0x1;
	s10 =	sld [smem:$0x3FB0];
	_ =	sdelay $0x3  }
0x34: {  	[smem:$0x3FB0] =	sst s10  }
0x35: {  	s10 =	sld [smem:$0x3FAF];
	_ =	sdelay $0x3  }
0x36: {  	p1 =	seq.s32 s10, $0x1;
	s10 =	sld [smem:$0x3FB0];
	_ =	sdelay $0x3  }
0x37: {  	[smem:$0x3FB0] =	sst s10  }
0x38: {  	s10 =	sld [smem:$0x3FB1]  }
0x39: {  	_ = 	snop;
	(pc) =	sbr.ind lr, $3  }
0x3a: {  	_ = 	snop  }
0x3b: {  	_ = 	snop  }
0x3c: {  	p2 =	seq.s32 s10, $0x1;
	s10 =	sld [smem:$0x3FB0]  }
0x3d: {  	_ =	shalt  }
0x3e: {  	_ =	shalt  }
0x3f: {  	_ =	shalt  }
0x40: {  	_ =	shalt  }
0x41: {  	_ =	shalt  }
0x42: {  	_ =	shalt  }
0x43: {  	_ =	shalt  }
0x44: {  	_ =	shalt  }
0x45: {  	_ =	shalt  }
0x46: {  	_ =	shalt  }
0x47: {  	_ =	shalt  }
0x48: {  	_ =	shalt  }
0x49: {  	_ =	shalt  }
0x4a: {  	_ =	shalt  }
0x4b: {  	_ =	shalt  }
0x4c: {  	_ =	shalt  }
0x4d: {  	_ =	shalt  }
0x4e: {  	_ =	shalt  }
0x4f: {  	_ =	shalt  }
0x50: {  	_ =	shalt  }
0x51: {  	_ =	shalt  }
0x52: {  	_ =	shalt  }
0x53: {  	_ =	shalt  }
0x54: {  	_ =	shalt  }
0x55: {  	_ =	shalt  }
0x56: {  	_ =	shalt  }
0x57: {  	_ =	shalt  }
0x58: {  	_ =	shalt  }
0x59: {  	_ =	shalt  }
0x5a: {  	_ =	shalt  }
0x5b: {  	_ =	shalt  }
0x5c: {  	_ =	shalt  }
0x5d: {  	_ =	shalt  }
0x5e: {  	_ =	shalt  }
0x5f: {  	_ =	shalt  }
0x60: {  	_ =	shalt  }
0x61: {  	_ =	shalt  }
0x62: {  	_ =	shalt  }
0x63: {  	_ =	shalt  }
0x64: {  	_ =	shalt  }
0x65: {  	_ =	shalt  }
0x66: {  	_ =	shalt  }
0x67: {  	_ =	shalt  }
0x68: {  	_ =	shalt  }
0x69: {  	_ =	shalt  }
0x6a: {  	_ =	shalt  }
0x6b: {  	_ =	shalt  }
0x6c: {  	_ =	shalt  }
0x6d: {  	_ =	shalt  }
0x6e: {  	_ =	shalt  }
0x6f: {  	_ =	shalt  }
0x70: {  	_ =	shalt  }
0x71: {  	_ =	shalt  }
0x72: {  	_ =	shalt  }
0x73: {  	_ =	shalt  }
0x74: {  	_ =	shalt  }
0x75: {  	_ =	shalt  }
0x76: {  	_ =	shalt  }
0x77: {  	_ =	shalt  }
0x78: {  	_ =	shalt  }
0x79: {  	_ =	shalt  }
0x7a: {  	_ =	shalt  }
0x7b: {  	_ =	shalt  }
0x7c: {  	_ =	shalt  }
0x7d: {  	_ =	shalt  }
0x7e: {  	_ =	shalt  }
0x7f: {  	_ =	shalt  }
0x80: {  	_ =	shalt  }
0x81: {  	_ =	shalt  }
0x82: {  	_ =	shalt  }
0x83: {  	_ =	shalt  }
0x84: {  	_ =	shalt  }
0x85: {  	_ =	shalt  }
0x86: {  	_ =	shalt  }
0x87: {  	_ =	shalt  }
.Lfunc_end0:
.L_simem_size_0:
called_computation.3_lowered:
.L_overlay_start_0:
0x88: {  	s2 =	sld [smem:$0x3FD9]  }
0x89: {  	s3 =	sld [smem:$0x3FFE];
	_ =	sdelay $0x1  }
0x8a: {  	s1 =	srdreg.scid  }
0x8b: {  	s0 =	sand.u32 $0x1, s1  }
0x8c: {  	s16 =	sshll.u32 s0, $0xA;
	s2 =	sadd.s32 s3, s2  }
0x8d: {  	s2 =	sadd.s32 s2, s16  }
0x8e: {  	[smem:$0x3FBC] =	sst s2  }
0x8f: {  	_ = 	snop  }
0x90: {  	(tm) =	ssettm $0x1  }
0x91: {  	s17 =	sld [smem:$0x3FFB];
	_ =	sdelay $0x3  }
0x92: {  	_ =	strace s17  }
0x93: {  	s2 =	sld [smem:$0x3FFC];
	_ =	sdelay $0x3  }
0x94: {  	_ =	strace s2  }
0x95: {  	s2 =	sld [smem:$0x3FFD];
	_ =	sdelay $0x3  }
0x96: {  	_ =	strace s2  }
0x97: {  	_ =	strace $0x8FFFFFFF  }
0x98: {  	s18 =	sld [smem:$0x3FDB];
	_ =	sdelay $0x1  }
0x99: {  	s19 =	simm.s32 $_scs_section_size  }
0x9a: {  	s4 =	simm.s32 $_size__tile_overlayer_lowered;
	s5 =	simm.s32 $_tile_overlayer_lowered  }
0x9b: {  	s22 =	simm.s32 $0x1BFF;
	s21 =	sshll.u32 s5, $0x1;
	s2 =	sadd.s32 s19, s18  }
0x9c: {  	s6 =	simm.s32 $0x0;
	s20 =	sshll.u32 s4, $0x1;
	s4 =	sadd.s32 s21, s2  }
0x9d: {  	[timem:s6], [sflag:s22] =	dma.local [hbm:s4], s20  }
0x9e: {  	_ =	swait.ge [sflag:s22], s20  }
0x9f: {  	s3 =	ssub.s32 $0x0, s20;
	[sflag:s22] =	ssyncset.done $0x0  }
0xa0: {  	[sflag:s22] =	ssyncadd.s32 s3;
	_ =	sdelay $0x1  }
0xa1: {  	s23 =	simm.s32 $0x1B8B  }
0xa2: {  	_ =	swait.ge [sflag:s23], $0x1  }
0xa3: {  	[sflag:s23] =	ssyncset.done $0x0  }
0xa4: {  	s25 =	simm.s32 $0x1B8E;
	s24 =	sld [smem:$0x3FFE];
	[sflag:s23] =	ssyncadd.s32 $0xFFFFFFFF  }
0xa5: {  	s26 =	simm.s32 $execute0_lowered;
	[smem:$0x3FD2] =	sst s25  }
0xa6: {  	s4 =	sshll.u32 s26, $0x1;
	_ =	strace $0x8000004F;
	[dreg:$0x1] =	wrdreg $0xFFFFFFFF  }
0xa7: {  	s28 =	simm.s32 $_size_execute0_lowered;
	s2 =	sadd.s32 s2, s4;
	[dreg:$0x0] =	wrdreg $0x0  }
0xa8: {  	s4 =	sshll.u32 s28, $0x1;
	[dreg:$0x2] =	wrdreg s2  }
0xa9: {  	[dreg:$0x3] =	wrdreg s4  }
0xaa: {  	[dreg:$0x4] =	wrdreg $0xC0  }
0xab: {  	_ =	task [dreg:s6], $0x5FFFF  }
0xac: {  	[dreg:$0x1] =	wrdreg $0xFFFFFFFF  }
0xad: {  	[dreg:$0x0] =	wrdreg $0x60  }
0xae: {  	[dreg:$0x2] =	wrdreg s24  }
0xaf: {  	[dreg:$0x3] =	wrdreg $0xA8000  }
0xb0: {  	[dreg:$0x4] =	wrdreg $0x9  }
0xb1: {  	_ =	task.clear_ibuf [dreg:s6], $0x5FFFF;
	_ =	strace $0x9000004F  }
0xb2: {  	s29 =	simm.s32 $0x9;
	_ =	strace $0x80000051  }
0xb3: {  	_ =	swait.ge [sflag:s29], $0x1  }
0xb4: {  	[sflag:s29] =	ssyncadd.s32 $0xFFFFFFFF  }
0xb5: {  	_ =	strace $0x90000051  }
0xb6: {  	_ =	sfence  }
0xb7: {  	s30 =	sld [smem:$0x0];
	_ =	sdelay $0x2  }
0xb8: {  	s31 =	sshll.u32 s1, $0xD;
	s1 =	sshrl.u32 s1, $0x2  }
0xb9: {  	s3 =	sand.u32 $0x4000, s31;
	s1 =	sadd.s32 s1, s30  }
0xba: {  	s0 =	sor.u32 s3, s0;
	s1 =	sshll.u32 s1, $0x11  }
0xbb: {  	s0 =	sor.u32 s1, s0  }
0xbc: {  	s0 =	sadd.s32 $0x8F2B, s0  }
0xbd: {  	[sflag:s0] =	ssyncadd.remote.s32 $0x1  }
0xbe: {  	_ =	sfence.sel $0xFFFF  }
0xbf: {  	[dreg:$0x0] =	wrdreg $0xFFFFFFFF;
	(pc) =	sbr.abs _section_cstart, $3  }
0xc0: {  	[dreg:$0x1] =	wrdreg $0xFFFFFFFF  }
0xc1: {  	_ =	task.clear_ibuf [dreg:s6], $0x2FFFF;
	_ =	strace $0x9FFFFFFF  }
0xc2: {  	(tm) =	ssettm $0x7FFFFFFF  }
0xc3: {  	_ =	shalt  }
tec
execute0_lowered:
.L_overlay_start_1:
0x0: {  	(tag) =	ssettag $0x1  }
0x1: {  	s1 =	srdreg.scid;
	s5 =	rddreg [dreg:$0x0]  }
0x2: {  	s0 =	stileid.u32;
	s2 =	rddreg [dreg:$0x1]  }
0x3: {  	s3 =	simm.s32 $0x0;
	s15 =	simm.s32 $0x1400;
	s16 =	simm.s32 $0x1  }
0x4: {  	s17 =	simm.s32 $0x7D;
	s18 =	simm.s32 $0x2800;
	s19 =	simm.s32 $0x6800  }
0x5: {  	s20 =	simm.s32 $0x3;
	s21 =	simm.s32 $0x1380;
	s22 =	simm.s32 $0x2700  }
0x6: {  	s23 =	simm.s32 $0x2780;
	s24 =	simm.s32 $0x0;
	s7 =	smul.u32 $0x2800, s0  }
0x7: {  	s6 =	sand.u32 $0x1, s1;
	s1 =	rddreg [dreg:$0x2];
	s11 =	smul.u32 $0x50000, s0  }
0x8: {  	[smem:$0x7FF] =	sst s3;
	s31 =	sshll.u32 s0, $0x6;
	s4 =	smul.u32 $0x28000, s6  }
0x9: {  	_ =	strace $0x80000050;
	s6 =	ssub.s32 $0x2, s6;
	s10 =	sshrl.u32 s7, $0x3  }
0xa: {  	s29 =	sshrl.u32 s6, $0x1;
	s30 =	sshrl.u32 s11, $0x2;
	s8 =	sadd.s32 s7, s4  }
0xb: {  	s4 =	sadd.s32 $0x7F400, s5;
	s10 =	sadd.s32 s10, s5;
	s7 =	sadd.s32 s7, s5  }
0xc: {  	s13 =	ssub.s32 s6, s29;
	s14 =	sadd.s32 s30, s2;
	s6 =	sor.u32 $0x1C01, s31  }
0xd: {  	s9 =	sshrl.u32 s8, $0x3;
	s12 =	sadd.s32 s8, s5;
	s8 =	sadd.s32 $0x4200, s10  }
0xe: {  	s10 =	sadd.s32 $0x4480, s10;
	s9 =	sadd.s32 s9, s5;
	s5 =	sadd.s32 $0x57400, s7  }
0xf: {  	s11 =	sadd.s32 $0xD9400, s12;
	s12 =	smax.u32 s13, $0x1;
	s13 =	sshrl.u32 s14, $0x3  }
0x10: {  	s14 =	simm.s32 $0x2;
	s7 =	sadd.s32 $0xCF400, s9;
	s9 =	sadd.s32 $0xCF680, s9  }
.LBB2_1:
0x11: {  	[spmem:s13], [sflag:s6] =	dma.local [hbm:s5], $0x2800  }
0x12: {  	[tilespmem:s3], [sflag:$0x2] =	stream.linear.gather [hbm4b:s7+s3], $0x1400, $0x38;
	[tilespmem:$0x1E800] =	vst v63  }
0x13: {  	_ =	swait.ge [sflag:s14], $0x1400  }
0x14: {  	[sflag:s14] =	ssyncset.done $0x0  }
0x15: {  	[sflag:s14] =	ssyncadd.s32 $0xFFFFEC00  }
0x16: {  	[tilespmem:s15], [sflag:$0x2] =	stream.linear.gather [hbm4b:s8+s3], $0x1400, $0x38;
	[tilespmem:$0x1E800] =	vst v63  }
0x17: {  	_ =	swait.ge [sflag:s14], $0x1400  }
0x18: {  	[sflag:s14] =	ssyncset.done $0x0  }
0x19: {  	[sflag:s14] =	ssyncadd.s32 $0xFFFFEC00  }
0x1a: {  	_ =	swait.ge [sflag:s16], $0x2800  }
0x1b: {  	[sflag:s16] =	ssyncset.done $0x0  }
0x1c: {  	[sflag:s16] =	ssyncadd.s32 $0xFFFFD800  }
0x1d: {  	[bflag:$0x0] =	sbarrier.arrive $0xFFFF  }
0x1e: {  	[tilespmem:s18], [sflag:$0x1] =	stream.indirect.gather [hbm4b:s4+s17], $0x80, s3, s17, $0xb8;
	[tilespmem:$0x1E800] =	vst v63  }
0x1f: {  	_ =	swait.ge [sflag:s16], $0x3E80  }
0x20: {  	[sflag:s16] =	ssyncset.done $0x0  }
0x21: {  	s25 =	simm.s32 $0x80;
	[sflag:s16] =	ssyncadd.s32 $0xFFFFC180  }
0x22: {  	[tilespmem:s19], [sflag:$0x2] =	stream.indirect.gather [hbm4b:s4+s17], $0x80, s25, s17, $0xb8;
	[tilespmem:$0x1E800] =	vst v63  }
0x23: {  	s29 =	simm.s32 $0x1400  }
0x24: {  	[spmem:s2] =	stream.indirect.scatter.add.f32 [tilespmem:s18], [sflag:$0x3], $0x80, s29, s17, $0xb8;
	[tilespmem:$0x1E800] =	vst v63  }
0x25: {  	_ =	swait.ge [sflag:s20], $0x3E80  }
0x26: {  	[sflag:s20] =	ssyncset.done $0x0  }
0x27: {  	s30 =	simm.s32 $0x100;
	[sflag:s20] =	ssyncadd.s32 $0xFFFFC180  }
0x28: {  	[tilespmem:s18], [sflag:$0x1] =	stream.indirect.gather [hbm4b:s4+s17], $0x80, s30, s17, $0xb8;
	[tilespmem:$0x1E800] =	vst v63  }
0x29: {  	_ =	swait.ge [sflag:s14], $0x3E80  }
0x2a: {  	[sflag:s14] =	ssyncset.done $0x0  }
0x2b: {  	s31 =	simm.s32 $0x1480;
	[sflag:s14] =	ssyncadd.s32 $0xFFFFC180  }
0x2c: {  	[spmem:s2] =	stream.indirect.scatter.add.f32 [tilespmem:s19], [sflag:$0x3], $0x80, s31, s17, $0xb8;
	[tilespmem:$0x1E800] =	vst v63  }
0x2d: {  	_ =	swait.ge [sflag:s20], $0x3E80  }
0x2e: {  	s25 =	simm.s32 $0x400;
	[sflag:s20] =	ssyncset.done $0x0  }
.LBB2_2:
0x2f: {  	p0 =	sne.s32 s25, $0x4800  }
0x30: {  	[sflag:s20] =	ssyncadd.s32 $0xFFFFC180;
	s26 =	smov.u32 s25;
	s25 =	sadd.s32 $0x400, s25  }
0x31: {  	_ =	swait.ge [sflag:s16], $0x3E80  }
0x32: {  	s26 =	sshra.s32 s26, $0x2;
	[sflag:s16] =	ssyncset.done $0x0  }
0x33: {  	s28 =	sadd.s32 $0x80, s26;
	[sflag:s16] =	ssyncadd.s32 $0xFFFFC180  }
0x34: {  	[tilespmem:s19], [sflag:$0x2] =	stream.indirect.gather [hbm4b:s4+s17], $0x80, s28, s17, $0xb8;
	[tilespmem:$0x1E800] =	vst v63  }
0x35: {  	s28 =	sadd.s32 $0x1400, s26  }
0x36: {  	[spmem:s2] =	stream.indirect.scatter.add.f32 [tilespmem:s18], [sflag:$0x3], $0x80, s28, s17, $0xb8;
	[tilespmem:$0x1E800] =	vst v63  }
0x37: {  	_ =	swait.ge [sflag:s20], $0x3E80  }
0x38: {  	[sflag:s20] =	ssyncset.done $0x0  }
0x39: {  	s28 =	sadd.s32 $0x100, s26;
	[sflag:s20] =	ssyncadd.s32 $0xFFFFC180  }
0x3a: {  	[tilespmem:s18], [sflag:$0x1] =	stream.indirect.gather [hbm4b:s4+s17], $0x80, s28, s17, $0xb8;
	[tilespmem:$0x1E800] =	vst v63  }
0x3b: {  	_ =	swait.ge [sflag:s14], $0x3E80  }
.Ltmp0:
0x3c: {  	[sflag:s14] =	ssyncset.done $0x0;
	(pc) =	sbr.rel @p0 .LBB2_2-.Ltmp0, $4  }
0x3d: {  	s26 =	sadd.s32 $0x1480, s26;
	[sflag:s14] =	ssyncadd.s32 $0xFFFFC180  }
0x3e: {  	[spmem:s2] =	stream.indirect.scatter.add.f32 [tilespmem:s19], [sflag:$0x3], $0x80, s26, s17, $0xb8;
	[tilespmem:$0x1E800] =	vst v63  }
0x3f: {  	_ =	swait.ge [sflag:s20], $0x3E80  }
0x40: {  	[sflag:s20] =	ssyncset.done $0x0  }
0x41: {  	[sflag:s20] =	ssyncadd.s32 $0xFFFFC180  }
0x42: {  	_ =	swait.ge [sflag:s16], $0x3E80  }
0x43: {  	[sflag:s16] =	ssyncset.done $0x0  }
0x44: {  	[sflag:s16] =	ssyncadd.s32 $0xFFFFC180  }
0x45: {  	[tilespmem:s19], [sflag:$0x2] =	stream.indirect.gather [hbm4b:s4+s17], $0x80, s21, s17, $0xb8;
	[tilespmem:$0x1E800] =	vst v63  }
0x46: {  	_ = 	snop  }
0x47: {  	[spmem:s2] =	stream.indirect.scatter.add.f32 [tilespmem:s18], [sflag:$0x3], $0x80, s22, s17, $0xb8;
	[tilespmem:$0x1E800] =	vst v63  }
0x48: {  	_ =	swait.ge [sflag:s20], $0x3E80  }
0x49: {  	[sflag:s20] =	ssyncset.done $0x0  }
0x4a: {  	[sflag:s20] =	ssyncadd.s32 $0xFFFFC180  }
0x4b: {  	[tilespmem:s18], [sflag:$0x1] =	stream.indirect.gather [hbm4b:s4+s17], $0x80, s21, s17, $0xb8;
	[tilespmem:$0x1E800] =	vst v63  }
0x4c: {  	_ =	swait.ge [sflag:s14], $0x3E80  }
0x4d: {  	[sflag:s14] =	ssyncset.done $0x0  }
0x4e: {  	[sflag:s14] =	ssyncadd.s32 $0xFFFFC180  }
0x4f: {  	[spmem:s2] =	stream.indirect.scatter.add.f32 [tilespmem:s19], [sflag:$0x3], $0x80, s23, s17, $0xb8;
	[tilespmem:$0x1E800] =	vst v63  }
0x50: {  	_ =	swait.ge [sflag:s20], $0x3E80  }
0x51: {  	[sflag:s20] =	ssyncset.done $0x0  }
0x52: {  	[sflag:s20] =	ssyncadd.s32 $0xFFFFC180  }
0x53: {  	_ =	swait.ge [sflag:s16], $0x3E80  }
0x54: {  	[sflag:s16] =	ssyncset.done $0x0  }
0x55: {  	s25 =	simm.s32 $0x0;
	[sflag:s16] =	ssyncadd.s32 $0xFFFFC180  }
0x56: {  	[tilespmem:s25], [sflag:$0x3] =	stream.linear.gather [hbm4b:s9+s25], $0x1400, $0x38;
	[tilespmem:$0x1E800] =	vst v63  }
0x57: {  	_ =	swait.ge [sflag:s20], $0x1400  }
0x58: {  	[sflag:s20] =	ssyncset.done $0x0  }
0x59: {  	[sflag:s20] =	ssyncadd.s32 $0xFFFFEC00  }
0x5a: {  	[tilespmem:s15], [sflag:$0x3] =	stream.linear.gather [hbm4b:s10+s25], $0x1400, $0x38;
	[tilespmem:$0x1E800] =	vst v63  }
0x5b: {  	_ =	swait.ge [sflag:s20], $0x1400  }
0x5c: {  	[sflag:s20] =	ssyncset.done $0x0  }
0x5d: {  	[sflag:s20] =	ssyncadd.s32 $0xFFFFEC00  }
0x5e: {  	[tilespmem:s18], [sflag:$0x1] =	stream.indirect.gather [hbm4b:s4+s17], $0x80, s25, s17, $0xb8;
	[tilespmem:$0x1E800] =	vst v63  }
0x5f: {  	_ =	swait.ge [sflag:s16], $0x3E80  }
0x60: {  	[sflag:s16] =	ssyncset.done $0x0  }
0x61: {  	s28 =	simm.s32 $0x80;
	[sflag:s16] =	ssyncadd.s32 $0xFFFFC180  }
0x62: {  	[tilespmem:s19], [sflag:$0x2] =	stream.indirect.gather [hbm4b:s4+s17], $0x80, s28, s17, $0xb8;
	[tilespmem:$0x1E800] =	vst v63  }
0x63: {  	s29 =	simm.s32 $0x1400  }
0x64: {  	[spmem:s2] =	stream.indirect.scatter.add.f32 [tilespmem:s18], [sflag:$0x3], $0x80, s29, s17, $0xb8;
	[tilespmem:$0x1E800] =	vst v63  }
0x65: {  	_ =	swait.ge [sflag:s20], $0x3E80  }
0x66: {  	[sflag:s20] =	ssyncset.done $0x0  }
0x67: {  	s30 =	simm.s32 $0x100;
	[sflag:s20] =	ssyncadd.s32 $0xFFFFC180  }
0x68: {  	[tilespmem:s18], [sflag:$0x1] =	stream.indirect.gather [hbm4b:s4+s17], $0x80, s30, s17, $0xb8;
	[tilespmem:$0x1E800] =	vst v63  }
0x69: {  	_ =	swait.ge [sflag:s14], $0x3E80  }
0x6a: {  	[sflag:s14] =	ssyncset.done $0x0  }
0x6b: {  	s31 =	simm.s32 $0x1480;
	[sflag:s14] =	ssyncadd.s32 $0xFFFFC180  }
0x6c: {  	[spmem:s2] =	stream.indirect.scatter.add.f32 [tilespmem:s19], [sflag:$0x3], $0x80, s31, s17, $0xb8;
	[tilespmem:$0x1E800] =	vst v63  }
0x6d: {  	_ =	swait.ge [sflag:s20], $0x3E80  }
0x6e: {  	s25 =	simm.s32 $0x400;
	[sflag:s20] =	ssyncset.done $0x0  }
.LBB2_4:
0x6f: {  	p0 =	sne.s32 s25, $0x4800  }
0x70: {  	[sflag:s20] =	ssyncadd.s32 $0xFFFFC180;
	s26 =	smov.u32 s25;
	s25 =	sadd.s32 $0x400, s25  }
0x71: {  	_ =	swait.ge [sflag:s16], $0x3E80  }
0x72: {  	s26 =	sshra.s32 s26, $0x2;
	[sflag:s16] =	ssyncset.done $0x0  }
0x73: {  	s28 =	sadd.s32 $0x80, s26;
	[sflag:s16] =	ssyncadd.s32 $0xFFFFC180  }
0x74: {  	[tilespmem:s19], [sflag:$0x2] =	stream.indirect.gather [hbm4b:s4+s17], $0x80, s28, s17, $0xb8;
	[tilespmem:$0x1E800] =	vst v63  }
0x75: {  	s28 =	sadd.s32 $0x1400, s26  }
0x76: {  	[spmem:s2] =	stream.indirect.scatter.add.f32 [tilespmem:s18], [sflag:$0x3], $0x80, s28, s17, $0xb8;
	[tilespmem:$0x1E800] =	vst v63  }
0x77: {  	_ =	swait.ge [sflag:s20], $0x3E80  }
0x78: {  	[sflag:s20] =	ssyncset.done $0x0  }
0x79: {  	s28 =	sadd.s32 $0x100, s26;
	[sflag:s20] =	ssyncadd.s32 $0xFFFFC180  }
0x7a: {  	[tilespmem:s18], [sflag:$0x1] =	stream.indirect.gather [hbm4b:s4+s17], $0x80, s28, s17, $0xb8;
	[tilespmem:$0x1E800] =	vst v63  }
0x7b: {  	_ =	swait.ge [sflag:s14], $0x3E80  }
.Ltmp1:
0x7c: {  	[sflag:s14] =	ssyncset.done $0x0;
	(pc) =	sbr.rel @p0 .LBB2_4-.Ltmp1, $4  }
0x7d: {  	s26 =	sadd.s32 $0x1480, s26;
	[sflag:s14] =	ssyncadd.s32 $0xFFFFC180  }
0x7e: {  	[spmem:s2] =	stream.indirect.scatter.add.f32 [tilespmem:s19], [sflag:$0x3], $0x80, s26, s17, $0xb8;
	[tilespmem:$0x1E800] =	vst v63  }
0x7f: {  	_ =	swait.ge [sflag:s20], $0x3E80  }
0x80: {  	[sflag:s20] =	ssyncset.done $0x0  }
0x81: {  	[sflag:s20] =	ssyncadd.s32 $0xFFFFC180  }
0x82: {  	_ =	swait.ge [sflag:s16], $0x3E80  }
0x83: {  	[sflag:s16] =	ssyncset.done $0x0  }
0x84: {  	[sflag:s16] =	ssyncadd.s32 $0xFFFFC180  }
0x85: {  	[tilespmem:s19], [sflag:$0x2] =	stream.indirect.gather [hbm4b:s4+s17], $0x80, s21, s17, $0xb8;
	[tilespmem:$0x1E800] =	vst v63  }
0x86: {  	_ = 	snop  }
0x87: {  	[spmem:s2] =	stream.indirect.scatter.add.f32 [tilespmem:s18], [sflag:$0x3], $0x80, s22, s17, $0xb8;
	[tilespmem:$0x1E800] =	vst v63  }
0x88: {  	_ =	swait.ge [sflag:s20], $0x3E80  }
0x89: {  	[sflag:s20] =	ssyncset.done $0x0  }
0x8a: {  	[sflag:s20] =	ssyncadd.s32 $0xFFFFC180  }
0x8b: {  	[tilespmem:s18], [sflag:$0x1] =	stream.indirect.gather [hbm4b:s4+s17], $0x80, s21, s17, $0xb8;
	[tilespmem:$0x1E800] =	vst v63  }
0x8c: {  	_ =	swait.ge [sflag:s14], $0x3E80  }
0x8d: {  	[sflag:s14] =	ssyncset.done $0x0  }
0x8e: {  	[sflag:s14] =	ssyncadd.s32 $0xFFFFC180  }
0x8f: {  	[spmem:s2] =	stream.indirect.scatter.add.f32 [tilespmem:s19], [sflag:$0x3], $0x80, s23, s17, $0xb8;
	[tilespmem:$0x1E800] =	vst v63  }
0x90: {  	_ =	swait.ge [sflag:s20], $0x3E80  }
0x91: {  	[sflag:s20] =	ssyncset.done $0x0  }
0x92: {  	[sflag:s20] =	ssyncadd.s32 $0xFFFFC180  }
0x93: {  	_ =	swait.ge [sflag:s16], $0x3E80  }
0x94: {  	s24 =	sadd.s32 $0x1, s24;
	[sflag:s16] =	ssyncset.done $0x0  }
0x95: {  	p0 =	sne.s32 s24, s12;
	[sflag:s16] =	ssyncadd.s32 $0xFFFFC180  }
.Ltmp2:
0x96: {  	[bflag:$0x0] =	sbarrier.arrive $0xFFFF;
	(pc) =	sbr.rel @p0 .LBB2_1-.Ltmp2, $4  }
0x97: {  	[hbm:s11], [sflag:s6] =	dma.local [spmem:s13], $0x2800  }
0x98: {  	_ =	swait.ge [sflag:s16], $0x2800  }
0x99: {  	[sflag:s16] =	ssyncset.done $0x0  }
0x9a: {  	[sflag:s16] =	ssyncadd.s32 $0xFFFFD800  }
0x9b: {  	_ =	sfence.sel $0x180000  }
0x9c: {  	[bflag:$0x0] =	sbarrier.arrive $0xFFFF  }
0x9d: {  	p0 =	sne.s32 s0, $0x0;
	_ =	strace $0x90000050  }
0x9e: {  	s0 =	sadd.s32 @!p0 $0x100000, s1;
	[bflag:$0x2] =	sbarrier.arrive $0xFFFF  }
0x9f: {  	[sflag:s0] =	ssyncadd.tile.s32 @!p0 $0x1;
	_ =	shalt  }
.Lfunc_end2:
_tile_overlayer_lowered:
.L_overlay_start_2:
0xa0: {  	(tag) =	ssettag $0x2  }
0xa1: {  	s0 =	rddreg [dreg:$0x0];
	s2 =	stileid.u32  }
0xa2: {  	s1 =	rddreg [dreg:$0x1];
	p0 =	sne.s32 s2, $0x0  }
0xa3: {  	s3 =	rddreg [dreg:$0x2];
	[bflag:$0x3] =	sbarrier.arrive $0xFFFF;
	s2 =	simm.s32 @!p0 $0x1C01  }
0xa4: {  	[timem:s3], [sflag:s2] =	dma.local @!p0 [hbm:s0], s1  }
0xa5: {  	s0 =	simm.s32 @!p0 $0x1  }
0xa6: {  	_ =	swait.ge @!p0 [sflag:s0], s1  }
0xa7: {  	s1 =	ssub.s32 @!p0 $0x0, s1;
	[sflag:s0] =	ssyncset.done @!p0 $0x0  }
0xa8: {  	[sflag:s0] =	ssyncadd.s32 @!p0 s1  }
0xa9: {  	[bflag:$0x3] =	sbarrier.arrive $0xFFFF  }
0xaa: {  	_ =	shalt  }

</sc_bundles>
